<compile_context>
chip_gen: v7x
topology: tpu7x:2x2x1
jax: 0.10.2.dev20260603
libtpu: 0.0.44.dev20260713+nightly
codegen_flags: <defaults>
</compile_context>

<pallas_src>
import functools

import jax
import jax.numpy as jnp
from jax import lax
from jax.experimental import pallas as pl
from jax.experimental.pallas import tpu as pltpu
from jax.experimental.pallas import tpu_sc as plsc

VOCAB = 100000
D = 64
L = 200
B = 4096

NC = 2
NS = 16
NW = NC * NS
BPW = B // NW
C0 = 104
C1 = L - C0
NSLOT = 4


def _body(x_hbm, table_hbm, pe_hbm, out_hbm, idx_v, pe_v, buf_v, gsem, ssem):
    wid = lax.axis_index("s") * NC + lax.axis_index("c")
    row0 = wid * BPW

    pltpu.sync_copy(pe_hbm, pe_v)
    pltpu.sync_copy(x_hbm.at[pl.ds(row0 * L, BPW * L)], idx_v)

    def start_gather(g, k):
        pltpu.async_copy(
            table_hbm.at[idx_v.at[pl.ds(g * L, C0)]],
            buf_v.at[k, pl.ds(0, C0)], gsem)
        pltpu.async_copy(
            table_hbm.at[idx_v.at[pl.ds(g * L + C0, C1)]],
            buf_v.at[k, pl.ds(C0, C1)], gsem)

    def wait_gather(k):
        pltpu.make_async_copy(
            out_hbm.at[pl.ds(0, L)], buf_v.at[k], gsem).wait()

    def start_scatter(g, k):
        pltpu.async_copy(
            buf_v.at[k], out_hbm.at[pl.ds((row0 + g) * L, L)], ssem)

    def wait_scatter(k):
        pltpu.make_async_copy(
            buf_v.at[k], out_hbm.at[pl.ds(0, L)], ssem).wait()

    def add_pe(k):
        def add_body(r4, carry):
            for u in range(4):
                r = r4 * 4 + u
                for c in range(D // 16):
                    sl = pl.ds(c * 16, 16)
                    buf_v[k, r, sl] = buf_v[k, r, sl] + pe_v[r, sl]
            return carry

        lax.fori_loop(0, L // 4, add_body, 0)

    start_gather(0, 0)
    start_gather(1, 1)

    def outer_body(g4, carry):
        for k in range(NSLOT):
            g = g4 * NSLOT + k
            if k < 2:
                @pl.when(g4 > 0)
                def _():
                    wait_scatter((k + 2) % NSLOT)
                @pl.when(g4 > 0)
                def _():
                    start_gather(g + 2, (k + 2) % NSLOT)
                @pl.when(g4 == 0)
                def _():
                    start_gather(g + 2, (k + 2) % NSLOT)
            else:
                wait_scatter((k + 2) % NSLOT)

                @pl.when(g4 < (BPW // NSLOT) - 1)
                def _():
                    start_gather(g + 2, (k + 2) % NSLOT)
            wait_gather(k)
            add_pe(k)
            start_scatter(g, k)
        return carry

    lax.fori_loop(0, BPW // NSLOT, outer_body, 0)

    wait_scatter((BPW - 2) % NSLOT)
    wait_scatter((BPW - 1) % NSLOT)


@jax.jit
def _run(x, table, pe):
    mesh = plsc.VectorSubcoreMesh(core_axis_name="c", subcore_axis_name="s")
    kfn = functools.partial(
        pl.kernel,
        mesh=mesh,
        compiler_params=pltpu.CompilerParams(use_tc_tiling_on_sc=False),
        out_type=jax.ShapeDtypeStruct((B * L, D), jnp.float32),
        scratch_types=[
            pltpu.VMEM((BPW * L,), jnp.int32),
            pltpu.VMEM((L, D), jnp.float32),
            pltpu.VMEM((NSLOT, L, D), jnp.float32),
            pltpu.SemaphoreType.DMA,
            pltpu.SemaphoreType.DMA,
        ],
    )(_body)
    return kfn(x.reshape(B * L), table, pe)


def kernel(x, embed_weight, pe):
    out = _run(x, embed_weight, pe)
    return out.reshape(B, L, D)

# --- scband reference (transcript-rebuilt; emitter-appended) ---
"""Pipeline reference for scband-position-embedding-90718299226251 (READ-ONLY COPY).

The authoritative reference and input builder live on the scoring server;
editing this copy changes nothing except your own understanding.
"""

import jax, jax.numpy as jnp
import numpy as np
import math

VOCAB = 100000
D_MODEL = 64
MAX_LEN = 200
B = 4096
L = 200

def _make_pe():
    position = np.arange(MAX_LEN, dtype=np.float32)[:, None]
    div_term = np.exp(np.arange(0, D_MODEL, 2).astype(np.float32) * (-math.log(10000.0) / D_MODEL))
    pe = np.zeros((MAX_LEN, D_MODEL), dtype=np.float32)
    pe[:, 0::2] = np.sin(position * div_term)
    if D_MODEL % 2 == 1:
        pe[:, 1::2] = np.cos(position * div_term[:-1])
    else:
        pe[:, 1::2] = np.cos(position * div_term)
    return jnp.asarray(pe)

def setup_inputs(seed: int = 0) -> dict:
    key = jax.random.key(seed)
    k1, k2 = jax.random.split(key)
    x = jax.random.randint(k1, (B, L), 0, VOCAB, dtype=jnp.int32)
    # nn.Embedding weight initialized with normal(0, 0.1)
    embed_weight = 0.1 * jax.random.normal(k2, (VOCAB, D_MODEL), dtype=jnp.float32)
    pe = _make_pe()
    return {"x": x, "embed_weight": embed_weight, "pe": pe}

def reference(x, embed_weight, pe):
    # emb = self.embed(x)
    emb = jnp.take(embed_weight, x, axis=0)  # [B, L, D]
    # emb = emb + self.pe[:, :L, :]
    Lcur = x.shape[1]
    emb = emb + pe[None, :Lcur, :]
    # dropout with p=0.0 is identity
    return emb

if __name__ == "__main__":
    import jax
    _d = setup_inputs()
    print(jax.jit(kernel)(*tuple(_d.values())))

</pallas_src>

<mosaic_0001>
#map = affine_map<(d0, d1) -> (0)>
#map1 = affine_map<(d0, d1) -> (0, 0)>
module attributes {stable_mosaic.version = 14 : i64} {
  func.func @_body(%arg0: i32, %arg1: i32, %arg2: memref<819200xi32, #tpu.memory_space<hbm>>, %arg3: memref<100000x64xf32, #tpu.memory_space<hbm>>, %arg4: memref<200x64xf32, #tpu.memory_space<hbm>>, %arg5: memref<819200x64xf32, #tpu.memory_space<hbm>>, %arg6: memref<25600xi32, #tpu.memory_space<vmem>>, %arg7: memref<200x64xf32, #tpu.memory_space<vmem>>, %arg8: memref<4x200x64xf32, #tpu.memory_space<vmem>>, %arg9: memref<!tpu.dma_semaphore, #tpu.memory_space<semaphore_mem>>, %arg10: memref<!tpu.dma_semaphore, #tpu.memory_space<semaphore_mem>>) attributes {dimension_semantics = [#tpu.dimension_semantics<core_parallel>, #tpu.dimension_semantics<subcore_parallel>], iteration_bounds = array<i64: 2, 16>, scalar_prefetch = 0 : i64, scratch_operands = 5 : i64, tpu.core_type = #tpu.core_type<sc_vector_subcore>, window_params = [{transform_indices = #map}, {transform_indices = #map1}, {transform_indices = #map1}, {transform_indices = #map1}]} {
    %mul3A = arith.constant 2 : i32
    %mul3A_0 = arith.muli %arg1, %mul3A : i32
    %add3A = arith.addi %mul3A_0, %arg0 : i32
    %mul3A_1 = arith.constant 128 : i32
    %mul3A_2 = arith.muli %add3A, %mul3A_1 : i32
    "tpu.region"() ({
      %run_scoped3A = tpu.sem_alloc : memref<!tpu.dma_semaphore, #tpu.memory_space<semaphore_mem>>
      tpu.enqueue_dma source(%arg4 : memref<200x64xf32, #tpu.memory_space<hbm>>) target(%arg7 : memref<200x64xf32, #tpu.memory_space<vmem>>) target_semaphore(%run_scoped3A : memref<!tpu.dma_semaphore, #tpu.memory_space<semaphore_mem>>)
      tpu.wait_dma2 semaphore(%run_scoped3A : memref<!tpu.dma_semaphore, #tpu.memory_space<semaphore_mem>>) src(%arg4 : memref<200x64xf32, #tpu.memory_space<hbm>>) dst(%arg7 : memref<200x64xf32, #tpu.memory_space<vmem>>)
      tpu.yield
    }) : () -> ()
    %mul3A_3 = arith.constant 200 : i32
    %mul3A_4 = arith.muli %mul3A_2, %mul3A_3 : i32
    "tpu.region"() ({
      %run_scoped3A = tpu.sem_alloc : memref<!tpu.dma_semaphore, #tpu.memory_space<semaphore_mem>>
      %dma_start3A_78 = tpu.memref_slice %arg2[%mul3A_4] : memref<819200xi32, #tpu.memory_space<hbm>> -> memref<25600xi32, #tpu.memory_space<hbm>>
      %dma_start3A_79 = tpu.memref_slice %arg2[%mul3A_4] : memref<819200xi32, #tpu.memory_space<hbm>> -> memref<25600xi32, #tpu.memory_space<hbm>>
      tpu.enqueue_dma source(%dma_start3A_79 : memref<25600xi32, #tpu.memory_space<hbm>>) target(%arg6 : memref<25600xi32, #tpu.memory_space<vmem>>) target_semaphore(%run_scoped3A : memref<!tpu.dma_semaphore, #tpu.memory_space<semaphore_mem>>)
      %dma_wait3A_80 = tpu.memref_slice %arg2[%mul3A_4] : memref<819200xi32, #tpu.memory_space<hbm>> -> memref<25600xi32, #tpu.memory_space<hbm>>
      %dma_wait3A_81 = tpu.memref_slice %arg2[%mul3A_4] : memref<819200xi32, #tpu.memory_space<hbm>> -> memref<25600xi32, #tpu.memory_space<hbm>>
      tpu.wait_dma2 semaphore(%run_scoped3A : memref<!tpu.dma_semaphore, #tpu.memory_space<semaphore_mem>>) src(%dma_wait3A_81 : memref<25600xi32, #tpu.memory_space<hbm>>) dst(%arg6 : memref<25600xi32, #tpu.memory_space<vmem>>)
      tpu.yield
    }) : () -> ()
    %dma_start3A = arith.constant 0 : i32
    %dma_start3A_5 = arith.constant 0 : i32
    %dma_start3A_6 = arith.constant 0 : i32
    %dma_start3A_7 = tpu.memref_slice %arg8[%dma_start3A, %dma_start3A_5, %dma_start3A_6] : memref<4x200x64xf32, #tpu.memory_space<vmem>> -> memref<1x104x64xf32, #tpu.memory_space<vmem>>
    %dma_start3A_8 = tpu.memref_squeeze %dma_start3A_7 : memref<1x104x64xf32, #tpu.memory_space<vmem>> -> memref<104x64xf32, #tpu.memory_space<vmem>>
    %dma_start3A_9 = arith.constant 0 : i32
    %dma_start3A_10 = tpu.memref_slice %arg6[%dma_start3A_9] : memref<25600xi32, #tpu.memory_space<vmem>> -> memref<104xi32, #tpu.memory_space<vmem>>
    %dma_start3A_11 = arith.constant 0 : i32
    %dma_start3A_12 = arith.constant 0 : i32
    %dma_start3A_13 = tpu.memref_slice %arg3[%dma_start3A_11, %dma_start3A_12] : memref<100000x64xf32, #tpu.memory_space<hbm>> -> memref<100000x64xf32, #tpu.memory_space<hbm>>
    tpu.enqueue_indirect_dma source(%dma_start3A_13 : memref<100000x64xf32, #tpu.memory_space<hbm>>) target(%dma_start3A_8 : memref<104x64xf32, #tpu.memory_space<vmem>>) offsets(%dma_start3A_10 : memref<104xi32, #tpu.memory_space<vmem>>) semaphore(%arg9 : memref<!tpu.dma_semaphore, #tpu.memory_space<semaphore_mem>>)
    %dma_start3A_14 = arith.constant 0 : i32
    %dma_start3A_15 = arith.constant 104 : i32
    %dma_start3A_16 = arith.constant 0 : i32
    %dma_start3A_17 = tpu.memref_slice %arg8[%dma_start3A_14, %dma_start3A_15, %dma_start3A_16] : memref<4x200x64xf32, #tpu.memory_space<vmem>> -> memref<1x96x64xf32, #tpu.memory_space<vmem>>
    %dma_start3A_18 = tpu.memref_squeeze %dma_start3A_17 : memref<1x96x64xf32, #tpu.memory_space<vmem>> -> memref<96x64xf32, #tpu.memory_space<vmem>>
    %dma_start3A_19 = arith.constant 104 : i32
    %dma_start3A_20 = tpu.memref_slice %arg6[%dma_start3A_19] : memref<25600xi32, #tpu.memory_space<vmem>> -> memref<96xi32, #tpu.memory_space<vmem>>
    %dma_start3A_21 = arith.constant 0 : i32
    %dma_start3A_22 = arith.constant 0 : i32
    %dma_start3A_23 = tpu.memref_slice %arg3[%dma_start3A_21, %dma_start3A_22] : memref<100000x64xf32, #tpu.memory_space<hbm>> -> memref<100000x64xf32, #tpu.memory_space<hbm>>
    tpu.enqueue_indirect_dma source(%dma_start3A_23 : memref<100000x64xf32, #tpu.memory_space<hbm>>) target(%dma_start3A_18 : memref<96x64xf32, #tpu.memory_space<vmem>>) offsets(%dma_start3A_20 : memref<96xi32, #tpu.memory_space<vmem>>) semaphore(%arg9 : memref<!tpu.dma_semaphore, #tpu.memory_space<semaphore_mem>>)
    %dma_start3A_24 = arith.constant 1 : i32
    %dma_start3A_25 = arith.constant 0 : i32
    %dma_start3A_26 = arith.constant 0 : i32
    %dma_start3A_27 = tpu.memref_slice %arg8[%dma_start3A_24, %dma_start3A_25, %dma_start3A_26] : memref<4x200x64xf32, #tpu.memory_space<vmem>> -> memref<1x104x64xf32, #tpu.memory_space<vmem>>
    %dma_start3A_28 = tpu.memref_squeeze %dma_start3A_27 : memref<1x104x64xf32, #tpu.memory_space<vmem>> -> memref<104x64xf32, #tpu.memory_space<vmem>>
    %dma_start3A_29 = arith.constant 200 : i32
    %dma_start3A_30 = tpu.memref_slice %arg6[%dma_start3A_29] : memref<25600xi32, #tpu.memory_space<vmem>> -> memref<104xi32, #tpu.memory_space<vmem>>
    %dma_start3A_31 = arith.constant 0 : i32
    %dma_start3A_32 = arith.constant 0 : i32
    %dma_start3A_33 = tpu.memref_slice %arg3[%dma_start3A_31, %dma_start3A_32] : memref<100000x64xf32, #tpu.memory_space<hbm>> -> memref<100000x64xf32, #tpu.memory_space<hbm>>
    tpu.enqueue_indirect_dma source(%dma_start3A_33 : memref<100000x64xf32, #tpu.memory_space<hbm>>) target(%dma_start3A_28 : memref<104x64xf32, #tpu.memory_space<vmem>>) offsets(%dma_start3A_30 : memref<104xi32, #tpu.memory_space<vmem>>) semaphore(%arg9 : memref<!tpu.dma_semaphore, #tpu.memory_space<semaphore_mem>>)
    %dma_start3A_34 = arith.constant 1 : i32
    %dma_start3A_35 = arith.constant 104 : i32
    %dma_start3A_36 = arith.constant 0 : i32
    %dma_start3A_37 = tpu.memref_slice %arg8[%dma_start3A_34, %dma_start3A_35, %dma_start3A_36] : memref<4x200x64xf32, #tpu.memory_space<vmem>> -> memref<1x96x64xf32, #tpu.memory_space<vmem>>
    %dma_start3A_38 = tpu.memref_squeeze %dma_start3A_37 : memref<1x96x64xf32, #tpu.memory_space<vmem>> -> memref<96x64xf32, #tpu.memory_space<vmem>>
    %dma_start3A_39 = arith.constant 304 : i32
    %dma_start3A_40 = tpu.memref_slice %arg6[%dma_start3A_39] : memref<25600xi32, #tpu.memory_space<vmem>> -> memref<96xi32, #tpu.memory_space<vmem>>
    %dma_start3A_41 = arith.constant 0 : i32
    %dma_start3A_42 = arith.constant 0 : i32
    %dma_start3A_43 = tpu.memref_slice %arg3[%dma_start3A_41, %dma_start3A_42] : memref<100000x64xf32, #tpu.memory_space<hbm>> -> memref<100000x64xf32, #tpu.memory_space<hbm>>
    tpu.enqueue_indirect_dma source(%dma_start3A_43 : memref<100000x64xf32, #tpu.memory_space<hbm>>) target(%dma_start3A_38 : memref<96x64xf32, #tpu.memory_space<vmem>>) offsets(%dma_start3A_40 : memref<96xi32, #tpu.memory_space<vmem>>) semaphore(%arg9 : memref<!tpu.dma_semaphore, #tpu.memory_space<semaphore_mem>>)
    %scan3A = arith.constant 0 : i32
    %scan3A_44 = arith.constant 0 : i32
    %scan3A_45 = arith.constant 32 : i32
    %scan3A_46 = arith.addi %scan3A_44, %scan3A_45 : i32
    %scan3A_47 = arith.constant 1 : i32
    scf.for %scan3A_78 = %scan3A_44 to %scan3A_46 step %scan3A_47  : i32 {
      %mul3A_79 = arith.constant 4 : i32
      %mul3A_80 = arith.muli %scan3A_78, %mul3A_79 : i32
      %add3A_81 = arith.constant 0 : i32
      %add3A_82 = arith.addi %mul3A_80, %add3A_81 : i32
      %gt3A = arith.constant 0 : i32
      %gt3A_83 = arith.cmpi sgt, %scan3A_78, %gt3A : i32
      %convert_element_type3A = arith.extui %gt3A_83 : i1 to i32
      %cond3A = arith.constant 0 : i32
      %cond3A_84 = arith.cmpi ne, %convert_element_type3A, %cond3A : i32
      scf.if %cond3A_84 {
        %dma_wait3A_308 = arith.constant 2 : i32
        %dma_wait3A_309 = arith.constant 0 : i32
        %dma_wait3A_310 = arith.constant 0 : i32
        %dma_wait3A_311 = tpu.memref_slice %arg8[%dma_wait3A_308, %dma_wait3A_309, %dma_wait3A_310] : memref<4x200x64xf32, #tpu.memory_space<vmem>> -> memref<1x200x64xf32, #tpu.memory_space<vmem>>
        %dma_wait3A_312 = tpu.memref_squeeze %dma_wait3A_311 : memref<1x200x64xf32, #tpu.memory_space<vmem>> -> memref<200x64xf32, #tpu.memory_space<vmem>>
        %dma_wait3A_313 = arith.constant 0 : i32
        %dma_wait3A_314 = arith.constant 0 : i32
        %dma_wait3A_315 = tpu.memref_slice %arg5[%dma_wait3A_313, %dma_wait3A_314] : memref<819200x64xf32, #tpu.memory_space<hbm>> -> memref<200x64xf32, #tpu.memory_space<hbm>>
        %dma_wait3A_316 = arith.constant 0 : i32
        %dma_wait3A_317 = arith.constant 0 : i32
        %dma_wait3A_318 = tpu.memref_slice %arg5[%dma_wait3A_316, %dma_wait3A_317] : memref<819200x64xf32, #tpu.memory_space<hbm>> -> memref<200x64xf32, #tpu.memory_space<hbm>>
        %dma_wait3A_319 = arith.constant 0 : i32
        %dma_wait3A_320 = arith.constant 0 : i32
        %dma_wait3A_321 = tpu.memref_slice %arg8[%dma_wait3A_308, %dma_wait3A_319, %dma_wait3A_320] : memref<4x200x64xf32, #tpu.memory_space<vmem>> -> memref<1x200x64xf32, #tpu.memory_space<vmem>>
        %dma_wait3A_322 = tpu.memref_squeeze %dma_wait3A_321 : memref<1x200x64xf32, #tpu.memory_space<vmem>> -> memref<200x64xf32, #tpu.memory_space<vmem>>
        tpu.wait_dma2 semaphore(%arg10 : memref<!tpu.dma_semaphore, #tpu.memory_space<semaphore_mem>>) src(%dma_wait3A_322 : memref<200x64xf32, #tpu.memory_space<vmem>>) dst(%dma_wait3A_318 : memref<200x64xf32, #tpu.memory_space<hbm>>)
      } else {
      }
      %gt3A_85 = arith.constant 0 : i32
      %gt3A_86 = arith.cmpi sgt, %scan3A_78, %gt3A_85 : i32
      %convert_element_type3A_87 = arith.extui %gt3A_86 : i1 to i32
      %cond3A_88 = arith.constant 0 : i32
      %cond3A_89 = arith.cmpi ne, %convert_element_type3A_87, %cond3A_88 : i32
      scf.if %cond3A_89 {
        %add3A_308 = arith.constant 2 : i32
        %add3A_309 = arith.addi %add3A_82, %add3A_308 : i32
        %mul3A_310 = arith.constant 200 : i32
        %mul3A_311 = arith.muli %add3A_309, %mul3A_310 : i32
        %dma_start3A_312 = arith.constant 2 : i32
        %dma_start3A_313 = arith.constant 0 : i32
        %dma_start3A_314 = arith.constant 0 : i32
        %dma_start3A_315 = tpu.memref_slice %arg8[%dma_start3A_312, %dma_start3A_313, %dma_start3A_314] : memref<4x200x64xf32, #tpu.memory_space<vmem>> -> memref<1x104x64xf32, #tpu.memory_space<vmem>>
        %dma_start3A_316 = tpu.memref_squeeze %dma_start3A_315 : memref<1x104x64xf32, #tpu.memory_space<vmem>> -> memref<104x64xf32, #tpu.memory_space<vmem>>
        %dma_start3A_317 = tpu.memref_slice %arg6[%mul3A_311] : memref<25600xi32, #tpu.memory_space<vmem>> -> memref<104xi32, #tpu.memory_space<vmem>>
        %dma_start3A_318 = arith.constant 0 : i32
        %dma_start3A_319 = arith.constant 0 : i32
        %dma_start3A_320 = tpu.memref_slice %arg3[%dma_start3A_318, %dma_start3A_319] : memref<100000x64xf32, #tpu.memory_space<hbm>> -> memref<100000x64xf32, #tpu.memory_space<hbm>>
        tpu.enqueue_indirect_dma source(%dma_start3A_320 : memref<100000x64xf32, #tpu.memory_space<hbm>>) target(%dma_start3A_316 : memref<104x64xf32, #tpu.memory_space<vmem>>) offsets(%dma_start3A_317 : memref<104xi32, #tpu.memory_space<vmem>>) semaphore(%arg9 : memref<!tpu.dma_semaphore, #tpu.memory_space<semaphore_mem>>)
        %mul3A_321 = arith.constant 200 : i32
        %mul3A_322 = arith.muli %add3A_309, %mul3A_321 : i32
        %add3A_323 = arith.constant 104 : i32
        %add3A_324 = arith.addi %mul3A_322, %add3A_323 : i32
        %dma_start3A_325 = arith.constant 2 : i32
        %dma_start3A_326 = arith.constant 104 : i32
        %dma_start3A_327 = arith.constant 0 : i32
        %dma_start3A_328 = tpu.memref_slice %arg8[%dma_start3A_325, %dma_start3A_326, %dma_start3A_327] : memref<4x200x64xf32, #tpu.memory_space<vmem>> -> memref<1x96x64xf32, #tpu.memory_space<vmem>>
        %dma_start3A_329 = tpu.memref_squeeze %dma_start3A_328 : memref<1x96x64xf32, #tpu.memory_space<vmem>> -> memref<96x64xf32, #tpu.memory_space<vmem>>
        %dma_start3A_330 = tpu.memref_slice %arg6[%add3A_324] : memref<25600xi32, #tpu.memory_space<vmem>> -> memref<96xi32, #tpu.memory_space<vmem>>
        %dma_start3A_331 = arith.constant 0 : i32
        %dma_start3A_332 = arith.constant 0 : i32
        %dma_start3A_333 = tpu.memref_slice %arg3[%dma_start3A_331, %dma_start3A_332] : memref<100000x64xf32, #tpu.memory_space<hbm>> -> memref<100000x64xf32, #tpu.memory_space<hbm>>
        tpu.enqueue_indirect_dma source(%dma_start3A_333 : memref<100000x64xf32, #tpu.memory_space<hbm>>) target(%dma_start3A_329 : memref<96x64xf32, #tpu.memory_space<vmem>>) offsets(%dma_start3A_330 : memref<96xi32, #tpu.memory_space<vmem>>) semaphore(%arg9 : memref<!tpu.dma_semaphore, #tpu.memory_space<semaphore_mem>>)
      } else {
      }
      %eq3A = arith.constant 0 : i32
      %eq3A_90 = arith.cmpi eq, %scan3A_78, %eq3A : i32
      %convert_element_type3A_91 = arith.extui %eq3A_90 : i1 to i32
      %cond3A_92 = arith.constant 0 : i32
      %cond3A_93 = arith.cmpi ne, %convert_element_type3A_91, %cond3A_92 : i32
      scf.if %cond3A_93 {
        %add3A_308 = arith.constant 2 : i32
        %add3A_309 = arith.addi %add3A_82, %add3A_308 : i32
        %mul3A_310 = arith.constant 200 : i32
        %mul3A_311 = arith.muli %add3A_309, %mul3A_310 : i32
        %dma_start3A_312 = arith.constant 2 : i32
        %dma_start3A_313 = arith.constant 0 : i32
        %dma_start3A_314 = arith.constant 0 : i32
        %dma_start3A_315 = tpu.memref_slice %arg8[%dma_start3A_312, %dma_start3A_313, %dma_start3A_314] : memref<4x200x64xf32, #tpu.memory_space<vmem>> -> memref<1x104x64xf32, #tpu.memory_space<vmem>>
        %dma_start3A_316 = tpu.memref_squeeze %dma_start3A_315 : memref<1x104x64xf32, #tpu.memory_space<vmem>> -> memref<104x64xf32, #tpu.memory_space<vmem>>
        %dma_start3A_317 = tpu.memref_slice %arg6[%mul3A_311] : memref<25600xi32, #tpu.memory_space<vmem>> -> memref<104xi32, #tpu.memory_space<vmem>>
        %dma_start3A_318 = arith.constant 0 : i32
        %dma_start3A_319 = arith.constant 0 : i32
        %dma_start3A_320 = tpu.memref_slice %arg3[%dma_start3A_318, %dma_start3A_319] : memref<100000x64xf32, #tpu.memory_space<hbm>> -> memref<100000x64xf32, #tpu.memory_space<hbm>>
        tpu.enqueue_indirect_dma source(%dma_start3A_320 : memref<100000x64xf32, #tpu.memory_space<hbm>>) target(%dma_start3A_316 : memref<104x64xf32, #tpu.memory_space<vmem>>) offsets(%dma_start3A_317 : memref<104xi32, #tpu.memory_space<vmem>>) semaphore(%arg9 : memref<!tpu.dma_semaphore, #tpu.memory_space<semaphore_mem>>)
        %mul3A_321 = arith.constant 200 : i32
        %mul3A_322 = arith.muli %add3A_309, %mul3A_321 : i32
        %add3A_323 = arith.constant 104 : i32
        %add3A_324 = arith.addi %mul3A_322, %add3A_323 : i32
        %dma_start3A_325 = arith.constant 2 : i32
        %dma_start3A_326 = arith.constant 104 : i32
        %dma_start3A_327 = arith.constant 0 : i32
        %dma_start3A_328 = tpu.memref_slice %arg8[%dma_start3A_325, %dma_start3A_326, %dma_start3A_327] : memref<4x200x64xf32, #tpu.memory_space<vmem>> -> memref<1x96x64xf32, #tpu.memory_space<vmem>>
        %dma_start3A_329 = tpu.memref_squeeze %dma_start3A_328 : memref<1x96x64xf32, #tpu.memory_space<vmem>> -> memref<96x64xf32, #tpu.memory_space<vmem>>
        %dma_start3A_330 = tpu.memref_slice %arg6[%add3A_324] : memref<25600xi32, #tpu.memory_space<vmem>> -> memref<96xi32, #tpu.memory_space<vmem>>
        %dma_start3A_331 = arith.constant 0 : i32
        %dma_start3A_332 = arith.constant 0 : i32
        %dma_start3A_333 = tpu.memref_slice %arg3[%dma_start3A_331, %dma_start3A_332] : memref<100000x64xf32, #tpu.memory_space<hbm>> -> memref<100000x64xf32, #tpu.memory_space<hbm>>
        tpu.enqueue_indirect_dma source(%dma_start3A_333 : memref<100000x64xf32, #tpu.memory_space<hbm>>) target(%dma_start3A_329 : memref<96x64xf32, #tpu.memory_space<vmem>>) offsets(%dma_start3A_330 : memref<96xi32, #tpu.memory_space<vmem>>) semaphore(%arg9 : memref<!tpu.dma_semaphore, #tpu.memory_space<semaphore_mem>>)
      } else {
      }
      %dma_wait3A_94 = arith.constant 0 : i32
      %dma_wait3A_95 = arith.constant 0 : i32
      %dma_wait3A_96 = arith.constant 0 : i32
      %dma_wait3A_97 = tpu.memref_slice %arg8[%dma_wait3A_94, %dma_wait3A_95, %dma_wait3A_96] : memref<4x200x64xf32, #tpu.memory_space<vmem>> -> memref<1x200x64xf32, #tpu.memory_space<vmem>>
      %dma_wait3A_98 = tpu.memref_squeeze %dma_wait3A_97 : memref<1x200x64xf32, #tpu.memory_space<vmem>> -> memref<200x64xf32, #tpu.memory_space<vmem>>
      %dma_wait3A_99 = arith.constant 0 : i32
      %dma_wait3A_100 = arith.constant 0 : i32
      %dma_wait3A_101 = tpu.memref_slice %arg5[%dma_wait3A_99, %dma_wait3A_100] : memref<819200x64xf32, #tpu.memory_space<hbm>> -> memref<200x64xf32, #tpu.memory_space<hbm>>
      %dma_wait3A_102 = arith.constant 0 : i32
      %dma_wait3A_103 = arith.constant 0 : i32
      %dma_wait3A_104 = tpu.memref_slice %arg8[%dma_wait3A_94, %dma_wait3A_102, %dma_wait3A_103] : memref<4x200x64xf32, #tpu.memory_space<vmem>> -> memref<1x200x64xf32, #tpu.memory_space<vmem>>
      %dma_wait3A_105 = tpu.memref_squeeze %dma_wait3A_104 : memref<1x200x64xf32, #tpu.memory_space<vmem>> -> memref<200x64xf32, #tpu.memory_space<vmem>>
      %dma_wait3A_106 = arith.constant 0 : i32
      %dma_wait3A_107 = arith.constant 0 : i32
      %dma_wait3A_108 = tpu.memref_slice %arg5[%dma_wait3A_106, %dma_wait3A_107] : memref<819200x64xf32, #tpu.memory_space<hbm>> -> memref<200x64xf32, #tpu.memory_space<hbm>>
      tpu.wait_dma2 semaphore(%arg9 : memref<!tpu.dma_semaphore, #tpu.memory_space<semaphore_mem>>) src(%dma_wait3A_108 : memref<200x64xf32, #tpu.memory_space<hbm>>) dst(%dma_wait3A_105 : memref<200x64xf32, #tpu.memory_space<vmem>>)
      %scan3A_109 = arith.constant 0 : i32
      %scan3A_110 = arith.constant 0 : i32
      %scan3A_111 = arith.constant 50 : i32
      %scan3A_112 = arith.addi %scan3A_110, %scan3A_111 : i32
      %scan3A_113 = arith.constant 1 : i32
      scf.for %scan3A_308 = %scan3A_110 to %scan3A_112 step %scan3A_113  : i32 {
        %mul3A_309 = arith.constant 4 : i32
        %mul3A_310 = arith.muli %scan3A_308, %mul3A_309 : i32
        %add3A_311 = arith.constant 0 : i32
        %add3A_312 = arith.addi %mul3A_310, %add3A_311 : i32
        %get3A = arith.constant 0 : i32
        %get3A_313 = arith.index_cast %get3A : i32 to index
        %get3A_314 = arith.index_cast %add3A_312 : i32 to index
        %get3A_315 = arith.constant 0 : index
        %get3A_316 = tpu.vector_load %arg8[%get3A_313, %get3A_314, %get3A_315] {strides = array<i32>} : memref<4x200x64xf32, #tpu.memory_space<vmem>>, vector<1x1x16xf32>,
        %get3A_317 = vector.shape_cast %get3A_316 : vector<1x1x16xf32> to vector<16xf32>
        %get3A_318 = arith.index_cast %add3A_312 : i32 to index
        %get3A_319 = arith.constant 0 : index
        %get3A_320 = tpu.vector_load %arg7[%get3A_318, %get3A_319] {strides = array<i32>} : memref<200x64xf32, #tpu.memory_space<vmem>>, vector<1x16xf32>,
        %get3A_321 = vector.shape_cast %get3A_320 : vector<1x16xf32> to vector<16xf32>
        %add3A_322 = arith.addf %get3A_317, %get3A_321 : vector<16xf32>
        %swap3A = arith.constant 0 : i32
        %swap3A_323 = arith.index_cast %swap3A : i32 to index
        %swap3A_324 = arith.index_cast %add3A_312 : i32 to index
        %swap3A_325 = arith.constant 0 : index
        %swap3A_326 = tpu.vector_load %arg8[%swap3A_323, %swap3A_324, %swap3A_325] {strides = array<i32>} : memref<4x200x64xf32, #tpu.memory_space<vmem>>, vector<1x1x16xf32>,
        %swap3A_327 = vector.shape_cast %swap3A_326 : vector<1x1x16xf32> to vector<16xf32>
        %swap3A_328 = vector.shape_cast %add3A_322 : vector<16xf32> to vector<1x1x16xf32>
        tpu.vector_store %arg8[%swap3A_323, %swap3A_324, %swap3A_325], %swap3A_328 {strides = array<i32>} : memref<4x200x64xf32, #tpu.memory_space<vmem>>, vector<1x1x16xf32>,
        %get3A_329 = arith.constant 0 : i32
        %get3A_330 = arith.index_cast %get3A_329 : i32 to index
        %get3A_331 = arith.index_cast %add3A_312 : i32 to index
        %get3A_332 = arith.constant 16 : index
        %get3A_333 = tpu.vector_load %arg8[%get3A_330, %get3A_331, %get3A_332] {strides = array<i32>} : memref<4x200x64xf32, #tpu.memory_space<vmem>>, vector<1x1x16xf32>,
        %get3A_334 = vector.shape_cast %get3A_333 : vector<1x1x16xf32> to vector<16xf32>
        %get3A_335 = arith.index_cast %add3A_312 : i32 to index
        %get3A_336 = arith.constant 16 : index
        %get3A_337 = tpu.vector_load %arg7[%get3A_335, %get3A_336] {strides = array<i32>} : memref<200x64xf32, #tpu.memory_space<vmem>>, vector<1x16xf32>,
        %get3A_338 = vector.shape_cast %get3A_337 : vector<1x16xf32> to vector<16xf32>
        %add3A_339 = arith.addf %get3A_334, %get3A_338 : vector<16xf32>
        %swap3A_340 = arith.constant 0 : i32
        %swap3A_341 = arith.index_cast %swap3A_340 : i32 to index
        %swap3A_342 = arith.index_cast %add3A_312 : i32 to index
        %swap3A_343 = arith.constant 16 : index
        %swap3A_344 = tpu.vector_load %arg8[%swap3A_341, %swap3A_342, %swap3A_343] {strides = array<i32>} : memref<4x200x64xf32, #tpu.memory_space<vmem>>, vector<1x1x16xf32>,
        %swap3A_345 = vector.shape_cast %swap3A_344 : vector<1x1x16xf32> to vector<16xf32>
        %swap3A_346 = vector.shape_cast %add3A_339 : vector<16xf32> to vector<1x1x16xf32>
        tpu.vector_store %arg8[%swap3A_341, %swap3A_342, %swap3A_343], %swap3A_346 {strides = array<i32>} : memref<4x200x64xf32, #tpu.memory_space<vmem>>, vector<1x1x16xf32>,
        %get3A_347 = arith.constant 0 : i32
        %get3A_348 = arith.index_cast %get3A_347 : i32 to index
        %get3A_349 = arith.index_cast %add3A_312 : i32 to index
        %get3A_350 = arith.constant 32 : index
        %get3A_351 = tpu.vector_load %arg8[%get3A_348, %get3A_349, %get3A_350] {strides = array<i32>} : memref<4x200x64xf32, #tpu.memory_space<vmem>>, vector<1x1x16xf32>,
        %get3A_352 = vector.shape_cast %get3A_351 : vector<1x1x16xf32> to vector<16xf32>
        %get3A_353 = arith.index_cast %add3A_312 : i32 to index
        %get3A_354 = arith.constant 32 : index
        %get3A_355 = tpu.vector_load %arg7[%get3A_353, %get3A_354] {strides = array<i32>} : memref<200x64xf32, #tpu.memory_space<vmem>>, vector<1x16xf32>,
        %get3A_356 = vector.shape_cast %get3A_355 : vector<1x16xf32> to vector<16xf32>
        %add3A_357 = arith.addf %get3A_352, %get3A_356 : vector<16xf32>
        %swap3A_358 = arith.constant 0 : i32
        %swap3A_359 = arith.index_cast %swap3A_358 : i32 to index
        %swap3A_360 = arith.index_cast %add3A_312 : i32 to index
        %swap3A_361 = arith.constant 32 : index
        %swap3A_362 = tpu.vector_load %arg8[%swap3A_359, %swap3A_360, %swap3A_361] {strides = array<i32>} : memref<4x200x64xf32, #tpu.memory_space<vmem>>, vector<1x1x16xf32>,
        %swap3A_363 = vector.shape_cast %swap3A_362 : vector<1x1x16xf32> to vector<16xf32>
        %swap3A_364 = vector.shape_cast %add3A_357 : vector<16xf32> to vector<1x1x16xf32>
        tpu.vector_store %arg8[%swap3A_359, %swap3A_360, %swap3A_361], %swap3A_364 {strides = array<i32>} : memref<4x200x64xf32, #tpu.memory_space<vmem>>, vector<1x1x16xf32>,
        %get3A_365 = arith.constant 0 : i32
        %get3A_366 = arith.index_cast %get3A_365 : i32 to index
        %get3A_367 = arith.index_cast %add3A_312 : i32 to index
        %get3A_368 = arith.constant 48 : index
        %get3A_369 = tpu.vector_load %arg8[%get3A_366, %get3A_367, %get3A_368] {strides = array<i32>} : memref<4x200x64xf32, #tpu.memory_space<vmem>>, vector<1x1x16xf32>,
        %get3A_370 = vector.shape_cast %get3A_369 : vector<1x1x16xf32> to vector<16xf32>
        %get3A_371 = arith.index_cast %add3A_312 : i32 to index
        %get3A_372 = arith.constant 48 : index
        %get3A_373 = tpu.vector_load %arg7[%get3A_371, %get3A_372] {strides = array<i32>} : memref<200x64xf32, #tpu.memory_space<vmem>>, vector<1x16xf32>,
        %get3A_374 = vector.shape_cast %get3A_373 : vector<1x16xf32> to vector<16xf32>
        %add3A_375 = arith.addf %get3A_370, %get3A_374 : vector<16xf32>
        %swap3A_376 = arith.constant 0 : i32
        %swap3A_377 = arith.index_cast %swap3A_376 : i32 to index
        %swap3A_378 = arith.index_cast %add3A_312 : i32 to index
        %swap3A_379 = arith.constant 48 : index
        %swap3A_380 = tpu.vector_load %arg8[%swap3A_377, %swap3A_378, %swap3A_379] {strides = array<i32>} : memref<4x200x64xf32, #tpu.memory_space<vmem>>, vector<1x1x16xf32>,
        %swap3A_381 = vector.shape_cast %swap3A_380 : vector<1x1x16xf32> to vector<16xf32>
        %swap3A_382 = vector.shape_cast %add3A_375 : vector<16xf32> to vector<1x1x16xf32>
        tpu.vector_store %arg8[%swap3A_377, %swap3A_378, %swap3A_379], %swap3A_382 {strides = array<i32>} : memref<4x200x64xf32, #tpu.memory_space<vmem>>, vector<1x1x16xf32>,
        %mul3A_383 = arith.constant 4 : i32
        %mul3A_384 = arith.muli %scan3A_308, %mul3A_383 : i32
        %add3A_385 = arith.constant 1 : i32
        %add3A_386 = arith.addi %mul3A_384, %add3A_385 : i32
        %get3A_387 = arith.constant 0 : i32
        %get3A_388 = arith.index_cast %get3A_387 : i32 to index
        %get3A_389 = arith.index_cast %add3A_386 : i32 to index
        %get3A_390 = arith.constant 0 : index
        %get3A_391 = tpu.vector_load %arg8[%get3A_388, %get3A_389, %get3A_390] {strides = array<i32>} : memref<4x200x64xf32, #tpu.memory_space<vmem>>, vector<1x1x16xf32>,
        %get3A_392 = vector.shape_cast %get3A_391 : vector<1x1x16xf32> to vector<16xf32>
        %get3A_393 = arith.index_cast %add3A_386 : i32 to index
        %get3A_394 = arith.constant 0 : index
        %get3A_395 = tpu.vector_load %arg7[%get3A_393, %get3A_394] {strides = array<i32>} : memref<200x64xf32, #tpu.memory_space<vmem>>, vector<1x16xf32>,
        %get3A_396 = vector.shape_cast %get3A_395 : vector<1x16xf32> to vector<16xf32>
        %add3A_397 = arith.addf %get3A_392, %get3A_396 : vector<16xf32>
        %swap3A_398 = arith.constant 0 : i32
        %swap3A_399 = arith.index_cast %swap3A_398 : i32 to index
        %swap3A_400 = arith.index_cast %add3A_386 : i32 to index
        %swap3A_401 = arith.constant 0 : index
        %swap3A_402 = tpu.vector_load %arg8[%swap3A_399, %swap3A_400, %swap3A_401] {strides = array<i32>} : memref<4x200x64xf32, #tpu.memory_space<vmem>>, vector<1x1x16xf32>,
        %swap3A_403 = vector.shape_cast %swap3A_402 : vector<1x1x16xf32> to vector<16xf32>
        %swap3A_404 = vector.shape_cast %add3A_397 : vector<16xf32> to vector<1x1x16xf32>
        tpu.vector_store %arg8[%swap3A_399, %swap3A_400, %swap3A_401], %swap3A_404 {strides = array<i32>} : memref<4x200x64xf32, #tpu.memory_space<vmem>>, vector<1x1x16xf32>,
        %get3A_405 = arith.constant 0 : i32
        %get3A_406 = arith.index_cast %get3A_405 : i32 to index
        %get3A_407 = arith.index_cast %add3A_386 : i32 to index
        %get3A_408 = arith.constant 16 : index
        %get3A_409 = tpu.vector_load %arg8[%get3A_406, %get3A_407, %get3A_408] {strides = array<i32>} : memref<4x200x64xf32, #tpu.memory_space<vmem>>, vector<1x1x16xf32>,
        %get3A_410 = vector.shape_cast %get3A_409 : vector<1x1x16xf32> to vector<16xf32>
        %get3A_411 = arith.index_cast %add3A_386 : i32 to index
        %get3A_412 = arith.constant 16 : index
        %get3A_413 = tpu.vector_load %arg7[%get3A_411, %get3A_412] {strides = array<i32>} : memref<200x64xf32, #tpu.memory_space<vmem>>, vector<1x16xf32>,
        %get3A_414 = vector.shape_cast %get3A_413 : vector<1x16xf32> to vector<16xf32>
        %add3A_415 = arith.addf %get3A_410, %get3A_414 : vector<16xf32>
        %swap3A_416 = arith.constant 0 : i32
        %swap3A_417 = arith.index_cast %swap3A_416 : i32 to index
        %swap3A_418 = arith.index_cast %add3A_386 : i32 to index
        %swap3A_419 = arith.constant 16 : index
        %swap3A_420 = tpu.vector_load %arg8[%swap3A_417, %swap3A_418, %swap3A_419] {strides = array<i32>} : memref<4x200x64xf32, #tpu.memory_space<vmem>>, vector<1x1x16xf32>,
        %swap3A_421 = vector.shape_cast %swap3A_420 : vector<1x1x16xf32> to vector<16xf32>
        %swap3A_422 = vector.shape_cast %add3A_415 : vector<16xf32> to vector<1x1x16xf32>
        tpu.vector_store %arg8[%swap3A_417, %swap3A_418, %swap3A_419], %swap3A_422 {strides = array<i32>} : memref<4x200x64xf32, #tpu.memory_space<vmem>>, vector<1x1x16xf32>,
        %get3A_423 = arith.constant 0 : i32
        %get3A_424 = arith.index_cast %get3A_423 : i32 to index
        %get3A_425 = arith.index_cast %add3A_386 : i32 to index
        %get3A_426 = arith.constant 32 : index
        %get3A_427 = tpu.vector_load %arg8[%get3A_424, %get3A_425, %get3A_426] {strides = array<i32>} : memref<4x200x64xf32, #tpu.memory_space<vmem>>, vector<1x1x16xf32>,
        %get3A_428 = vector.shape_cast %get3A_427 : vector<1x1x16xf32> to vector<16xf32>
        %get3A_429 = arith.index_cast %add3A_386 : i32 to index
        %get3A_430 = arith.constant 32 : index
        %get3A_431 = tpu.vector_load %arg7[%get3A_429, %get3A_430] {strides = array<i32>} : memref<200x64xf32, #tpu.memory_space<vmem>>, vector<1x16xf32>,
        %get3A_432 = vector.shape_cast %get3A_431 : vector<1x16xf32> to vector<16xf32>
        %add3A_433 = arith.addf %get3A_428, %get3A_432 : vector<16xf32>
        %swap3A_434 = arith.constant 0 : i32
        %swap3A_435 = arith.index_cast %swap3A_434 : i32 to index
        %swap3A_436 = arith.index_cast %add3A_386 : i32 to index
        %swap3A_437 = arith.constant 32 : index
        %swap3A_438 = tpu.vector_load %arg8[%swap3A_435, %swap3A_436, %swap3A_437] {strides = array<i32>} : memref<4x200x64xf32, #tpu.memory_space<vmem>>, vector<1x1x16xf32>,
        %swap3A_439 = vector.shape_cast %swap3A_438 : vector<1x1x16xf32> to vector<16xf32>
        %swap3A_440 = vector.shape_cast %add3A_433 : vector<16xf32> to vector<1x1x16xf32>
        tpu.vector_store %arg8[%swap3A_435, %swap3A_436, %swap3A_437], %swap3A_440 {strides = array<i32>} : memref<4x200x64xf32, #tpu.memory_space<vmem>>, vector<1x1x16xf32>,
        %get3A_441 = arith.constant 0 : i32
        %get3A_442 = arith.index_cast %get3A_441 : i32 to index
        %get3A_443 = arith.index_cast %add3A_386 : i32 to index
        %get3A_444 = arith.constant 48 : index
        %get3A_445 = tpu.vector_load %arg8[%get3A_442, %get3A_443, %get3A_444] {strides = array<i32>} : memref<4x200x64xf32, #tpu.memory_space<vmem>>, vector<1x1x16xf32>,
        %get3A_446 = vector.shape_cast %get3A_445 : vector<1x1x16xf32> to vector<16xf32>
        %get3A_447 = arith.index_cast %add3A_386 : i32 to index
        %get3A_448 = arith.constant 48 : index
        %get3A_449 = tpu.vector_load %arg7[%get3A_447, %get3A_448] {strides = array<i32>} : memref<200x64xf32, #tpu.memory_space<vmem>>, vector<1x16xf32>,
        %get3A_450 = vector.shape_cast %get3A_449 : vector<1x16xf32> to vector<16xf32>
        %add3A_451 = arith.addf %get3A_446, %get3A_450 : vector<16xf32>
        %swap3A_452 = arith.constant 0 : i32
        %swap3A_453 = arith.index_cast %swap3A_452 : i32 to index
        %swap3A_454 = arith.index_cast %add3A_386 : i32 to index
        %swap3A_455 = arith.constant 48 : index
        %swap3A_456 = tpu.vector_load %arg8[%swap3A_453, %swap3A_454, %swap3A_455] {strides = array<i32>} : memref<4x200x64xf32, #tpu.memory_space<vmem>>, vector<1x1x16xf32>,
        %swap3A_457 = vector.shape_cast %swap3A_456 : vector<1x1x16xf32> to vector<16xf32>
        %swap3A_458 = vector.shape_cast %add3A_451 : vector<16xf32> to vector<1x1x16xf32>
        tpu.vector_store %arg8[%swap3A_453, %swap3A_454, %swap3A_455], %swap3A_458 {strides = array<i32>} : memref<4x200x64xf32, #tpu.memory_space<vmem>>, vector<1x1x16xf32>,
        %mul3A_459 = arith.constant 4 : i32
        %mul3A_460 = arith.muli %scan3A_308, %mul3A_459 : i32
        %add3A_461 = arith.constant 2 : i32
        %add3A_462 = arith.addi %mul3A_460, %add3A_461 : i32
        %get3A_463 = arith.constant 0 : i32
        %get3A_464 = arith.index_cast %get3A_463 : i32 to index
        %get3A_465 = arith.index_cast %add3A_462 : i32 to index
        %get3A_466 = arith.constant 0 : index
        %get3A_467 = tpu.vector_load %arg8[%get3A_464, %get3A_465, %get3A_466] {strides = array<i32>} : memref<4x200x64xf32, #tpu.memory_space<vmem>>, vector<1x1x16xf32>,
        %get3A_468 = vector.shape_cast %get3A_467 : vector<1x1x16xf32> to vector<16xf32>
        %get3A_469 = arith.index_cast %add3A_462 : i32 to index
        %get3A_470 = arith.constant 0 : index
        %get3A_471 = tpu.vector_load %arg7[%get3A_469, %get3A_470] {strides = array<i32>} : memref<200x64xf32, #tpu.memory_space<vmem>>, vector<1x16xf32>,
        %get3A_472 = vector.shape_cast %get3A_471 : vector<1x16xf32> to vector<16xf32>
        %add3A_473 = arith.addf %get3A_468, %get3A_472 : vector<16xf32>
        %swap3A_474 = arith.constant 0 : i32
        %swap3A_475 = arith.index_cast %swap3A_474 : i32 to index
        %swap3A_476 = arith.index_cast %add3A_462 : i32 to index
        %swap3A_477 = arith.constant 0 : index
        %swap3A_478 = tpu.vector_load %arg8[%swap3A_475, %swap3A_476, %swap3A_477] {strides = array<i32>} : memref<4x200x64xf32, #tpu.memory_space<vmem>>, vector<1x1x16xf32>,
        %swap3A_479 = vector.shape_cast %swap3A_478 : vector<1x1x16xf32> to vector<16xf32>
        %swap3A_480 = vector.shape_cast %add3A_473 : vector<16xf32> to vector<1x1x16xf32>
        tpu.vector_store %arg8[%swap3A_475, %swap3A_476, %swap3A_477], %swap3A_480 {strides = array<i32>} : memref<4x200x64xf32, #tpu.memory_space<vmem>>, vector<1x1x16xf32>,
        %get3A_481 = arith.constant 0 : i32
        %get3A_482 = arith.index_cast %get3A_481 : i32 to index
        %get3A_483 = arith.index_cast %add3A_462 : i32 to index
        %get3A_484 = arith.constant 16 : index
        %get3A_485 = tpu.vector_load %arg8[%get3A_482, %get3A_483, %get3A_484] {strides = array<i32>} : memref<4x200x64xf32, #tpu.memory_space<vmem>>, vector<1x1x16xf32>,
        %get3A_486 = vector.shape_cast %get3A_485 : vector<1x1x16xf32> to vector<16xf32>
        %get3A_487 = arith.index_cast %add3A_462 : i32 to index
        %get3A_488 = arith.constant 16 : index
        %get3A_489 = tpu.vector_load %arg7[%get3A_487, %get3A_488] {strides = array<i32>} : memref<200x64xf32, #tpu.memory_space<vmem>>, vector<1x16xf32>,
        %get3A_490 = vector.shape_cast %get3A_489 : vector<1x16xf32> to vector<16xf32>
        %add3A_491 = arith.addf %get3A_486, %get3A_490 : vector<16xf32>
        %swap3A_492 = arith.constant 0 : i32
        %swap3A_493 = arith.index_cast %swap3A_492 : i32 to index
        %swap3A_494 = arith.index_cast %add3A_462 : i32 to index
        %swap3A_495 = arith.constant 16 : index
        %swap3A_496 = tpu.vector_load %arg8[%swap3A_493, %swap3A_494, %swap3A_495] {strides = array<i32>} : memref<4x200x64xf32, #tpu.memory_space<vmem>>, vector<1x1x16xf32>,
        %swap3A_497 = vector.shape_cast %swap3A_496 : vector<1x1x16xf32> to vector<16xf32>
        %swap3A_498 = vector.shape_cast %add3A_491 : vector<16xf32> to vector<1x1x16xf32>
        tpu.vector_store %arg8[%swap3A_493, %swap3A_494, %swap3A_495], %swap3A_498 {strides = array<i32>} : memref<4x200x64xf32, #tpu.memory_space<vmem>>, vector<1x1x16xf32>,
        %get3A_499 = arith.constant 0 : i32
        %get3A_500 = arith.index_cast %get3A_499 : i32 to index
        %get3A_501 = arith.index_cast %add3A_462 : i32 to index
        %get3A_502 = arith.constant 32 : index
        %get3A_503 = tpu.vector_load %arg8[%get3A_500, %get3A_501, %get3A_502] {strides = array<i32>} : memref<4x200x64xf32, #tpu.memory_space<vmem>>, vector<1x1x16xf32>,
        %get3A_504 = vector.shape_cast %get3A_503 : vector<1x1x16xf32> to vector<16xf32>
        %get3A_505 = arith.index_cast %add3A_462 : i32 to index
        %get3A_506 = arith.constant 32 : index
        %get3A_507 = tpu.vector_load %arg7[%get3A_505, %get3A_506] {strides = array<i32>} : memref<200x64xf32, #tpu.memory_space<vmem>>, vector<1x16xf32>,
        %get3A_508 = vector.shape_cast %get3A_507 : vector<1x16xf32> to vector<16xf32>
        %add3A_509 = arith.addf %get3A_504, %get3A_508 : vector<16xf32>
        %swap3A_510 = arith.constant 0 : i32
        %swap3A_511 = arith.index_cast %swap3A_510 : i32 to index
        %swap3A_512 = arith.index_cast %add3A_462 : i32 to index
        %swap3A_513 = arith.constant 32 : index
        %swap3A_514 = tpu.vector_load %arg8[%swap3A_511, %swap3A_512, %swap3A_513] {strides = array<i32>} : memref<4x200x64xf32, #tpu.memory_space<vmem>>, vector<1x1x16xf32>,
        %swap3A_515 = vector.shape_cast %swap3A_514 : vector<1x1x16xf32> to vector<16xf32>
        %swap3A_516 = vector.shape_cast %add3A_509 : vector<16xf32> to vector<1x1x16xf32>
        tpu.vector_store %arg8[%swap3A_511, %swap3A_512, %swap3A_513], %swap3A_516 {strides = array<i32>} : memref<4x200x64xf32, #tpu.memory_space<vmem>>, vector<1x1x16xf32>,
        %get3A_517 = arith.constant 0 : i32
        %get3A_518 = arith.index_cast %get3A_517 : i32 to index
        %get3A_519 = arith.index_cast %add3A_462 : i32 to index
        %get3A_520 = arith.constant 48 : index
        %get3A_521 = tpu.vector_load %arg8[%get3A_518, %get3A_519, %get3A_520] {strides = array<i32>} : memref<4x200x64xf32, #tpu.memory_space<vmem>>, vector<1x1x16xf32>,
        %get3A_522 = vector.shape_cast %get3A_521 : vector<1x1x16xf32> to vector<16xf32>
        %get3A_523 = arith.index_cast %add3A_462 : i32 to index
        %get3A_524 = arith.constant 48 : index
        %get3A_525 = tpu.vector_load %arg7[%get3A_523, %get3A_524] {strides = array<i32>} : memref<200x64xf32, #tpu.memory_space<vmem>>, vector<1x16xf32>,
        %get3A_526 = vector.shape_cast %get3A_525 : vector<1x16xf32> to vector<16xf32>
        %add3A_527 = arith.addf %get3A_522, %get3A_526 : vector<16xf32>
        %swap3A_528 = arith.constant 0 : i32
        %swap3A_529 = arith.index_cast %swap3A_528 : i32 to index
        %swap3A_530 = arith.index_cast %add3A_462 : i32 to index
        %swap3A_531 = arith.constant 48 : index
        %swap3A_532 = tpu.vector_load %arg8[%swap3A_529, %swap3A_530, %swap3A_531] {strides = array<i32>} : memref<4x200x64xf32, #tpu.memory_space<vmem>>, vector<1x1x16xf32>,
        %swap3A_533 = vector.shape_cast %swap3A_532 : vector<1x1x16xf32> to vector<16xf32>
        %swap3A_534 = vector.shape_cast %add3A_527 : vector<16xf32> to vector<1x1x16xf32>
        tpu.vector_store %arg8[%swap3A_529, %swap3A_530, %swap3A_531], %swap3A_534 {strides = array<i32>} : memref<4x200x64xf32, #tpu.memory_space<vmem>>, vector<1x1x16xf32>,
        %mul3A_535 = arith.constant 4 : i32
        %mul3A_536 = arith.muli %scan3A_308, %mul3A_535 : i32
        %add3A_537 = arith.constant 3 : i32
        %add3A_538 = arith.addi %mul3A_536, %add3A_537 : i32
        %get3A_539 = arith.constant 0 : i32
        %get3A_540 = arith.index_cast %get3A_539 : i32 to index
        %get3A_541 = arith.index_cast %add3A_538 : i32 to index
        %get3A_542 = arith.constant 0 : index
        %get3A_543 = tpu.vector_load %arg8[%get3A_540, %get3A_541, %get3A_542] {strides = array<i32>} : memref<4x200x64xf32, #tpu.memory_space<vmem>>, vector<1x1x16xf32>,
        %get3A_544 = vector.shape_cast %get3A_543 : vector<1x1x16xf32> to vector<16xf32>
        %get3A_545 = arith.index_cast %add3A_538 : i32 to index
        %get3A_546 = arith.constant 0 : index
        %get3A_547 = tpu.vector_load %arg7[%get3A_545, %get3A_546] {strides = array<i32>} : memref<200x64xf32, #tpu.memory_space<vmem>>, vector<1x16xf32>,
        %get3A_548 = vector.shape_cast %get3A_547 : vector<1x16xf32> to vector<16xf32>
        %add3A_549 = arith.addf %get3A_544, %get3A_548 : vector<16xf32>
        %swap3A_550 = arith.constant 0 : i32
        %swap3A_551 = arith.index_cast %swap3A_550 : i32 to index
        %swap3A_552 = arith.index_cast %add3A_538 : i32 to index
        %swap3A_553 = arith.constant 0 : index
        %swap3A_554 = tpu.vector_load %arg8[%swap3A_551, %swap3A_552, %swap3A_553] {strides = array<i32>} : memref<4x200x64xf32, #tpu.memory_space<vmem>>, vector<1x1x16xf32>,
        %swap3A_555 = vector.shape_cast %swap3A_554 : vector<1x1x16xf32> to vector<16xf32>
        %swap3A_556 = vector.shape_cast %add3A_549 : vector<16xf32> to vector<1x1x16xf32>
        tpu.vector_store %arg8[%swap3A_551, %swap3A_552, %swap3A_553], %swap3A_556 {strides = array<i32>} : memref<4x200x64xf32, #tpu.memory_space<vmem>>, vector<1x1x16xf32>,
        %get3A_557 = arith.constant 0 : i32
        %get3A_558 = arith.index_cast %get3A_557 : i32 to index
        %get3A_559 = arith.index_cast %add3A_538 : i32 to index
        %get3A_560 = arith.constant 16 : index
        %get3A_561 = tpu.vector_load %arg8[%get3A_558, %get3A_559, %get3A_560] {strides = array<i32>} : memref<4x200x64xf32, #tpu.memory_space<vmem>>, vector<1x1x16xf32>,
        %get3A_562 = vector.shape_cast %get3A_561 : vector<1x1x16xf32> to vector<16xf32>
        %get3A_563 = arith.index_cast %add3A_538 : i32 to index
        %get3A_564 = arith.constant 16 : index
        %get3A_565 = tpu.vector_load %arg7[%get3A_563, %get3A_564] {strides = array<i32>} : memref<200x64xf32, #tpu.memory_space<vmem>>, vector<1x16xf32>,
        %get3A_566 = vector.shape_cast %get3A_565 : vector<1x16xf32> to vector<16xf32>
        %add3A_567 = arith.addf %get3A_562, %get3A_566 : vector<16xf32>
        %swap3A_568 = arith.constant 0 : i32
        %swap3A_569 = arith.index_cast %swap3A_568 : i32 to index
        %swap3A_570 = arith.index_cast %add3A_538 : i32 to index
        %swap3A_571 = arith.constant 16 : index
        %swap3A_572 = tpu.vector_load %arg8[%swap3A_569, %swap3A_570, %swap3A_571] {strides = array<i32>} : memref<4x200x64xf32, #tpu.memory_space<vmem>>, vector<1x1x16xf32>,
        %swap3A_573 = vector.shape_cast %swap3A_572 : vector<1x1x16xf32> to vector<16xf32>
        %swap3A_574 = vector.shape_cast %add3A_567 : vector<16xf32> to vector<1x1x16xf32>
        tpu.vector_store %arg8[%swap3A_569, %swap3A_570, %swap3A_571], %swap3A_574 {strides = array<i32>} : memref<4x200x64xf32, #tpu.memory_space<vmem>>, vector<1x1x16xf32>,
        %get3A_575 = arith.constant 0 : i32
        %get3A_576 = arith.index_cast %get3A_575 : i32 to index
        %get3A_577 = arith.index_cast %add3A_538 : i32 to index
        %get3A_578 = arith.constant 32 : index
        %get3A_579 = tpu.vector_load %arg8[%get3A_576, %get3A_577, %get3A_578] {strides = array<i32>} : memref<4x200x64xf32, #tpu.memory_space<vmem>>, vector<1x1x16xf32>,
        %get3A_580 = vector.shape_cast %get3A_579 : vector<1x1x16xf32> to vector<16xf32>
        %get3A_581 = arith.index_cast %add3A_538 : i32 to index
        %get3A_582 = arith.constant 32 : index
        %get3A_583 = tpu.vector_load %arg7[%get3A_581, %get3A_582] {strides = array<i32>} : memref<200x64xf32, #tpu.memory_space<vmem>>, vector<1x16xf32>,
        %get3A_584 = vector.shape_cast %get3A_583 : vector<1x16xf32> to vector<16xf32>
        %add3A_585 = arith.addf %get3A_580, %get3A_584 : vector<16xf32>
        %swap3A_586 = arith.constant 0 : i32
        %swap3A_587 = arith.index_cast %swap3A_586 : i32 to index
        %swap3A_588 = arith.index_cast %add3A_538 : i32 to index
        %swap3A_589 = arith.constant 32 : index
        %swap3A_590 = tpu.vector_load %arg8[%swap3A_587, %swap3A_588, %swap3A_589] {strides = array<i32>} : memref<4x200x64xf32, #tpu.memory_space<vmem>>, vector<1x1x16xf32>,
        %swap3A_591 = vector.shape_cast %swap3A_590 : vector<1x1x16xf32> to vector<16xf32>
        %swap3A_592 = vector.shape_cast %add3A_585 : vector<16xf32> to vector<1x1x16xf32>
        tpu.vector_store %arg8[%swap3A_587, %swap3A_588, %swap3A_589], %swap3A_592 {strides = array<i32>} : memref<4x200x64xf32, #tpu.memory_space<vmem>>, vector<1x1x16xf32>,
        %get3A_593 = arith.constant 0 : i32
        %get3A_594 = arith.index_cast %get3A_593 : i32 to index
        %get3A_595 = arith.index_cast %add3A_538 : i32 to index
        %get3A_596 = arith.constant 48 : index
        %get3A_597 = tpu.vector_load %arg8[%get3A_594, %get3A_595, %get3A_596] {strides = array<i32>} : memref<4x200x64xf32, #tpu.memory_space<vmem>>, vector<1x1x16xf32>,
        %get3A_598 = vector.shape_cast %get3A_597 : vector<1x1x16xf32> to vector<16xf32>
        %get3A_599 = arith.index_cast %add3A_538 : i32 to index
        %get3A_600 = arith.constant 48 : index
        %get3A_601 = tpu.vector_load %arg7[%get3A_599, %get3A_600] {strides = array<i32>} : memref<200x64xf32, #tpu.memory_space<vmem>>, vector<1x16xf32>,
        %get3A_602 = vector.shape_cast %get3A_601 : vector<1x16xf32> to vector<16xf32>
        %add3A_603 = arith.addf %get3A_598, %get3A_602 : vector<16xf32>
        %swap3A_604 = arith.constant 0 : i32
        %swap3A_605 = arith.index_cast %swap3A_604 : i32 to index
        %swap3A_606 = arith.index_cast %add3A_538 : i32 to index
        %swap3A_607 = arith.constant 48 : index
        %swap3A_608 = tpu.vector_load %arg8[%swap3A_605, %swap3A_606, %swap3A_607] {strides = array<i32>} : memref<4x200x64xf32, #tpu.memory_space<vmem>>, vector<1x1x16xf32>,
        %swap3A_609 = vector.shape_cast %swap3A_608 : vector<1x1x16xf32> to vector<16xf32>
        %swap3A_610 = vector.shape_cast %add3A_603 : vector<16xf32> to vector<1x1x16xf32>
        tpu.vector_store %arg8[%swap3A_605, %swap3A_606, %swap3A_607], %swap3A_610 {strides = array<i32>} : memref<4x200x64xf32, #tpu.memory_space<vmem>>, vector<1x1x16xf32>,
      }
      %scan3A_114 = arith.constant 50 : i32
      %add3A_115 = arith.addi %mul3A_2, %add3A_82 : i32
      %mul3A_116 = arith.constant 200 : i32
      %mul3A_117 = arith.muli %add3A_115, %mul3A_116 : i32
      %dma_start3A_118 = arith.constant 0 : i32
      %dma_start3A_119 = arith.constant 0 : i32
      %dma_start3A_120 = arith.constant 0 : i32
      %dma_start3A_121 = tpu.memref_slice %arg8[%dma_start3A_118, %dma_start3A_119, %dma_start3A_120] : memref<4x200x64xf32, #tpu.memory_space<vmem>> -> memref<1x200x64xf32, #tpu.memory_space<vmem>>
      %dma_start3A_122 = tpu.memref_squeeze %dma_start3A_121 : memref<1x200x64xf32, #tpu.memory_space<vmem>> -> memref<200x64xf32, #tpu.memory_space<vmem>>
      %dma_start3A_123 = arith.constant 0 : i32
      %dma_start3A_124 = tpu.memref_slice %arg5[%mul3A_117, %dma_start3A_123] : memref<819200x64xf32, #tpu.memory_space<hbm>> -> memref<200x64xf32, #tpu.memory_space<hbm>>
      %dma_start3A_125 = arith.constant 0 : i32
      %dma_start3A_126 = tpu.memref_slice %arg5[%mul3A_117, %dma_start3A_125] : memref<819200x64xf32, #tpu.memory_space<hbm>> -> memref<200x64xf32, #tpu.memory_space<hbm>>
      %dma_start3A_127 = arith.constant 0 : i32
      %dma_start3A_128 = arith.constant 0 : i32
      %dma_start3A_129 = tpu.memref_slice %arg8[%dma_start3A_118, %dma_start3A_127, %dma_start3A_128] : memref<4x200x64xf32, #tpu.memory_space<vmem>> -> memref<1x200x64xf32, #tpu.memory_space<vmem>>
      %dma_start3A_130 = tpu.memref_squeeze %dma_start3A_129 : memref<1x200x64xf32, #tpu.memory_space<vmem>> -> memref<200x64xf32, #tpu.memory_space<vmem>>
      tpu.enqueue_dma source(%dma_start3A_130 : memref<200x64xf32, #tpu.memory_space<vmem>>) target(%dma_start3A_126 : memref<200x64xf32, #tpu.memory_space<hbm>>) target_semaphore(%arg10 : memref<!tpu.dma_semaphore, #tpu.memory_space<semaphore_mem>>)
      %mul3A_131 = arith.constant 4 : i32
      %mul3A_132 = arith.muli %scan3A_78, %mul3A_131 : i32
      %add3A_133 = arith.constant 1 : i32
      %add3A_134 = arith.addi %mul3A_132, %add3A_133 : i32
      %gt3A_135 = arith.constant 0 : i32
      %gt3A_136 = arith.cmpi sgt, %scan3A_78, %gt3A_135 : i32
      %convert_element_type3A_137 = arith.extui %gt3A_136 : i1 to i32
      %cond3A_138 = arith.constant 0 : i32
      %cond3A_139 = arith.cmpi ne, %convert_element_type3A_137, %cond3A_138 : i32
      scf.if %cond3A_139 {
        %dma_wait3A_308 = arith.constant 3 : i32
        %dma_wait3A_309 = arith.constant 0 : i32
        %dma_wait3A_310 = arith.constant 0 : i32
        %dma_wait3A_311 = tpu.memref_slice %arg8[%dma_wait3A_308, %dma_wait3A_309, %dma_wait3A_310] : memref<4x200x64xf32, #tpu.memory_space<vmem>> -> memref<1x200x64xf32, #tpu.memory_space<vmem>>
        %dma_wait3A_312 = tpu.memref_squeeze %dma_wait3A_311 : memref<1x200x64xf32, #tpu.memory_space<vmem>> -> memref<200x64xf32, #tpu.memory_space<vmem>>
        %dma_wait3A_313 = arith.constant 0 : i32
        %dma_wait3A_314 = arith.constant 0 : i32
        %dma_wait3A_315 = tpu.memref_slice %arg5[%dma_wait3A_313, %dma_wait3A_314] : memref<819200x64xf32, #tpu.memory_space<hbm>> -> memref<200x64xf32, #tpu.memory_space<hbm>>
        %dma_wait3A_316 = arith.constant 0 : i32
        %dma_wait3A_317 = arith.constant 0 : i32
        %dma_wait3A_318 = tpu.memref_slice %arg5[%dma_wait3A_316, %dma_wait3A_317] : memref<819200x64xf32, #tpu.memory_space<hbm>> -> memref<200x64xf32, #tpu.memory_space<hbm>>
        %dma_wait3A_319 = arith.constant 0 : i32
        %dma_wait3A_320 = arith.constant 0 : i32
        %dma_wait3A_321 = tpu.memref_slice %arg8[%dma_wait3A_308, %dma_wait3A_319, %dma_wait3A_320] : memref<4x200x64xf32, #tpu.memory_space<vmem>> -> memref<1x200x64xf32, #tpu.memory_space<vmem>>
        %dma_wait3A_322 = tpu.memref_squeeze %dma_wait3A_321 : memref<1x200x64xf32, #tpu.memory_space<vmem>> -> memref<200x64xf32, #tpu.memory_space<vmem>>
        tpu.wait_dma2 semaphore(%arg10 : memref<!tpu.dma_semaphore, #tpu.memory_space<semaphore_mem>>) src(%dma_wait3A_322 : memref<200x64xf32, #tpu.memory_space<vmem>>) dst(%dma_wait3A_318 : memref<200x64xf32, #tpu.memory_space<hbm>>)
      } else {
      }
      %gt3A_140 = arith.constant 0 : i32
      %gt3A_141 = arith.cmpi sgt, %scan3A_78, %gt3A_140 : i32
      %convert_element_type3A_142 = arith.extui %gt3A_141 : i1 to i32
      %cond3A_143 = arith.constant 0 : i32
      %cond3A_144 = arith.cmpi ne, %convert_element_type3A_142, %cond3A_143 : i32
      scf.if %cond3A_144 {
        %add3A_308 = arith.constant 2 : i32
        %add3A_309 = arith.addi %add3A_134, %add3A_308 : i32
        %mul3A_310 = arith.constant 200 : i32
        %mul3A_311 = arith.muli %add3A_309, %mul3A_310 : i32
        %dma_start3A_312 = arith.constant 3 : i32
        %dma_start3A_313 = arith.constant 0 : i32
        %dma_start3A_314 = arith.constant 0 : i32
        %dma_start3A_315 = tpu.memref_slice %arg8[%dma_start3A_312, %dma_start3A_313, %dma_start3A_314] : memref<4x200x64xf32, #tpu.memory_space<vmem>> -> memref<1x104x64xf32, #tpu.memory_space<vmem>>
        %dma_start3A_316 = tpu.memref_squeeze %dma_start3A_315 : memref<1x104x64xf32, #tpu.memory_space<vmem>> -> memref<104x64xf32, #tpu.memory_space<vmem>>
        %dma_start3A_317 = tpu.memref_slice %arg6[%mul3A_311] : memref<25600xi32, #tpu.memory_space<vmem>> -> memref<104xi32, #tpu.memory_space<vmem>>
        %dma_start3A_318 = arith.constant 0 : i32
        %dma_start3A_319 = arith.constant 0 : i32
        %dma_start3A_320 = tpu.memref_slice %arg3[%dma_start3A_318, %dma_start3A_319] : memref<100000x64xf32, #tpu.memory_space<hbm>> -> memref<100000x64xf32, #tpu.memory_space<hbm>>
        tpu.enqueue_indirect_dma source(%dma_start3A_320 : memref<100000x64xf32, #tpu.memory_space<hbm>>) target(%dma_start3A_316 : memref<104x64xf32, #tpu.memory_space<vmem>>) offsets(%dma_start3A_317 : memref<104xi32, #tpu.memory_space<vmem>>) semaphore(%arg9 : memref<!tpu.dma_semaphore, #tpu.memory_space<semaphore_mem>>)
        %mul3A_321 = arith.constant 200 : i32
        %mul3A_322 = arith.muli %add3A_309, %mul3A_321 : i32
        %add3A_323 = arith.constant 104 : i32
        %add3A_324 = arith.addi %mul3A_322, %add3A_323 : i32
        %dma_start3A_325 = arith.constant 3 : i32
        %dma_start3A_326 = arith.constant 104 : i32
        %dma_start3A_327 = arith.constant 0 : i32
        %dma_start3A_328 = tpu.memref_slice %arg8[%dma_start3A_325, %dma_start3A_326, %dma_start3A_327] : memref<4x200x64xf32, #tpu.memory_space<vmem>> -> memref<1x96x64xf32, #tpu.memory_space<vmem>>
        %dma_start3A_329 = tpu.memref_squeeze %dma_start3A_328 : memref<1x96x64xf32, #tpu.memory_space<vmem>> -> memref<96x64xf32, #tpu.memory_space<vmem>>
        %dma_start3A_330 = tpu.memref_slice %arg6[%add3A_324] : memref<25600xi32, #tpu.memory_space<vmem>> -> memref<96xi32, #tpu.memory_space<vmem>>
        %dma_start3A_331 = arith.constant 0 : i32
        %dma_start3A_332 = arith.constant 0 : i32
        %dma_start3A_333 = tpu.memref_slice %arg3[%dma_start3A_331, %dma_start3A_332] : memref<100000x64xf32, #tpu.memory_space<hbm>> -> memref<100000x64xf32, #tpu.memory_space<hbm>>
        tpu.enqueue_indirect_dma source(%dma_start3A_333 : memref<100000x64xf32, #tpu.memory_space<hbm>>) target(%dma_start3A_329 : memref<96x64xf32, #tpu.memory_space<vmem>>) offsets(%dma_start3A_330 : memref<96xi32, #tpu.memory_space<vmem>>) semaphore(%arg9 : memref<!tpu.dma_semaphore, #tpu.memory_space<semaphore_mem>>)
      } else {
      }
      %eq3A_145 = arith.constant 0 : i32
      %eq3A_146 = arith.cmpi eq, %scan3A_78, %eq3A_145 : i32
      %convert_element_type3A_147 = arith.extui %eq3A_146 : i1 to i32
      %cond3A_148 = arith.constant 0 : i32
      %cond3A_149 = arith.cmpi ne, %convert_element_type3A_147, %cond3A_148 : i32
      scf.if %cond3A_149 {
        %add3A_308 = arith.constant 2 : i32
        %add3A_309 = arith.addi %add3A_134, %add3A_308 : i32
        %mul3A_310 = arith.constant 200 : i32
        %mul3A_311 = arith.muli %add3A_309, %mul3A_310 : i32
        %dma_start3A_312 = arith.constant 3 : i32
        %dma_start3A_313 = arith.constant 0 : i32
        %dma_start3A_314 = arith.constant 0 : i32
        %dma_start3A_315 = tpu.memref_slice %arg8[%dma_start3A_312, %dma_start3A_313, %dma_start3A_314] : memref<4x200x64xf32, #tpu.memory_space<vmem>> -> memref<1x104x64xf32, #tpu.memory_space<vmem>>
        %dma_start3A_316 = tpu.memref_squeeze %dma_start3A_315 : memref<1x104x64xf32, #tpu.memory_space<vmem>> -> memref<104x64xf32, #tpu.memory_space<vmem>>
        %dma_start3A_317 = tpu.memref_slice %arg6[%mul3A_311] : memref<25600xi32, #tpu.memory_space<vmem>> -> memref<104xi32, #tpu.memory_space<vmem>>
        %dma_start3A_318 = arith.constant 0 : i32
        %dma_start3A_319 = arith.constant 0 : i32
        %dma_start3A_320 = tpu.memref_slice %arg3[%dma_start3A_318, %dma_start3A_319] : memref<100000x64xf32, #tpu.memory_space<hbm>> -> memref<100000x64xf32, #tpu.memory_space<hbm>>
        tpu.enqueue_indirect_dma source(%dma_start3A_320 : memref<100000x64xf32, #tpu.memory_space<hbm>>) target(%dma_start3A_316 : memref<104x64xf32, #tpu.memory_space<vmem>>) offsets(%dma_start3A_317 : memref<104xi32, #tpu.memory_space<vmem>>) semaphore(%arg9 : memref<!tpu.dma_semaphore, #tpu.memory_space<semaphore_mem>>)
        %mul3A_321 = arith.constant 200 : i32
        %mul3A_322 = arith.muli %add3A_309, %mul3A_321 : i32
        %add3A_323 = arith.constant 104 : i32
        %add3A_324 = arith.addi %mul3A_322, %add3A_323 : i32
        %dma_start3A_325 = arith.constant 3 : i32
        %dma_start3A_326 = arith.constant 104 : i32
        %dma_start3A_327 = arith.constant 0 : i32
        %dma_start3A_328 = tpu.memref_slice %arg8[%dma_start3A_325, %dma_start3A_326, %dma_start3A_327] : memref<4x200x64xf32, #tpu.memory_space<vmem>> -> memref<1x96x64xf32, #tpu.memory_space<vmem>>
        %dma_start3A_329 = tpu.memref_squeeze %dma_start3A_328 : memref<1x96x64xf32, #tpu.memory_space<vmem>> -> memref<96x64xf32, #tpu.memory_space<vmem>>
        %dma_start3A_330 = tpu.memref_slice %arg6[%add3A_324] : memref<25600xi32, #tpu.memory_space<vmem>> -> memref<96xi32, #tpu.memory_space<vmem>>
        %dma_start3A_331 = arith.constant 0 : i32
        %dma_start3A_332 = arith.constant 0 : i32
        %dma_start3A_333 = tpu.memref_slice %arg3[%dma_start3A_331, %dma_start3A_332] : memref<100000x64xf32, #tpu.memory_space<hbm>> -> memref<100000x64xf32, #tpu.memory_space<hbm>>
        tpu.enqueue_indirect_dma source(%dma_start3A_333 : memref<100000x64xf32, #tpu.memory_space<hbm>>) target(%dma_start3A_329 : memref<96x64xf32, #tpu.memory_space<vmem>>) offsets(%dma_start3A_330 : memref<96xi32, #tpu.memory_space<vmem>>) semaphore(%arg9 : memref<!tpu.dma_semaphore, #tpu.memory_space<semaphore_mem>>)
      } else {
      }
      %dma_wait3A_150 = arith.constant 1 : i32
      %dma_wait3A_151 = arith.constant 0 : i32
      %dma_wait3A_152 = arith.constant 0 : i32
      %dma_wait3A_153 = tpu.memref_slice %arg8[%dma_wait3A_150, %dma_wait3A_151, %dma_wait3A_152] : memref<4x200x64xf32, #tpu.memory_space<vmem>> -> memref<1x200x64xf32, #tpu.memory_space<vmem>>
      %dma_wait3A_154 = tpu.memref_squeeze %dma_wait3A_153 : memref<1x200x64xf32, #tpu.memory_space<vmem>> -> memref<200x64xf32, #tpu.memory_space<vmem>>
      %dma_wait3A_155 = arith.constant 0 : i32
      %dma_wait3A_156 = arith.constant 0 : i32
      %dma_wait3A_157 = tpu.memref_slice %arg5[%dma_wait3A_155, %dma_wait3A_156] : memref<819200x64xf32, #tpu.memory_space<hbm>> -> memref<200x64xf32, #tpu.memory_space<hbm>>
      %dma_wait3A_158 = arith.constant 0 : i32
      %dma_wait3A_159 = arith.constant 0 : i32
      %dma_wait3A_160 = tpu.memref_slice %arg8[%dma_wait3A_150, %dma_wait3A_158, %dma_wait3A_159] : memref<4x200x64xf32, #tpu.memory_space<vmem>> -> memref<1x200x64xf32, #tpu.memory_space<vmem>>
      %dma_wait3A_161 = tpu.memref_squeeze %dma_wait3A_160 : memref<1x200x64xf32, #tpu.memory_space<vmem>> -> memref<200x64xf32, #tpu.memory_space<vmem>>
      %dma_wait3A_162 = arith.constant 0 : i32
      %dma_wait3A_163 = arith.constant 0 : i32
      %dma_wait3A_164 = tpu.memref_slice %arg5[%dma_wait3A_162, %dma_wait3A_163] : memref<819200x64xf32, #tpu.memory_space<hbm>> -> memref<200x64xf32, #tpu.memory_space<hbm>>
      tpu.wait_dma2 semaphore(%arg9 : memref<!tpu.dma_semaphore, #tpu.memory_space<semaphore_mem>>) src(%dma_wait3A_164 : memref<200x64xf32, #tpu.memory_space<hbm>>) dst(%dma_wait3A_161 : memref<200x64xf32, #tpu.memory_space<vmem>>)
      %scan3A_165 = arith.constant 0 : i32
      %scan3A_166 = arith.constant 0 : i32
      %scan3A_167 = arith.constant 50 : i32
      %scan3A_168 = arith.addi %scan3A_166, %scan3A_167 : i32
      %scan3A_169 = arith.constant 1 : i32
      scf.for %scan3A_308 = %scan3A_166 to %scan3A_168 step %scan3A_169  : i32 {
        %mul3A_309 = arith.constant 4 : i32
        %mul3A_310 = arith.muli %scan3A_308, %mul3A_309 : i32
        %add3A_311 = arith.constant 0 : i32
        %add3A_312 = arith.addi %mul3A_310, %add3A_311 : i32
        %get3A = arith.constant 1 : i32
        %get3A_313 = arith.index_cast %get3A : i32 to index
        %get3A_314 = arith.index_cast %add3A_312 : i32 to index
        %get3A_315 = arith.constant 0 : index
        %get3A_316 = tpu.vector_load %arg8[%get3A_313, %get3A_314, %get3A_315] {strides = array<i32>} : memref<4x200x64xf32, #tpu.memory_space<vmem>>, vector<1x1x16xf32>,
        %get3A_317 = vector.shape_cast %get3A_316 : vector<1x1x16xf32> to vector<16xf32>
        %get3A_318 = arith.index_cast %add3A_312 : i32 to index
        %get3A_319 = arith.constant 0 : index
        %get3A_320 = tpu.vector_load %arg7[%get3A_318, %get3A_319] {strides = array<i32>} : memref<200x64xf32, #tpu.memory_space<vmem>>, vector<1x16xf32>,
        %get3A_321 = vector.shape_cast %get3A_320 : vector<1x16xf32> to vector<16xf32>
        %add3A_322 = arith.addf %get3A_317, %get3A_321 : vector<16xf32>
        %swap3A = arith.constant 1 : i32
        %swap3A_323 = arith.index_cast %swap3A : i32 to index
        %swap3A_324 = arith.index_cast %add3A_312 : i32 to index
        %swap3A_325 = arith.constant 0 : index
        %swap3A_326 = tpu.vector_load %arg8[%swap3A_323, %swap3A_324, %swap3A_325] {strides = array<i32>} : memref<4x200x64xf32, #tpu.memory_space<vmem>>, vector<1x1x16xf32>,
        %swap3A_327 = vector.shape_cast %swap3A_326 : vector<1x1x16xf32> to vector<16xf32>
        %swap3A_328 = vector.shape_cast %add3A_322 : vector<16xf32> to vector<1x1x16xf32>
        tpu.vector_store %arg8[%swap3A_323, %swap3A_324, %swap3A_325], %swap3A_328 {strides = array<i32>} : memref<4x200x64xf32, #tpu.memory_space<vmem>>, vector<1x1x16xf32>,
        %get3A_329 = arith.constant 1 : i32
        %get3A_330 = arith.index_cast %get3A_329 : i32 to index
        %get3A_331 = arith.index_cast %add3A_312 : i32 to index
        %get3A_332 = arith.constant 16 : index
        %get3A_333 = tpu.vector_load %arg8[%get3A_330, %get3A_331, %get3A_332] {strides = array<i32>} : memref<4x200x64xf32, #tpu.memory_space<vmem>>, vector<1x1x16xf32>,
        %get3A_334 = vector.shape_cast %get3A_333 : vector<1x1x16xf32> to vector<16xf32>
        %get3A_335 = arith.index_cast %add3A_312 : i32 to index
        %get3A_336 = arith.constant 16 : index
        %get3A_337 = tpu.vector_load %arg7[%get3A_335, %get3A_336] {strides = array<i32>} : memref<200x64xf32, #tpu.memory_space<vmem>>, vector<1x16xf32>,
        %get3A_338 = vector.shape_cast %get3A_337 : vector<1x16xf32> to vector<16xf32>
        %add3A_339 = arith.addf %get3A_334, %get3A_338 : vector<16xf32>
        %swap3A_340 = arith.constant 1 : i32
        %swap3A_341 = arith.index_cast %swap3A_340 : i32 to index
        %swap3A_342 = arith.index_cast %add3A_312 : i32 to index
        %swap3A_343 = arith.constant 16 : index
        %swap3A_344 = tpu.vector_load %arg8[%swap3A_341, %swap3A_342, %swap3A_343] {strides = array<i32>} : memref<4x200x64xf32, #tpu.memory_space<vmem>>, vector<1x1x16xf32>,
        %swap3A_345 = vector.shape_cast %swap3A_344 : vector<1x1x16xf32> to vector<16xf32>
        %swap3A_346 = vector.shape_cast %add3A_339 : vector<16xf32> to vector<1x1x16xf32>
        tpu.vector_store %arg8[%swap3A_341, %swap3A_342, %swap3A_343], %swap3A_346 {strides = array<i32>} : memref<4x200x64xf32, #tpu.memory_space<vmem>>, vector<1x1x16xf32>,
        %get3A_347 = arith.constant 1 : i32
        %get3A_348 = arith.index_cast %get3A_347 : i32 to index
        %get3A_349 = arith.index_cast %add3A_312 : i32 to index
        %get3A_350 = arith.constant 32 : index
        %get3A_351 = tpu.vector_load %arg8[%get3A_348, %get3A_349, %get3A_350] {strides = array<i32>} : memref<4x200x64xf32, #tpu.memory_space<vmem>>, vector<1x1x16xf32>,
        %get3A_352 = vector.shape_cast %get3A_351 : vector<1x1x16xf32> to vector<16xf32>
        %get3A_353 = arith.index_cast %add3A_312 : i32 to index
        %get3A_354 = arith.constant 32 : index
        %get3A_355 = tpu.vector_load %arg7[%get3A_353, %get3A_354] {strides = array<i32>} : memref<200x64xf32, #tpu.memory_space<vmem>>, vector<1x16xf32>,
        %get3A_356 = vector.shape_cast %get3A_355 : vector<1x16xf32> to vector<16xf32>
        %add3A_357 = arith.addf %get3A_352, %get3A_356 : vector<16xf32>
        %swap3A_358 = arith.constant 1 : i32
        %swap3A_359 = arith.index_cast %swap3A_358 : i32 to index
        %swap3A_360 = arith.index_cast %add3A_312 : i32 to index
        %swap3A_361 = arith.constant 32 : index
        %swap3A_362 = tpu.vector_load %arg8[%swap3A_359, %swap3A_360, %swap3A_361] {strides = array<i32>} : memref<4x200x64xf32, #tpu.memory_space<vmem>>, vector<1x1x16xf32>,
        %swap3A_363 = vector.shape_cast %swap3A_362 : vector<1x1x16xf32> to vector<16xf32>
        %swap3A_364 = vector.shape_cast %add3A_357 : vector<16xf32> to vector<1x1x16xf32>
        tpu.vector_store %arg8[%swap3A_359, %swap3A_360, %swap3A_361], %swap3A_364 {strides = array<i32>} : memref<4x200x64xf32, #tpu.memory_space<vmem>>, vector<1x1x16xf32>,
        %get3A_365 = arith.constant 1 : i32
        %get3A_366 = arith.index_cast %get3A_365 : i32 to index
        %get3A_367 = arith.index_cast %add3A_312 : i32 to index
        %get3A_368 = arith.constant 48 : index
        %get3A_369 = tpu.vector_load %arg8[%get3A_366, %get3A_367, %get3A_368] {strides = array<i32>} : memref<4x200x64xf32, #tpu.memory_space<vmem>>, vector<1x1x16xf32>,
        %get3A_370 = vector.shape_cast %get3A_369 : vector<1x1x16xf32> to vector<16xf32>
        %get3A_371 = arith.index_cast %add3A_312 : i32 to index
        %get3A_372 = arith.constant 48 : index
        %get3A_373 = tpu.vector_load %arg7[%get3A_371, %get3A_372] {strides = array<i32>} : memref<200x64xf32, #tpu.memory_space<vmem>>, vector<1x16xf32>,
        %get3A_374 = vector.shape_cast %get3A_373 : vector<1x16xf32> to vector<16xf32>
        %add3A_375 = arith.addf %get3A_370, %get3A_374 : vector<16xf32>
        %swap3A_376 = arith.constant 1 : i32
        %swap3A_377 = arith.index_cast %swap3A_376 : i32 to index
        %swap3A_378 = arith.index_cast %add3A_312 : i32 to index
        %swap3A_379 = arith.constant 48 : index
        %swap3A_380 = tpu.vector_load %arg8[%swap3A_377, %swap3A_378, %swap3A_379] {strides = array<i32>} : memref<4x200x64xf32, #tpu.memory_space<vmem>>, vector<1x1x16xf32>,
        %swap3A_381 = vector.shape_cast %swap3A_380 : vector<1x1x16xf32> to vector<16xf32>
        %swap3A_382 = vector.shape_cast %add3A_375 : vector<16xf32> to vector<1x1x16xf32>
        tpu.vector_store %arg8[%swap3A_377, %swap3A_378, %swap3A_379], %swap3A_382 {strides = array<i32>} : memref<4x200x64xf32, #tpu.memory_space<vmem>>, vector<1x1x16xf32>,
        %mul3A_383 = arith.constant 4 : i32
        %mul3A_384 = arith.muli %scan3A_308, %mul3A_383 : i32
        %add3A_385 = arith.constant 1 : i32
        %add3A_386 = arith.addi %mul3A_384, %add3A_385 : i32
        %get3A_387 = arith.constant 1 : i32
        %get3A_388 = arith.index_cast %get3A_387 : i32 to index
        %get3A_389 = arith.index_cast %add3A_386 : i32 to index
        %get3A_390 = arith.constant 0 : index
        %get3A_391 = tpu.vector_load %arg8[%get3A_388, %get3A_389, %get3A_390] {strides = array<i32>} : memref<4x200x64xf32, #tpu.memory_space<vmem>>, vector<1x1x16xf32>,
        %get3A_392 = vector.shape_cast %get3A_391 : vector<1x1x16xf32> to vector<16xf32>
        %get3A_393 = arith.index_cast %add3A_386 : i32 to index
        %get3A_394 = arith.constant 0 : index
        %get3A_395 = tpu.vector_load %arg7[%get3A_393, %get3A_394] {strides = array<i32>} : memref<200x64xf32, #tpu.memory_space<vmem>>, vector<1x16xf32>,
        %get3A_396 = vector.shape_cast %get3A_395 : vector<1x16xf32> to vector<16xf32>
        %add3A_397 = arith.addf %get3A_392, %get3A_396 : vector<16xf32>
        %swap3A_398 = arith.constant 1 : i32
        %swap3A_399 = arith.index_cast %swap3A_398 : i32 to index
        %swap3A_400 = arith.index_cast %add3A_386 : i32 to index
        %swap3A_401 = arith.constant 0 : index
        %swap3A_402 = tpu.vector_load %arg8[%swap3A_399, %swap3A_400, %swap3A_401] {strides = array<i32>} : memref<4x200x64xf32, #tpu.memory_space<vmem>>, vector<1x1x16xf32>,
        %swap3A_403 = vector.shape_cast %swap3A_402 : vector<1x1x16xf32> to vector<16xf32>
        %swap3A_404 = vector.shape_cast %add3A_397 : vector<16xf32> to vector<1x1x16xf32>
        tpu.vector_store %arg8[%swap3A_399, %swap3A_400, %swap3A_401], %swap3A_404 {strides = array<i32>} : memref<4x200x64xf32, #tpu.memory_space<vmem>>, vector<1x1x16xf32>,
        %get3A_405 = arith.constant 1 : i32
        %get3A_406 = arith.index_cast %get3A_405 : i32 to index
        %get3A_407 = arith.index_cast %add3A_386 : i32 to index
        %get3A_408 = arith.constant 16 : index
        %get3A_409 = tpu.vector_load %arg8[%get3A_406, %get3A_407, %get3A_408] {strides = array<i32>} : memref<4x200x64xf32, #tpu.memory_space<vmem>>, vector<1x1x16xf32>,
        %get3A_410 = vector.shape_cast %get3A_409 : vector<1x1x16xf32> to vector<16xf32>
        %get3A_411 = arith.index_cast %add3A_386 : i32 to index
        %get3A_412 = arith.constant 16 : index
        %get3A_413 = tpu.vector_load %arg7[%get3A_411, %get3A_412] {strides = array<i32>} : memref<200x64xf32, #tpu.memory_space<vmem>>, vector<1x16xf32>,
        %get3A_414 = vector.shape_cast %get3A_413 : vector<1x16xf32> to vector<16xf32>
        %add3A_415 = arith.addf %get3A_410, %get3A_414 : vector<16xf32>
        %swap3A_416 = arith.constant 1 : i32
        %swap3A_417 = arith.index_cast %swap3A_416 : i32 to index
        %swap3A_418 = arith.index_cast %add3A_386 : i32 to index
        %swap3A_419 = arith.constant 16 : index
        %swap3A_420 = tpu.vector_load %arg8[%swap3A_417, %swap3A_418, %swap3A_419] {strides = array<i32>} : memref<4x200x64xf32, #tpu.memory_space<vmem>>, vector<1x1x16xf32>,
        %swap3A_421 = vector.shape_cast %swap3A_420 : vector<1x1x16xf32> to vector<16xf32>
        %swap3A_422 = vector.shape_cast %add3A_415 : vector<16xf32> to vector<1x1x16xf32>
        tpu.vector_store %arg8[%swap3A_417, %swap3A_418, %swap3A_419], %swap3A_422 {strides = array<i32>} : memref<4x200x64xf32, #tpu.memory_space<vmem>>, vector<1x1x16xf32>,
        %get3A_423 = arith.constant 1 : i32
        %get3A_424 = arith.index_cast %get3A_423 : i32 to index
        %get3A_425 = arith.index_cast %add3A_386 : i32 to index
        %get3A_426 = arith.constant 32 : index
        %get3A_427 = tpu.vector_load %arg8[%get3A_424, %get3A_425, %get3A_426] {strides = array<i32>} : memref<4x200x64xf32, #tpu.memory_space<vmem>>, vector<1x1x16xf32>,
        %get3A_428 = vector.shape_cast %get3A_427 : vector<1x1x16xf32> to vector<16xf32>
        %get3A_429 = arith.index_cast %add3A_386 : i32 to index
        %get3A_430 = arith.constant 32 : index
        %get3A_431 = tpu.vector_load %arg7[%get3A_429, %get3A_430] {strides = array<i32>} : memref<200x64xf32, #tpu.memory_space<vmem>>, vector<1x16xf32>,
        %get3A_432 = vector.shape_cast %get3A_431 : vector<1x16xf32> to vector<16xf32>
        %add3A_433 = arith.addf %get3A_428, %get3A_432 : vector<16xf32>
        %swap3A_434 = arith.constant 1 : i32
        %swap3A_435 = arith.index_cast %swap3A_434 : i32 to index
        %swap3A_436 = arith.index_cast %add3A_386 : i32 to index
        %swap3A_437 = arith.constant 32 : index
        %swap3A_438 = tpu.vector_load %arg8[%swap3A_435, %swap3A_436, %swap3A_437] {strides = array<i32>} : memref<4x200x64xf32, #tpu.memory_space<vmem>>, vector<1x1x16xf32>,
        %swap3A_439 = vector.shape_cast %swap3A_438 : vector<1x1x16xf32> to vector<16xf32>
        %swap3A_440 = vector.shape_cast %add3A_433 : vector<16xf32> to vector<1x1x16xf32>
        tpu.vector_store %arg8[%swap3A_435, %swap3A_436, %swap3A_437], %swap3A_440 {strides = array<i32>} : memref<4x200x64xf32, #tpu.memory_space<vmem>>, vector<1x1x16xf32>,
        %get3A_441 = arith.constant 1 : i32
        %get3A_442 = arith.index_cast %get3A_441 : i32 to index
        %get3A_443 = arith.index_cast %add3A_386 : i32 to index
        %get3A_444 = arith.constant 48 : index
        %get3A_445 = tpu.vector_load %arg8[%get3A_442, %get3A_443, %get3A_444] {strides = array<i32>} : memref<4x200x64xf32, #tpu.memory_space<vmem>>, vector<1x1x16xf32>,
        %get3A_446 = vector.shape_cast %get3A_445 : vector<1x1x16xf32> to vector<16xf32>
        %get3A_447 = arith.index_cast %add3A_386 : i32 to index
        %get3A_448 = arith.constant 48 : index
        %get3A_449 = tpu.vector_load %arg7[%get3A_447, %get3A_448] {strides = array<i32>} : memref<200x64xf32, #tpu.memory_space<vmem>>, vector<1x16xf32>,
        %get3A_450 = vector.shape_cast %get3A_449 : vector<1x16xf32> to vector<16xf32>
        %add3A_451 = arith.addf %get3A_446, %get3A_450 : vector<16xf32>
        %swap3A_452 = arith.constant 1 : i32
        %swap3A_453 = arith.index_cast %swap3A_452 : i32 to index
        %swap3A_454 = arith.index_cast %add3A_386 : i32 to index
        %swap3A_455 = arith.constant 48 : index
        %swap3A_456 = tpu.vector_load %arg8[%swap3A_453, %swap3A_454, %swap3A_455] {strides = array<i32>} : memref<4x200x64xf32, #tpu.memory_space<vmem>>, vector<1x1x16xf32>,
        %swap3A_457 = vector.shape_cast %swap3A_456 : vector<1x1x16xf32> to vector<16xf32>
        %swap3A_458 = vector.shape_cast %add3A_451 : vector<16xf32> to vector<1x1x16xf32>
        tpu.vector_store %arg8[%swap3A_453, %swap3A_454, %swap3A_455], %swap3A_458 {strides = array<i32>} : memref<4x200x64xf32, #tpu.memory_space<vmem>>, vector<1x1x16xf32>,
        %mul3A_459 = arith.constant 4 : i32
        %mul3A_460 = arith.muli %scan3A_308, %mul3A_459 : i32
        %add3A_461 = arith.constant 2 : i32
        %add3A_462 = arith.addi %mul3A_460, %add3A_461 : i32
        %get3A_463 = arith.constant 1 : i32
        %get3A_464 = arith.index_cast %get3A_463 : i32 to index
        %get3A_465 = arith.index_cast %add3A_462 : i32 to index
        %get3A_466 = arith.constant 0 : index
        %get3A_467 = tpu.vector_load %arg8[%get3A_464, %get3A_465, %get3A_466] {strides = array<i32>} : memref<4x200x64xf32, #tpu.memory_space<vmem>>, vector<1x1x16xf32>,
        %get3A_468 = vector.shape_cast %get3A_467 : vector<1x1x16xf32> to vector<16xf32>
        %get3A_469 = arith.index_cast %add3A_462 : i32 to index
        %get3A_470 = arith.constant 0 : index
        %get3A_471 = tpu.vector_load %arg7[%get3A_469, %get3A_470] {strides = array<i32>} : memref<200x64xf32, #tpu.memory_space<vmem>>, vector<1x16xf32>,
        %get3A_472 = vector.shape_cast %get3A_471 : vector<1x16xf32> to vector<16xf32>
        %add3A_473 = arith.addf %get3A_468, %get3A_472 : vector<16xf32>
        %swap3A_474 = arith.constant 1 : i32
        %swap3A_475 = arith.index_cast %swap3A_474 : i32 to index
        %swap3A_476 = arith.index_cast %add3A_462 : i32 to index
        %swap3A_477 = arith.constant 0 : index
        %swap3A_478 = tpu.vector_load %arg8[%swap3A_475, %swap3A_476, %swap3A_477] {strides = array<i32>} : memref<4x200x64xf32, #tpu.memory_space<vmem>>, vector<1x1x16xf32>,
        %swap3A_479 = vector.shape_cast %swap3A_478 : vector<1x1x16xf32> to vector<16xf32>
        %swap3A_480 = vector.shape_cast %add3A_473 : vector<16xf32> to vector<1x1x16xf32>
        tpu.vector_store %arg8[%swap3A_475, %swap3A_476, %swap3A_477], %swap3A_480 {strides = array<i32>} : memref<4x200x64xf32, #tpu.memory_space<vmem>>, vector<1x1x16xf32>,
        %get3A_481 = arith.constant 1 : i32
        %get3A_482 = arith.index_cast %get3A_481 : i32 to index
        %get3A_483 = arith.index_cast %add3A_462 : i32 to index
        %get3A_484 = arith.constant 16 : index
        %get3A_485 = tpu.vector_load %arg8[%get3A_482, %get3A_483, %get3A_484] {strides = array<i32>} : memref<4x200x64xf32, #tpu.memory_space<vmem>>, vector<1x1x16xf32>,
        %get3A_486 = vector.shape_cast %get3A_485 : vector<1x1x16xf32> to vector<16xf32>
        %get3A_487 = arith.index_cast %add3A_462 : i32 to index
        %get3A_488 = arith.constant 16 : index
        %get3A_489 = tpu.vector_load %arg7[%get3A_487, %get3A_488] {strides = array<i32>} : memref<200x64xf32, #tpu.memory_space<vmem>>, vector<1x16xf32>,
        %get3A_490 = vector.shape_cast %get3A_489 : vector<1x16xf32> to vector<16xf32>
        %add3A_491 = arith.addf %get3A_486, %get3A_490 : vector<16xf32>
        %swap3A_492 = arith.constant 1 : i32
        %swap3A_493 = arith.index_cast %swap3A_492 : i32 to index
        %swap3A_494 = arith.index_cast %add3A_462 : i32 to index
        %swap3A_495 = arith.constant 16 : index
        %swap3A_496 = tpu.vector_load %arg8[%swap3A_493, %swap3A_494, %swap3A_495] {strides = array<i32>} : memref<4x200x64xf32, #tpu.memory_space<vmem>>, vector<1x1x16xf32>,
        %swap3A_497 = vector.shape_cast %swap3A_496 : vector<1x1x16xf32> to vector<16xf32>
        %swap3A_498 = vector.shape_cast %add3A_491 : vector<16xf32> to vector<1x1x16xf32>
        tpu.vector_store %arg8[%swap3A_493, %swap3A_494, %swap3A_495], %swap3A_498 {strides = array<i32>} : memref<4x200x64xf32, #tpu.memory_space<vmem>>, vector<1x1x16xf32>,
        %get3A_499 = arith.constant 1 : i32
        %get3A_500 = arith.index_cast %get3A_499 : i32 to index
        %get3A_501 = arith.index_cast %add3A_462 : i32 to index
        %get3A_502 = arith.constant 32 : index
        %get3A_503 = tpu.vector_load %arg8[%get3A_500, %get3A_501, %get3A_502] {strides = array<i32>} : memref<4x200x64xf32, #tpu.memory_space<vmem>>, vector<1x1x16xf32>,
        %get3A_504 = vector.shape_cast %get3A_503 : vector<1x1x16xf32> to vector<16xf32>
        %get3A_505 = arith.index_cast %add3A_462 : i32 to index
        %get3A_506 = arith.constant 32 : index
        %get3A_507 = tpu.vector_load %arg7[%get3A_505, %get3A_506] {strides = array<i32>} : memref<200x64xf32, #tpu.memory_space<vmem>>, vector<1x16xf32>,
        %get3A_508 = vector.shape_cast %get3A_507 : vector<1x16xf32> to vector<16xf32>
        %add3A_509 = arith.addf %get3A_504, %get3A_508 : vector<16xf32>
        %swap3A_510 = arith.constant 1 : i32
        %swap3A_511 = arith.index_cast %swap3A_510 : i32 to index
        %swap3A_512 = arith.index_cast %add3A_462 : i32 to index
        %swap3A_513 = arith.constant 32 : index
        %swap3A_514 = tpu.vector_load %arg8[%swap3A_511, %swap3A_512, %swap3A_513] {strides = array<i32>} : memref<4x200x64xf32, #tpu.memory_space<vmem>>, vector<1x1x16xf32>,
        %swap3A_515 = vector.shape_cast %swap3A_514 : vector<1x1x16xf32> to vector<16xf32>
        %swap3A_516 = vector.shape_cast %add3A_509 : vector<16xf32> to vector<1x1x16xf32>
        tpu.vector_store %arg8[%swap3A_511, %swap3A_512, %swap3A_513], %swap3A_516 {strides = array<i32>} : memref<4x200x64xf32, #tpu.memory_space<vmem>>, vector<1x1x16xf32>,
        %get3A_517 = arith.constant 1 : i32
        %get3A_518 = arith.index_cast %get3A_517 : i32 to index
        %get3A_519 = arith.index_cast %add3A_462 : i32 to index
        %get3A_520 = arith.constant 48 : index
        %get3A_521 = tpu.vector_load %arg8[%get3A_518, %get3A_519, %get3A_520] {strides = array<i32>} : memref<4x200x64xf32, #tpu.memory_space<vmem>>, vector<1x1x16xf32>,
        %get3A_522 = vector.shape_cast %get3A_521 : vector<1x1x16xf32> to vector<16xf32>
        %get3A_523 = arith.index_cast %add3A_462 : i32 to index
        %get3A_524 = arith.constant 48 : index
        %get3A_525 = tpu.vector_load %arg7[%get3A_523, %get3A_524] {strides = array<i32>} : memref<200x64xf32, #tpu.memory_space<vmem>>, vector<1x16xf32>,
        %get3A_526 = vector.shape_cast %get3A_525 : vector<1x16xf32> to vector<16xf32>
        %add3A_527 = arith.addf %get3A_522, %get3A_526 : vector<16xf32>
        %swap3A_528 = arith.constant 1 : i32
        %swap3A_529 = arith.index_cast %swap3A_528 : i32 to index
        %swap3A_530 = arith.index_cast %add3A_462 : i32 to index
        %swap3A_531 = arith.constant 48 : index
        %swap3A_532 = tpu.vector_load %arg8[%swap3A_529, %swap3A_530, %swap3A_531] {strides = array<i32>} : memref<4x200x64xf32, #tpu.memory_space<vmem>>, vector<1x1x16xf32>,
        %swap3A_533 = vector.shape_cast %swap3A_532 : vector<1x1x16xf32> to vector<16xf32>
        %swap3A_534 = vector.shape_cast %add3A_527 : vector<16xf32> to vector<1x1x16xf32>
        tpu.vector_store %arg8[%swap3A_529, %swap3A_530, %swap3A_531], %swap3A_534 {strides = array<i32>} : memref<4x200x64xf32, #tpu.memory_space<vmem>>, vector<1x1x16xf32>,
        %mul3A_535 = arith.constant 4 : i32
        %mul3A_536 = arith.muli %scan3A_308, %mul3A_535 : i32
        %add3A_537 = arith.constant 3 : i32
        %add3A_538 = arith.addi %mul3A_536, %add3A_537 : i32
        %get3A_539 = arith.constant 1 : i32
        %get3A_540 = arith.index_cast %get3A_539 : i32 to index
        %get3A_541 = arith.index_cast %add3A_538 : i32 to index
        %get3A_542 = arith.constant 0 : index
        %get3A_543 = tpu.vector_load %arg8[%get3A_540, %get3A_541, %get3A_542] {strides = array<i32>} : memref<4x200x64xf32, #tpu.memory_space<vmem>>, vector<1x1x16xf32>,
        %get3A_544 = vector.shape_cast %get3A_543 : vector<1x1x16xf32> to vector<16xf32>
        %get3A_545 = arith.index_cast %add3A_538 : i32 to index
        %get3A_546 = arith.constant 0 : index
        %get3A_547 = tpu.vector_load %arg7[%get3A_545, %get3A_546] {strides = array<i32>} : memref<200x64xf32, #tpu.memory_space<vmem>>, vector<1x16xf32>,
        %get3A_548 = vector.shape_cast %get3A_547 : vector<1x16xf32> to vector<16xf32>
        %add3A_549 = arith.addf %get3A_544, %get3A_548 : vector<16xf32>
        %swap3A_550 = arith.constant 1 : i32
        %swap3A_551 = arith.index_cast %swap3A_550 : i32 to index
        %swap3A_552 = arith.index_cast %add3A_538 : i32 to index
        %swap3A_553 = arith.constant 0 : index
        %swap3A_554 = tpu.vector_load %arg8[%swap3A_551, %swap3A_552, %swap3A_553] {strides = array<i32>} : memref<4x200x64xf32, #tpu.memory_space<vmem>>, vector<1x1x16xf32>,
        %swap3A_555 = vector.shape_cast %swap3A_554 : vector<1x1x16xf32> to vector<16xf32>
        %swap3A_556 = vector.shape_cast %add3A_549 : vector<16xf32> to vector<1x1x16xf32>
        tpu.vector_store %arg8[%swap3A_551, %swap3A_552, %swap3A_553], %swap3A_556 {strides = array<i32>} : memref<4x200x64xf32, #tpu.memory_space<vmem>>, vector<1x1x16xf32>,
        %get3A_557 = arith.constant 1 : i32
        %get3A_558 = arith.index_cast %get3A_557 : i32 to index
        %get3A_559 = arith.index_cast %add3A_538 : i32 to index
        %get3A_560 = arith.constant 16 : index
        %get3A_561 = tpu.vector_load %arg8[%get3A_558, %get3A_559, %get3A_560] {strides = array<i32>} : memref<4x200x64xf32, #tpu.memory_space<vmem>>, vector<1x1x16xf32>,
        %get3A_562 = vector.shape_cast %get3A_561 : vector<1x1x16xf32> to vector<16xf32>
        %get3A_563 = arith.index_cast %add3A_538 : i32 to index
        %get3A_564 = arith.constant 16 : index
        %get3A_565 = tpu.vector_load %arg7[%get3A_563, %get3A_564] {strides = array<i32>} : memref<200x64xf32, #tpu.memory_space<vmem>>, vector<1x16xf32>,
        %get3A_566 = vector.shape_cast %get3A_565 : vector<1x16xf32> to vector<16xf32>
        %add3A_567 = arith.addf %get3A_562, %get3A_566 : vector<16xf32>
        %swap3A_568 = arith.constant 1 : i32
        %swap3A_569 = arith.index_cast %swap3A_568 : i32 to index
        %swap3A_570 = arith.index_cast %add3A_538 : i32 to index
        %swap3A_571 = arith.constant 16 : index
        %swap3A_572 = tpu.vector_load %arg8[%swap3A_569, %swap3A_570, %swap3A_571] {strides = array<i32>} : memref<4x200x64xf32, #tpu.memory_space<vmem>>, vector<1x1x16xf32>,
        %swap3A_573 = vector.shape_cast %swap3A_572 : vector<1x1x16xf32> to vector<16xf32>
        %swap3A_574 = vector.shape_cast %add3A_567 : vector<16xf32> to vector<1x1x16xf32>
        tpu.vector_store %arg8[%swap3A_569, %swap3A_570, %swap3A_571], %swap3A_574 {strides = array<i32>} : memref<4x200x64xf32, #tpu.memory_space<vmem>>, vector<1x1x16xf32>,
        %get3A_575 = arith.constant 1 : i32
        %get3A_576 = arith.index_cast %get3A_575 : i32 to index
        %get3A_577 = arith.index_cast %add3A_538 : i32 to index
        %get3A_578 = arith.constant 32 : index
        %get3A_579 = tpu.vector_load %arg8[%get3A_576, %get3A_577, %get3A_578] {strides = array<i32>} : memref<4x200x64xf32, #tpu.memory_space<vmem>>, vector<1x1x16xf32>,
        %get3A_580 = vector.shape_cast %get3A_579 : vector<1x1x16xf32> to vector<16xf32>
        %get3A_581 = arith.index_cast %add3A_538 : i32 to index
        %get3A_582 = arith.constant 32 : index
        %get3A_583 = tpu.vector_load %arg7[%get3A_581, %get3A_582] {strides = array<i32>} : memref<200x64xf32, #tpu.memory_space<vmem>>, vector<1x16xf32>,
        %get3A_584 = vector.shape_cast %get3A_583 : vector<1x16xf32> to vector<16xf32>
        %add3A_585 = arith.addf %get3A_580, %get3A_584 : vector<16xf32>
        %swap3A_586 = arith.constant 1 : i32
        %swap3A_587 = arith.index_cast %swap3A_586 : i32 to index
        %swap3A_588 = arith.index_cast %add3A_538 : i32 to index
        %swap3A_589 = arith.constant 32 : index
        %swap3A_590 = tpu.vector_load %arg8[%swap3A_587, %swap3A_588, %swap3A_589] {strides = array<i32>} : memref<4x200x64xf32, #tpu.memory_space<vmem>>, vector<1x1x16xf32>,
        %swap3A_591 = vector.shape_cast %swap3A_590 : vector<1x1x16xf32> to vector<16xf32>
        %swap3A_592 = vector.shape_cast %add3A_585 : vector<16xf32> to vector<1x1x16xf32>
        tpu.vector_store %arg8[%swap3A_587, %swap3A_588, %swap3A_589], %swap3A_592 {strides = array<i32>} : memref<4x200x64xf32, #tpu.memory_space<vmem>>, vector<1x1x16xf32>,
        %get3A_593 = arith.constant 1 : i32
        %get3A_594 = arith.index_cast %get3A_593 : i32 to index
        %get3A_595 = arith.index_cast %add3A_538 : i32 to index
        %get3A_596 = arith.constant 48 : index
        %get3A_597 = tpu.vector_load %arg8[%get3A_594, %get3A_595, %get3A_596] {strides = array<i32>} : memref<4x200x64xf32, #tpu.memory_space<vmem>>, vector<1x1x16xf32>,
        %get3A_598 = vector.shape_cast %get3A_597 : vector<1x1x16xf32> to vector<16xf32>
        %get3A_599 = arith.index_cast %add3A_538 : i32 to index
        %get3A_600 = arith.constant 48 : index
        %get3A_601 = tpu.vector_load %arg7[%get3A_599, %get3A_600] {strides = array<i32>} : memref<200x64xf32, #tpu.memory_space<vmem>>, vector<1x16xf32>,
        %get3A_602 = vector.shape_cast %get3A_601 : vector<1x16xf32> to vector<16xf32>
        %add3A_603 = arith.addf %get3A_598, %get3A_602 : vector<16xf32>
        %swap3A_604 = arith.constant 1 : i32
        %swap3A_605 = arith.index_cast %swap3A_604 : i32 to index
        %swap3A_606 = arith.index_cast %add3A_538 : i32 to index
        %swap3A_607 = arith.constant 48 : index
        %swap3A_608 = tpu.vector_load %arg8[%swap3A_605, %swap3A_606, %swap3A_607] {strides = array<i32>} : memref<4x200x64xf32, #tpu.memory_space<vmem>>, vector<1x1x16xf32>,
        %swap3A_609 = vector.shape_cast %swap3A_608 : vector<1x1x16xf32> to vector<16xf32>
        %swap3A_610 = vector.shape_cast %add3A_603 : vector<16xf32> to vector<1x1x16xf32>
        tpu.vector_store %arg8[%swap3A_605, %swap3A_606, %swap3A_607], %swap3A_610 {strides = array<i32>} : memref<4x200x64xf32, #tpu.memory_space<vmem>>, vector<1x1x16xf32>,
      }
      %scan3A_170 = arith.constant 50 : i32
      %add3A_171 = arith.addi %mul3A_2, %add3A_134 : i32
      %mul3A_172 = arith.constant 200 : i32
      %mul3A_173 = arith.muli %add3A_171, %mul3A_172 : i32
      %dma_start3A_174 = arith.constant 1 : i32
      %dma_start3A_175 = arith.constant 0 : i32
      %dma_start3A_176 = arith.constant 0 : i32
      %dma_start3A_177 = tpu.memref_slice %arg8[%dma_start3A_174, %dma_start3A_175, %dma_start3A_176] : memref<4x200x64xf32, #tpu.memory_space<vmem>> -> memref<1x200x64xf32, #tpu.memory_space<vmem>>
      %dma_start3A_178 = tpu.memref_squeeze %dma_start3A_177 : memref<1x200x64xf32, #tpu.memory_space<vmem>> -> memref<200x64xf32, #tpu.memory_space<vmem>>
      %dma_start3A_179 = arith.constant 0 : i32
      %dma_start3A_180 = tpu.memref_slice %arg5[%mul3A_173, %dma_start3A_179] : memref<819200x64xf32, #tpu.memory_space<hbm>> -> memref<200x64xf32, #tpu.memory_space<hbm>>
      %dma_start3A_181 = arith.constant 0 : i32
      %dma_start3A_182 = tpu.memref_slice %arg5[%mul3A_173, %dma_start3A_181] : memref<819200x64xf32, #tpu.memory_space<hbm>> -> memref<200x64xf32, #tpu.memory_space<hbm>>
      %dma_start3A_183 = arith.constant 0 : i32
      %dma_start3A_184 = arith.constant 0 : i32
      %dma_start3A_185 = tpu.memref_slice %arg8[%dma_start3A_174, %dma_start3A_183, %dma_start3A_184] : memref<4x200x64xf32, #tpu.memory_space<vmem>> -> memref<1x200x64xf32, #tpu.memory_space<vmem>>
      %dma_start3A_186 = tpu.memref_squeeze %dma_start3A_185 : memref<1x200x64xf32, #tpu.memory_space<vmem>> -> memref<200x64xf32, #tpu.memory_space<vmem>>
      tpu.enqueue_dma source(%dma_start3A_186 : memref<200x64xf32, #tpu.memory_space<vmem>>) target(%dma_start3A_182 : memref<200x64xf32, #tpu.memory_space<hbm>>) target_semaphore(%arg10 : memref<!tpu.dma_semaphore, #tpu.memory_space<semaphore_mem>>)
      %mul3A_187 = arith.constant 4 : i32
      %mul3A_188 = arith.muli %scan3A_78, %mul3A_187 : i32
      %add3A_189 = arith.constant 2 : i32
      %add3A_190 = arith.addi %mul3A_188, %add3A_189 : i32
      %dma_wait3A_191 = arith.constant 0 : i32
      %dma_wait3A_192 = arith.constant 0 : i32
      %dma_wait3A_193 = arith.constant 0 : i32
      %dma_wait3A_194 = tpu.memref_slice %arg8[%dma_wait3A_191, %dma_wait3A_192, %dma_wait3A_193] : memref<4x200x64xf32, #tpu.memory_space<vmem>> -> memref<1x200x64xf32, #tpu.memory_space<vmem>>
      %dma_wait3A_195 = tpu.memref_squeeze %dma_wait3A_194 : memref<1x200x64xf32, #tpu.memory_space<vmem>> -> memref<200x64xf32, #tpu.memory_space<vmem>>
      %dma_wait3A_196 = arith.constant 0 : i32
      %dma_wait3A_197 = arith.constant 0 : i32
      %dma_wait3A_198 = tpu.memref_slice %arg5[%dma_wait3A_196, %dma_wait3A_197] : memref<819200x64xf32, #tpu.memory_space<hbm>> -> memref<200x64xf32, #tpu.memory_space<hbm>>
      %dma_wait3A_199 = arith.constant 0 : i32
      %dma_wait3A_200 = arith.constant 0 : i32
      %dma_wait3A_201 = tpu.memref_slice %arg5[%dma_wait3A_199, %dma_wait3A_200] : memref<819200x64xf32, #tpu.memory_space<hbm>> -> memref<200x64xf32, #tpu.memory_space<hbm>>
      %dma_wait3A_202 = arith.constant 0 : i32
      %dma_wait3A_203 = arith.constant 0 : i32
      %dma_wait3A_204 = tpu.memref_slice %arg8[%dma_wait3A_191, %dma_wait3A_202, %dma_wait3A_203] : memref<4x200x64xf32, #tpu.memory_space<vmem>> -> memref<1x200x64xf32, #tpu.memory_space<vmem>>
      %dma_wait3A_205 = tpu.memref_squeeze %dma_wait3A_204 : memref<1x200x64xf32, #tpu.memory_space<vmem>> -> memref<200x64xf32, #tpu.memory_space<vmem>>
      tpu.wait_dma2 semaphore(%arg10 : memref<!tpu.dma_semaphore, #tpu.memory_space<semaphore_mem>>) src(%dma_wait3A_205 : memref<200x64xf32, #tpu.memory_space<vmem>>) dst(%dma_wait3A_201 : memref<200x64xf32, #tpu.memory_space<hbm>>)
      %lt3A = arith.constant 31 : i32
      %lt3A_206 = arith.cmpi slt, %scan3A_78, %lt3A : i32
      %convert_element_type3A_207 = arith.extui %lt3A_206 : i1 to i32
      %cond3A_208 = arith.constant 0 : i32
      %cond3A_209 = arith.cmpi ne, %convert_element_type3A_207, %cond3A_208 : i32
      scf.if %cond3A_209 {
        %add3A_308 = arith.constant 2 : i32
        %add3A_309 = arith.addi %add3A_190, %add3A_308 : i32
        %mul3A_310 = arith.constant 200 : i32
        %mul3A_311 = arith.muli %add3A_309, %mul3A_310 : i32
        %dma_start3A_312 = arith.constant 0 : i32
        %dma_start3A_313 = arith.constant 0 : i32
        %dma_start3A_314 = arith.constant 0 : i32
        %dma_start3A_315 = tpu.memref_slice %arg8[%dma_start3A_312, %dma_start3A_313, %dma_start3A_314] : memref<4x200x64xf32, #tpu.memory_space<vmem>> -> memref<1x104x64xf32, #tpu.memory_space<vmem>>
        %dma_start3A_316 = tpu.memref_squeeze %dma_start3A_315 : memref<1x104x64xf32, #tpu.memory_space<vmem>> -> memref<104x64xf32, #tpu.memory_space<vmem>>
        %dma_start3A_317 = tpu.memref_slice %arg6[%mul3A_311] : memref<25600xi32, #tpu.memory_space<vmem>> -> memref<104xi32, #tpu.memory_space<vmem>>
        %dma_start3A_318 = arith.constant 0 : i32
        %dma_start3A_319 = arith.constant 0 : i32
        %dma_start3A_320 = tpu.memref_slice %arg3[%dma_start3A_318, %dma_start3A_319] : memref<100000x64xf32, #tpu.memory_space<hbm>> -> memref<100000x64xf32, #tpu.memory_space<hbm>>
        tpu.enqueue_indirect_dma source(%dma_start3A_320 : memref<100000x64xf32, #tpu.memory_space<hbm>>) target(%dma_start3A_316 : memref<104x64xf32, #tpu.memory_space<vmem>>) offsets(%dma_start3A_317 : memref<104xi32, #tpu.memory_space<vmem>>) semaphore(%arg9 : memref<!tpu.dma_semaphore, #tpu.memory_space<semaphore_mem>>)
        %mul3A_321 = arith.constant 200 : i32
        %mul3A_322 = arith.muli %add3A_309, %mul3A_321 : i32
        %add3A_323 = arith.constant 104 : i32
        %add3A_324 = arith.addi %mul3A_322, %add3A_323 : i32
        %dma_start3A_325 = arith.constant 0 : i32
        %dma_start3A_326 = arith.constant 104 : i32
        %dma_start3A_327 = arith.constant 0 : i32
        %dma_start3A_328 = tpu.memref_slice %arg8[%dma_start3A_325, %dma_start3A_326, %dma_start3A_327] : memref<4x200x64xf32, #tpu.memory_space<vmem>> -> memref<1x96x64xf32, #tpu.memory_space<vmem>>
        %dma_start3A_329 = tpu.memref_squeeze %dma_start3A_328 : memref<1x96x64xf32, #tpu.memory_space<vmem>> -> memref<96x64xf32, #tpu.memory_space<vmem>>
        %dma_start3A_330 = tpu.memref_slice %arg6[%add3A_324] : memref<25600xi32, #tpu.memory_space<vmem>> -> memref<96xi32, #tpu.memory_space<vmem>>
        %dma_start3A_331 = arith.constant 0 : i32
        %dma_start3A_332 = arith.constant 0 : i32
        %dma_start3A_333 = tpu.memref_slice %arg3[%dma_start3A_331, %dma_start3A_332] : memref<100000x64xf32, #tpu.memory_space<hbm>> -> memref<100000x64xf32, #tpu.memory_space<hbm>>
        tpu.enqueue_indirect_dma source(%dma_start3A_333 : memref<100000x64xf32, #tpu.memory_space<hbm>>) target(%dma_start3A_329 : memref<96x64xf32, #tpu.memory_space<vmem>>) offsets(%dma_start3A_330 : memref<96xi32, #tpu.memory_space<vmem>>) semaphore(%arg9 : memref<!tpu.dma_semaphore, #tpu.memory_space<semaphore_mem>>)
      } else {
      }
      %dma_wait3A_210 = arith.constant 2 : i32
      %dma_wait3A_211 = arith.constant 0 : i32
      %dma_wait3A_212 = arith.constant 0 : i32
      %dma_wait3A_213 = tpu.memref_slice %arg8[%dma_wait3A_210, %dma_wait3A_211, %dma_wait3A_212] : memref<4x200x64xf32, #tpu.memory_space<vmem>> -> memref<1x200x64xf32, #tpu.memory_space<vmem>>
      %dma_wait3A_214 = tpu.memref_squeeze %dma_wait3A_213 : memref<1x200x64xf32, #tpu.memory_space<vmem>> -> memref<200x64xf32, #tpu.memory_space<vmem>>
      %dma_wait3A_215 = arith.constant 0 : i32
      %dma_wait3A_216 = arith.constant 0 : i32
      %dma_wait3A_217 = tpu.memref_slice %arg5[%dma_wait3A_215, %dma_wait3A_216] : memref<819200x64xf32, #tpu.memory_space<hbm>> -> memref<200x64xf32, #tpu.memory_space<hbm>>
      %dma_wait3A_218 = arith.constant 0 : i32
      %dma_wait3A_219 = arith.constant 0 : i32
      %dma_wait3A_220 = tpu.memref_slice %arg8[%dma_wait3A_210, %dma_wait3A_218, %dma_wait3A_219] : memref<4x200x64xf32, #tpu.memory_space<vmem>> -> memref<1x200x64xf32, #tpu.memory_space<vmem>>
      %dma_wait3A_221 = tpu.memref_squeeze %dma_wait3A_220 : memref<1x200x64xf32, #tpu.memory_space<vmem>> -> memref<200x64xf32, #tpu.memory_space<vmem>>
      %dma_wait3A_222 = arith.constant 0 : i32
      %dma_wait3A_223 = arith.constant 0 : i32
      %dma_wait3A_224 = tpu.memref_slice %arg5[%dma_wait3A_222, %dma_wait3A_223] : memref<819200x64xf32, #tpu.memory_space<hbm>> -> memref<200x64xf32, #tpu.memory_space<hbm>>
      tpu.wait_dma2 semaphore(%arg9 : memref<!tpu.dma_semaphore, #tpu.memory_space<semaphore_mem>>) src(%dma_wait3A_224 : memref<200x64xf32, #tpu.memory_space<hbm>>) dst(%dma_wait3A_221 : memref<200x64xf32, #tpu.memory_space<vmem>>)
      %scan3A_225 = arith.constant 0 : i32
      %scan3A_226 = arith.constant 0 : i32
      %scan3A_227 = arith.constant 50 : i32
      %scan3A_228 = arith.addi %scan3A_226, %scan3A_227 : i32
      %scan3A_229 = arith.constant 1 : i32
      scf.for %scan3A_308 = %scan3A_226 to %scan3A_228 step %scan3A_229  : i32 {
        %mul3A_309 = arith.constant 4 : i32
        %mul3A_310 = arith.muli %scan3A_308, %mul3A_309 : i32
        %add3A_311 = arith.constant 0 : i32
        %add3A_312 = arith.addi %mul3A_310, %add3A_311 : i32
        %get3A = arith.constant 2 : i32
        %get3A_313 = arith.index_cast %get3A : i32 to index
        %get3A_314 = arith.index_cast %add3A_312 : i32 to index
        %get3A_315 = arith.constant 0 : index
        %get3A_316 = tpu.vector_load %arg8[%get3A_313, %get3A_314, %get3A_315] {strides = array<i32>} : memref<4x200x64xf32, #tpu.memory_space<vmem>>, vector<1x1x16xf32>,
        %get3A_317 = vector.shape_cast %get3A_316 : vector<1x1x16xf32> to vector<16xf32>
        %get3A_318 = arith.index_cast %add3A_312 : i32 to index
        %get3A_319 = arith.constant 0 : index
        %get3A_320 = tpu.vector_load %arg7[%get3A_318, %get3A_319] {strides = array<i32>} : memref<200x64xf32, #tpu.memory_space<vmem>>, vector<1x16xf32>,
        %get3A_321 = vector.shape_cast %get3A_320 : vector<1x16xf32> to vector<16xf32>
        %add3A_322 = arith.addf %get3A_317, %get3A_321 : vector<16xf32>
        %swap3A = arith.constant 2 : i32
        %swap3A_323 = arith.index_cast %swap3A : i32 to index
        %swap3A_324 = arith.index_cast %add3A_312 : i32 to index
        %swap3A_325 = arith.constant 0 : index
        %swap3A_326 = tpu.vector_load %arg8[%swap3A_323, %swap3A_324, %swap3A_325] {strides = array<i32>} : memref<4x200x64xf32, #tpu.memory_space<vmem>>, vector<1x1x16xf32>,
        %swap3A_327 = vector.shape_cast %swap3A_326 : vector<1x1x16xf32> to vector<16xf32>
        %swap3A_328 = vector.shape_cast %add3A_322 : vector<16xf32> to vector<1x1x16xf32>
        tpu.vector_store %arg8[%swap3A_323, %swap3A_324, %swap3A_325], %swap3A_328 {strides = array<i32>} : memref<4x200x64xf32, #tpu.memory_space<vmem>>, vector<1x1x16xf32>,
        %get3A_329 = arith.constant 2 : i32
        %get3A_330 = arith.index_cast %get3A_329 : i32 to index
        %get3A_331 = arith.index_cast %add3A_312 : i32 to index
        %get3A_332 = arith.constant 16 : index
        %get3A_333 = tpu.vector_load %arg8[%get3A_330, %get3A_331, %get3A_332] {strides = array<i32>} : memref<4x200x64xf32, #tpu.memory_space<vmem>>, vector<1x1x16xf32>,
        %get3A_334 = vector.shape_cast %get3A_333 : vector<1x1x16xf32> to vector<16xf32>
        %get3A_335 = arith.index_cast %add3A_312 : i32 to index
        %get3A_336 = arith.constant 16 : index
        %get3A_337 = tpu.vector_load %arg7[%get3A_335, %get3A_336] {strides = array<i32>} : memref<200x64xf32, #tpu.memory_space<vmem>>, vector<1x16xf32>,
        %get3A_338 = vector.shape_cast %get3A_337 : vector<1x16xf32> to vector<16xf32>
        %add3A_339 = arith.addf %get3A_334, %get3A_338 : vector<16xf32>
        %swap3A_340 = arith.constant 2 : i32
        %swap3A_341 = arith.index_cast %swap3A_340 : i32 to index
        %swap3A_342 = arith.index_cast %add3A_312 : i32 to index
        %swap3A_343 = arith.constant 16 : index
        %swap3A_344 = tpu.vector_load %arg8[%swap3A_341, %swap3A_342, %swap3A_343] {strides = array<i32>} : memref<4x200x64xf32, #tpu.memory_space<vmem>>, vector<1x1x16xf32>,
        %swap3A_345 = vector.shape_cast %swap3A_344 : vector<1x1x16xf32> to vector<16xf32>
        %swap3A_346 = vector.shape_cast %add3A_339 : vector<16xf32> to vector<1x1x16xf32>
        tpu.vector_store %arg8[%swap3A_341, %swap3A_342, %swap3A_343], %swap3A_346 {strides = array<i32>} : memref<4x200x64xf32, #tpu.memory_space<vmem>>, vector<1x1x16xf32>,
        %get3A_347 = arith.constant 2 : i32
        %get3A_348 = arith.index_cast %get3A_347 : i32 to index
        %get3A_349 = arith.index_cast %add3A_312 : i32 to index
        %get3A_350 = arith.constant 32 : index
        %get3A_351 = tpu.vector_load %arg8[%get3A_348, %get3A_349, %get3A_350] {strides = array<i32>} : memref<4x200x64xf32, #tpu.memory_space<vmem>>, vector<1x1x16xf32>,
        %get3A_352 = vector.shape_cast %get3A_351 : vector<1x1x16xf32> to vector<16xf32>
        %get3A_353 = arith.index_cast %add3A_312 : i32 to index
        %get3A_354 = arith.constant 32 : index
        %get3A_355 = tpu.vector_load %arg7[%get3A_353, %get3A_354] {strides = array<i32>} : memref<200x64xf32, #tpu.memory_space<vmem>>, vector<1x16xf32>,
        %get3A_356 = vector.shape_cast %get3A_355 : vector<1x16xf32> to vector<16xf32>
        %add3A_357 = arith.addf %get3A_352, %get3A_356 : vector<16xf32>
        %swap3A_358 = arith.constant 2 : i32
        %swap3A_359 = arith.index_cast %swap3A_358 : i32 to index
        %swap3A_360 = arith.index_cast %add3A_312 : i32 to index
        %swap3A_361 = arith.constant 32 : index
        %swap3A_362 = tpu.vector_load %arg8[%swap3A_359, %swap3A_360, %swap3A_361] {strides = array<i32>} : memref<4x200x64xf32, #tpu.memory_space<vmem>>, vector<1x1x16xf32>,
        %swap3A_363 = vector.shape_cast %swap3A_362 : vector<1x1x16xf32> to vector<16xf32>
        %swap3A_364 = vector.shape_cast %add3A_357 : vector<16xf32> to vector<1x1x16xf32>
        tpu.vector_store %arg8[%swap3A_359, %swap3A_360, %swap3A_361], %swap3A_364 {strides = array<i32>} : memref<4x200x64xf32, #tpu.memory_space<vmem>>, vector<1x1x16xf32>,
        %get3A_365 = arith.constant 2 : i32
        %get3A_366 = arith.index_cast %get3A_365 : i32 to index
        %get3A_367 = arith.index_cast %add3A_312 : i32 to index
        %get3A_368 = arith.constant 48 : index
        %get3A_369 = tpu.vector_load %arg8[%get3A_366, %get3A_367, %get3A_368] {strides = array<i32>} : memref<4x200x64xf32, #tpu.memory_space<vmem>>, vector<1x1x16xf32>,
        %get3A_370 = vector.shape_cast %get3A_369 : vector<1x1x16xf32> to vector<16xf32>
        %get3A_371 = arith.index_cast %add3A_312 : i32 to index
        %get3A_372 = arith.constant 48 : index
        %get3A_373 = tpu.vector_load %arg7[%get3A_371, %get3A_372] {strides = array<i32>} : memref<200x64xf32, #tpu.memory_space<vmem>>, vector<1x16xf32>,
        %get3A_374 = vector.shape_cast %get3A_373 : vector<1x16xf32> to vector<16xf32>
        %add3A_375 = arith.addf %get3A_370, %get3A_374 : vector<16xf32>
        %swap3A_376 = arith.constant 2 : i32
        %swap3A_377 = arith.index_cast %swap3A_376 : i32 to index
        %swap3A_378 = arith.index_cast %add3A_312 : i32 to index
        %swap3A_379 = arith.constant 48 : index
        %swap3A_380 = tpu.vector_load %arg8[%swap3A_377, %swap3A_378, %swap3A_379] {strides = array<i32>} : memref<4x200x64xf32, #tpu.memory_space<vmem>>, vector<1x1x16xf32>,
        %swap3A_381 = vector.shape_cast %swap3A_380 : vector<1x1x16xf32> to vector<16xf32>
        %swap3A_382 = vector.shape_cast %add3A_375 : vector<16xf32> to vector<1x1x16xf32>
        tpu.vector_store %arg8[%swap3A_377, %swap3A_378, %swap3A_379], %swap3A_382 {strides = array<i32>} : memref<4x200x64xf32, #tpu.memory_space<vmem>>, vector<1x1x16xf32>,
        %mul3A_383 = arith.constant 4 : i32
        %mul3A_384 = arith.muli %scan3A_308, %mul3A_383 : i32
        %add3A_385 = arith.constant 1 : i32
        %add3A_386 = arith.addi %mul3A_384, %add3A_385 : i32
        %get3A_387 = arith.constant 2 : i32
        %get3A_388 = arith.index_cast %get3A_387 : i32 to index
        %get3A_389 = arith.index_cast %add3A_386 : i32 to index
        %get3A_390 = arith.constant 0 : index
        %get3A_391 = tpu.vector_load %arg8[%get3A_388, %get3A_389, %get3A_390] {strides = array<i32>} : memref<4x200x64xf32, #tpu.memory_space<vmem>>, vector<1x1x16xf32>,
        %get3A_392 = vector.shape_cast %get3A_391 : vector<1x1x16xf32> to vector<16xf32>
        %get3A_393 = arith.index_cast %add3A_386 : i32 to index
        %get3A_394 = arith.constant 0 : index
        %get3A_395 = tpu.vector_load %arg7[%get3A_393, %get3A_394] {strides = array<i32>} : memref<200x64xf32, #tpu.memory_space<vmem>>, vector<1x16xf32>,
        %get3A_396 = vector.shape_cast %get3A_395 : vector<1x16xf32> to vector<16xf32>
        %add3A_397 = arith.addf %get3A_392, %get3A_396 : vector<16xf32>
        %swap3A_398 = arith.constant 2 : i32
        %swap3A_399 = arith.index_cast %swap3A_398 : i32 to index
        %swap3A_400 = arith.index_cast %add3A_386 : i32 to index
        %swap3A_401 = arith.constant 0 : index
        %swap3A_402 = tpu.vector_load %arg8[%swap3A_399, %swap3A_400, %swap3A_401] {strides = array<i32>} : memref<4x200x64xf32, #tpu.memory_space<vmem>>, vector<1x1x16xf32>,
        %swap3A_403 = vector.shape_cast %swap3A_402 : vector<1x1x16xf32> to vector<16xf32>
        %swap3A_404 = vector.shape_cast %add3A_397 : vector<16xf32> to vector<1x1x16xf32>
        tpu.vector_store %arg8[%swap3A_399, %swap3A_400, %swap3A_401], %swap3A_404 {strides = array<i32>} : memref<4x200x64xf32, #tpu.memory_space<vmem>>, vector<1x1x16xf32>,
        %get3A_405 = arith.constant 2 : i32
        %get3A_406 = arith.index_cast %get3A_405 : i32 to index
        %get3A_407 = arith.index_cast %add3A_386 : i32 to index
        %get3A_408 = arith.constant 16 : index
        %get3A_409 = tpu.vector_load %arg8[%get3A_406, %get3A_407, %get3A_408] {strides = array<i32>} : memref<4x200x64xf32, #tpu.memory_space<vmem>>, vector<1x1x16xf32>,
        %get3A_410 = vector.shape_cast %get3A_409 : vector<1x1x16xf32> to vector<16xf32>
        %get3A_411 = arith.index_cast %add3A_386 : i32 to index
        %get3A_412 = arith.constant 16 : index
        %get3A_413 = tpu.vector_load %arg7[%get3A_411, %get3A_412] {strides = array<i32>} : memref<200x64xf32, #tpu.memory_space<vmem>>, vector<1x16xf32>,
        %get3A_414 = vector.shape_cast %get3A_413 : vector<1x16xf32> to vector<16xf32>
        %add3A_415 = arith.addf %get3A_410, %get3A_414 : vector<16xf32>
        %swap3A_416 = arith.constant 2 : i32
        %swap3A_417 = arith.index_cast %swap3A_416 : i32 to index
        %swap3A_418 = arith.index_cast %add3A_386 : i32 to index
        %swap3A_419 = arith.constant 16 : index
        %swap3A_420 = tpu.vector_load %arg8[%swap3A_417, %swap3A_418, %swap3A_419] {strides = array<i32>} : memref<4x200x64xf32, #tpu.memory_space<vmem>>, vector<1x1x16xf32>,
        %swap3A_421 = vector.shape_cast %swap3A_420 : vector<1x1x16xf32> to vector<16xf32>
        %swap3A_422 = vector.shape_cast %add3A_415 : vector<16xf32> to vector<1x1x16xf32>
        tpu.vector_store %arg8[%swap3A_417, %swap3A_418, %swap3A_419], %swap3A_422 {strides = array<i32>} : memref<4x200x64xf32, #tpu.memory_space<vmem>>, vector<1x1x16xf32>,
        %get3A_423 = arith.constant 2 : i32
        %get3A_424 = arith.index_cast %get3A_423 : i32 to index
        %get3A_425 = arith.index_cast %add3A_386 : i32 to index
        %get3A_426 = arith.constant 32 : index
        %get3A_427 = tpu.vector_load %arg8[%get3A_424, %get3A_425, %get3A_426] {strides = array<i32>} : memref<4x200x64xf32, #tpu.memory_space<vmem>>, vector<1x1x16xf32>,
        %get3A_428 = vector.shape_cast %get3A_427 : vector<1x1x16xf32> to vector<16xf32>
        %get3A_429 = arith.index_cast %add3A_386 : i32 to index
        %get3A_430 = arith.constant 32 : index
        %get3A_431 = tpu.vector_load %arg7[%get3A_429, %get3A_430] {strides = array<i32>} : memref<200x64xf32, #tpu.memory_space<vmem>>, vector<1x16xf32>,
        %get3A_432 = vector.shape_cast %get3A_431 : vector<1x16xf32> to vector<16xf32>
        %add3A_433 = arith.addf %get3A_428, %get3A_432 : vector<16xf32>
        %swap3A_434 = arith.constant 2 : i32
        %swap3A_435 = arith.index_cast %swap3A_434 : i32 to index
        %swap3A_436 = arith.index_cast %add3A_386 : i32 to index
        %swap3A_437 = arith.constant 32 : index
        %swap3A_438 = tpu.vector_load %arg8[%swap3A_435, %swap3A_436, %swap3A_437] {strides = array<i32>} : memref<4x200x64xf32, #tpu.memory_space<vmem>>, vector<1x1x16xf32>,
        %swap3A_439 = vector.shape_cast %swap3A_438 : vector<1x1x16xf32> to vector<16xf32>
        %swap3A_440 = vector.shape_cast %add3A_433 : vector<16xf32> to vector<1x1x16xf32>
        tpu.vector_store %arg8[%swap3A_435, %swap3A_436, %swap3A_437], %swap3A_440 {strides = array<i32>} : memref<4x200x64xf32, #tpu.memory_space<vmem>>, vector<1x1x16xf32>,
        %get3A_441 = arith.constant 2 : i32
        %get3A_442 = arith.index_cast %get3A_441 : i32 to index
        %get3A_443 = arith.index_cast %add3A_386 : i32 to index
        %get3A_444 = arith.constant 48 : index
        %get3A_445 = tpu.vector_load %arg8[%get3A_442, %get3A_443, %get3A_444] {strides = array<i32>} : memref<4x200x64xf32, #tpu.memory_space<vmem>>, vector<1x1x16xf32>,
        %get3A_446 = vector.shape_cast %get3A_445 : vector<1x1x16xf32> to vector<16xf32>
        %get3A_447 = arith.index_cast %add3A_386 : i32 to index
        %get3A_448 = arith.constant 48 : index
        %get3A_449 = tpu.vector_load %arg7[%get3A_447, %get3A_448] {strides = array<i32>} : memref<200x64xf32, #tpu.memory_space<vmem>>, vector<1x16xf32>,
        %get3A_450 = vector.shape_cast %get3A_449 : vector<1x16xf32> to vector<16xf32>
        %add3A_451 = arith.addf %get3A_446, %get3A_450 : vector<16xf32>
        %swap3A_452 = arith.constant 2 : i32
        %swap3A_453 = arith.index_cast %swap3A_452 : i32 to index
        %swap3A_454 = arith.index_cast %add3A_386 : i32 to index
        %swap3A_455 = arith.constant 48 : index
        %swap3A_456 = tpu.vector_load %arg8[%swap3A_453, %swap3A_454, %swap3A_455] {strides = array<i32>} : memref<4x200x64xf32, #tpu.memory_space<vmem>>, vector<1x1x16xf32>,
        %swap3A_457 = vector.shape_cast %swap3A_456 : vector<1x1x16xf32> to vector<16xf32>
        %swap3A_458 = vector.shape_cast %add3A_451 : vector<16xf32> to vector<1x1x16xf32>
        tpu.vector_store %arg8[%swap3A_453, %swap3A_454, %swap3A_455], %swap3A_458 {strides = array<i32>} : memref<4x200x64xf32, #tpu.memory_space<vmem>>, vector<1x1x16xf32>,
        %mul3A_459 = arith.constant 4 : i32
        %mul3A_460 = arith.muli %scan3A_308, %mul3A_459 : i32
        %add3A_461 = arith.constant 2 : i32
        %add3A_462 = arith.addi %mul3A_460, %add3A_461 : i32
        %get3A_463 = arith.constant 2 : i32
        %get3A_464 = arith.index_cast %get3A_463 : i32 to index
        %get3A_465 = arith.index_cast %add3A_462 : i32 to index
        %get3A_466 = arith.constant 0 : index
        %get3A_467 = tpu.vector_load %arg8[%get3A_464, %get3A_465, %get3A_466] {strides = array<i32>} : memref<4x200x64xf32, #tpu.memory_space<vmem>>, vector<1x1x16xf32>,
        %get3A_468 = vector.shape_cast %get3A_467 : vector<1x1x16xf32> to vector<16xf32>
        %get3A_469 = arith.index_cast %add3A_462 : i32 to index
        %get3A_470 = arith.constant 0 : index
        %get3A_471 = tpu.vector_load %arg7[%get3A_469, %get3A_470] {strides = array<i32>} : memref<200x64xf32, #tpu.memory_space<vmem>>, vector<1x16xf32>,
        %get3A_472 = vector.shape_cast %get3A_471 : vector<1x16xf32> to vector<16xf32>
        %add3A_473 = arith.addf %get3A_468, %get3A_472 : vector<16xf32>
        %swap3A_474 = arith.constant 2 : i32
        %swap3A_475 = arith.index_cast %swap3A_474 : i32 to index
        %swap3A_476 = arith.index_cast %add3A_462 : i32 to index
        %swap3A_477 = arith.constant 0 : index
        %swap3A_478 = tpu.vector_load %arg8[%swap3A_475, %swap3A_476, %swap3A_477] {strides = array<i32>} : memref<4x200x64xf32, #tpu.memory_space<vmem>>, vector<1x1x16xf32>,
        %swap3A_479 = vector.shape_cast %swap3A_478 : vector<1x1x16xf32> to vector<16xf32>
        %swap3A_480 = vector.shape_cast %add3A_473 : vector<16xf32> to vector<1x1x16xf32>
        tpu.vector_store %arg8[%swap3A_475, %swap3A_476, %swap3A_477], %swap3A_480 {strides = array<i32>} : memref<4x200x64xf32, #tpu.memory_space<vmem>>, vector<1x1x16xf32>,
        %get3A_481 = arith.constant 2 : i32
        %get3A_482 = arith.index_cast %get3A_481 : i32 to index
        %get3A_483 = arith.index_cast %add3A_462 : i32 to index
        %get3A_484 = arith.constant 16 : index
        %get3A_485 = tpu.vector_load %arg8[%get3A_482, %get3A_483, %get3A_484] {strides = array<i32>} : memref<4x200x64xf32, #tpu.memory_space<vmem>>, vector<1x1x16xf32>,
        %get3A_486 = vector.shape_cast %get3A_485 : vector<1x1x16xf32> to vector<16xf32>
        %get3A_487 = arith.index_cast %add3A_462 : i32 to index
        %get3A_488 = arith.constant 16 : index
        %get3A_489 = tpu.vector_load %arg7[%get3A_487, %get3A_488] {strides = array<i32>} : memref<200x64xf32, #tpu.memory_space<vmem>>, vector<1x16xf32>,
        %get3A_490 = vector.shape_cast %get3A_489 : vector<1x16xf32> to vector<16xf32>
        %add3A_491 = arith.addf %get3A_486, %get3A_490 : vector<16xf32>
        %swap3A_492 = arith.constant 2 : i32
        %swap3A_493 = arith.index_cast %swap3A_492 : i32 to index
        %swap3A_494 = arith.index_cast %add3A_462 : i32 to index
        %swap3A_495 = arith.constant 16 : index
        %swap3A_496 = tpu.vector_load %arg8[%swap3A_493, %swap3A_494, %swap3A_495] {strides = array<i32>} : memref<4x200x64xf32, #tpu.memory_space<vmem>>, vector<1x1x16xf32>,
        %swap3A_497 = vector.shape_cast %swap3A_496 : vector<1x1x16xf32> to vector<16xf32>
        %swap3A_498 = vector.shape_cast %add3A_491 : vector<16xf32> to vector<1x1x16xf32>
        tpu.vector_store %arg8[%swap3A_493, %swap3A_494, %swap3A_495], %swap3A_498 {strides = array<i32>} : memref<4x200x64xf32, #tpu.memory_space<vmem>>, vector<1x1x16xf32>,
        %get3A_499 = arith.constant 2 : i32
        %get3A_500 = arith.index_cast %get3A_499 : i32 to index
        %get3A_501 = arith.index_cast %add3A_462 : i32 to index
        %get3A_502 = arith.constant 32 : index
        %get3A_503 = tpu.vector_load %arg8[%get3A_500, %get3A_501, %get3A_502] {strides = array<i32>} : memref<4x200x64xf32, #tpu.memory_space<vmem>>, vector<1x1x16xf32>,
        %get3A_504 = vector.shape_cast %get3A_503 : vector<1x1x16xf32> to vector<16xf32>
        %get3A_505 = arith.index_cast %add3A_462 : i32 to index
        %get3A_506 = arith.constant 32 : index
        %get3A_507 = tpu.vector_load %arg7[%get3A_505, %get3A_506] {strides = array<i32>} : memref<200x64xf32, #tpu.memory_space<vmem>>, vector<1x16xf32>,
        %get3A_508 = vector.shape_cast %get3A_507 : vector<1x16xf32> to vector<16xf32>
        %add3A_509 = arith.addf %get3A_504, %get3A_508 : vector<16xf32>
        %swap3A_510 = arith.constant 2 : i32
        %swap3A_511 = arith.index_cast %swap3A_510 : i32 to index
        %swap3A_512 = arith.index_cast %add3A_462 : i32 to index
        %swap3A_513 = arith.constant 32 : index
        %swap3A_514 = tpu.vector_load %arg8[%swap3A_511, %swap3A_512, %swap3A_513] {strides = array<i32>} : memref<4x200x64xf32, #tpu.memory_space<vmem>>, vector<1x1x16xf32>,
        %swap3A_515 = vector.shape_cast %swap3A_514 : vector<1x1x16xf32> to vector<16xf32>
        %swap3A_516 = vector.shape_cast %add3A_509 : vector<16xf32> to vector<1x1x16xf32>
        tpu.vector_store %arg8[%swap3A_511, %swap3A_512, %swap3A_513], %swap3A_516 {strides = array<i32>} : memref<4x200x64xf32, #tpu.memory_space<vmem>>, vector<1x1x16xf32>,
        %get3A_517 = arith.constant 2 : i32
        %get3A_518 = arith.index_cast %get3A_517 : i32 to index
        %get3A_519 = arith.index_cast %add3A_462 : i32 to index
        %get3A_520 = arith.constant 48 : index
        %get3A_521 = tpu.vector_load %arg8[%get3A_518, %get3A_519, %get3A_520] {strides = array<i32>} : memref<4x200x64xf32, #tpu.memory_space<vmem>>, vector<1x1x16xf32>,
        %get3A_522 = vector.shape_cast %get3A_521 : vector<1x1x16xf32> to vector<16xf32>
        %get3A_523 = arith.index_cast %add3A_462 : i32 to index
        %get3A_524 = arith.constant 48 : index
        %get3A_525 = tpu.vector_load %arg7[%get3A_523, %get3A_524] {strides = array<i32>} : memref<200x64xf32, #tpu.memory_space<vmem>>, vector<1x16xf32>,
        %get3A_526 = vector.shape_cast %get3A_525 : vector<1x16xf32> to vector<16xf32>
        %add3A_527 = arith.addf %get3A_522, %get3A_526 : vector<16xf32>
        %swap3A_528 = arith.constant 2 : i32
        %swap3A_529 = arith.index_cast %swap3A_528 : i32 to index
        %swap3A_530 = arith.index_cast %add3A_462 : i32 to index
        %swap3A_531 = arith.constant 48 : index
        %swap3A_532 = tpu.vector_load %arg8[%swap3A_529, %swap3A_530, %swap3A_531] {strides = array<i32>} : memref<4x200x64xf32, #tpu.memory_space<vmem>>, vector<1x1x16xf32>,
        %swap3A_533 = vector.shape_cast %swap3A_532 : vector<1x1x16xf32> to vector<16xf32>
        %swap3A_534 = vector.shape_cast %add3A_527 : vector<16xf32> to vector<1x1x16xf32>
        tpu.vector_store %arg8[%swap3A_529, %swap3A_530, %swap3A_531], %swap3A_534 {strides = array<i32>} : memref<4x200x64xf32, #tpu.memory_space<vmem>>, vector<1x1x16xf32>,
        %mul3A_535 = arith.constant 4 : i32
        %mul3A_536 = arith.muli %scan3A_308, %mul3A_535 : i32
        %add3A_537 = arith.constant 3 : i32
        %add3A_538 = arith.addi %mul3A_536, %add3A_537 : i32
        %get3A_539 = arith.constant 2 : i32
        %get3A_540 = arith.index_cast %get3A_539 : i32 to index
        %get3A_541 = arith.index_cast %add3A_538 : i32 to index
        %get3A_542 = arith.constant 0 : index
        %get3A_543 = tpu.vector_load %arg8[%get3A_540, %get3A_541, %get3A_542] {strides = array<i32>} : memref<4x200x64xf32, #tpu.memory_space<vmem>>, vector<1x1x16xf32>,
        %get3A_544 = vector.shape_cast %get3A_543 : vector<1x1x16xf32> to vector<16xf32>
        %get3A_545 = arith.index_cast %add3A_538 : i32 to index
        %get3A_546 = arith.constant 0 : index
        %get3A_547 = tpu.vector_load %arg7[%get3A_545, %get3A_546] {strides = array<i32>} : memref<200x64xf32, #tpu.memory_space<vmem>>, vector<1x16xf32>,
        %get3A_548 = vector.shape_cast %get3A_547 : vector<1x16xf32> to vector<16xf32>
        %add3A_549 = arith.addf %get3A_544, %get3A_548 : vector<16xf32>
        %swap3A_550 = arith.constant 2 : i32
        %swap3A_551 = arith.index_cast %swap3A_550 : i32 to index
        %swap3A_552 = arith.index_cast %add3A_538 : i32 to index
        %swap3A_553 = arith.constant 0 : index
        %swap3A_554 = tpu.vector_load %arg8[%swap3A_551, %swap3A_552, %swap3A_553] {strides = array<i32>} : memref<4x200x64xf32, #tpu.memory_space<vmem>>, vector<1x1x16xf32>,
        %swap3A_555 = vector.shape_cast %swap3A_554 : vector<1x1x16xf32> to vector<16xf32>
        %swap3A_556 = vector.shape_cast %add3A_549 : vector<16xf32> to vector<1x1x16xf32>
        tpu.vector_store %arg8[%swap3A_551, %swap3A_552, %swap3A_553], %swap3A_556 {strides = array<i32>} : memref<4x200x64xf32, #tpu.memory_space<vmem>>, vector<1x1x16xf32>,
        %get3A_557 = arith.constant 2 : i32
        %get3A_558 = arith.index_cast %get3A_557 : i32 to index
        %get3A_559 = arith.index_cast %add3A_538 : i32 to index
        %get3A_560 = arith.constant 16 : index
        %get3A_561 = tpu.vector_load %arg8[%get3A_558, %get3A_559, %get3A_560] {strides = array<i32>} : memref<4x200x64xf32, #tpu.memory_space<vmem>>, vector<1x1x16xf32>,
        %get3A_562 = vector.shape_cast %get3A_561 : vector<1x1x16xf32> to vector<16xf32>
        %get3A_563 = arith.index_cast %add3A_538 : i32 to index
        %get3A_564 = arith.constant 16 : index
        %get3A_565 = tpu.vector_load %arg7[%get3A_563, %get3A_564] {strides = array<i32>} : memref<200x64xf32, #tpu.memory_space<vmem>>, vector<1x16xf32>,
        %get3A_566 = vector.shape_cast %get3A_565 : vector<1x16xf32> to vector<16xf32>
        %add3A_567 = arith.addf %get3A_562, %get3A_566 : vector<16xf32>
        %swap3A_568 = arith.constant 2 : i32
        %swap3A_569 = arith.index_cast %swap3A_568 : i32 to index
        %swap3A_570 = arith.index_cast %add3A_538 : i32 to index
        %swap3A_571 = arith.constant 16 : index
        %swap3A_572 = tpu.vector_load %arg8[%swap3A_569, %swap3A_570, %swap3A_571] {strides = array<i32>} : memref<4x200x64xf32, #tpu.memory_space<vmem>>, vector<1x1x16xf32>,
        %swap3A_573 = vector.shape_cast %swap3A_572 : vector<1x1x16xf32> to vector<16xf32>
        %swap3A_574 = vector.shape_cast %add3A_567 : vector<16xf32> to vector<1x1x16xf32>
        tpu.vector_store %arg8[%swap3A_569, %swap3A_570, %swap3A_571], %swap3A_574 {strides = array<i32>} : memref<4x200x64xf32, #tpu.memory_space<vmem>>, vector<1x1x16xf32>,
        %get3A_575 = arith.constant 2 : i32
        %get3A_576 = arith.index_cast %get3A_575 : i32 to index
        %get3A_577 = arith.index_cast %add3A_538 : i32 to index
        %get3A_578 = arith.constant 32 : index
        %get3A_579 = tpu.vector_load %arg8[%get3A_576, %get3A_577, %get3A_578] {strides = array<i32>} : memref<4x200x64xf32, #tpu.memory_space<vmem>>, vector<1x1x16xf32>,
        %get3A_580 = vector.shape_cast %get3A_579 : vector<1x1x16xf32> to vector<16xf32>
        %get3A_581 = arith.index_cast %add3A_538 : i32 to index
        %get3A_582 = arith.constant 32 : index
        %get3A_583 = tpu.vector_load %arg7[%get3A_581, %get3A_582] {strides = array<i32>} : memref<200x64xf32, #tpu.memory_space<vmem>>, vector<1x16xf32>,
        %get3A_584 = vector.shape_cast %get3A_583 : vector<1x16xf32> to vector<16xf32>
        %add3A_585 = arith.addf %get3A_580, %get3A_584 : vector<16xf32>
        %swap3A_586 = arith.constant 2 : i32
        %swap3A_587 = arith.index_cast %swap3A_586 : i32 to index
        %swap3A_588 = arith.index_cast %add3A_538 : i32 to index
        %swap3A_589 = arith.constant 32 : index
        %swap3A_590 = tpu.vector_load %arg8[%swap3A_587, %swap3A_588, %swap3A_589] {strides = array<i32>} : memref<4x200x64xf32, #tpu.memory_space<vmem>>, vector<1x1x16xf32>,
        %swap3A_591 = vector.shape_cast %swap3A_590 : vector<1x1x16xf32> to vector<16xf32>
        %swap3A_592 = vector.shape_cast %add3A_585 : vector<16xf32> to vector<1x1x16xf32>
        tpu.vector_store %arg8[%swap3A_587, %swap3A_588, %swap3A_589], %swap3A_592 {strides = array<i32>} : memref<4x200x64xf32, #tpu.memory_space<vmem>>, vector<1x1x16xf32>,
        %get3A_593 = arith.constant 2 : i32
        %get3A_594 = arith.index_cast %get3A_593 : i32 to index
        %get3A_595 = arith.index_cast %add3A_538 : i32 to index
        %get3A_596 = arith.constant 48 : index
        %get3A_597 = tpu.vector_load %arg8[%get3A_594, %get3A_595, %get3A_596] {strides = array<i32>} : memref<4x200x64xf32, #tpu.memory_space<vmem>>, vector<1x1x16xf32>,
        %get3A_598 = vector.shape_cast %get3A_597 : vector<1x1x16xf32> to vector<16xf32>
        %get3A_599 = arith.index_cast %add3A_538 : i32 to index
        %get3A_600 = arith.constant 48 : index
        %get3A_601 = tpu.vector_load %arg7[%get3A_599, %get3A_600] {strides = array<i32>} : memref<200x64xf32, #tpu.memory_space<vmem>>, vector<1x16xf32>,
        %get3A_602 = vector.shape_cast %get3A_601 : vector<1x16xf32> to vector<16xf32>
        %add3A_603 = arith.addf %get3A_598, %get3A_602 : vector<16xf32>
        %swap3A_604 = arith.constant 2 : i32
        %swap3A_605 = arith.index_cast %swap3A_604 : i32 to index
        %swap3A_606 = arith.index_cast %add3A_538 : i32 to index
        %swap3A_607 = arith.constant 48 : index
        %swap3A_608 = tpu.vector_load %arg8[%swap3A_605, %swap3A_606, %swap3A_607] {strides = array<i32>} : memref<4x200x64xf32, #tpu.memory_space<vmem>>, vector<1x1x16xf32>,
        %swap3A_609 = vector.shape_cast %swap3A_608 : vector<1x1x16xf32> to vector<16xf32>
        %swap3A_610 = vector.shape_cast %add3A_603 : vector<16xf32> to vector<1x1x16xf32>
        tpu.vector_store %arg8[%swap3A_605, %swap3A_606, %swap3A_607], %swap3A_610 {strides = array<i32>} : memref<4x200x64xf32, #tpu.memory_space<vmem>>, vector<1x1x16xf32>,
      }
      %scan3A_230 = arith.constant 50 : i32
      %add3A_231 = arith.addi %mul3A_2, %add3A_190 : i32
      %mul3A_232 = arith.constant 200 : i32
      %mul3A_233 = arith.muli %add3A_231, %mul3A_232 : i32
      %dma_start3A_234 = arith.constant 2 : i32
      %dma_start3A_235 = arith.constant 0 : i32
      %dma_start3A_236 = arith.constant 0 : i32
      %dma_start3A_237 = tpu.memref_slice %arg8[%dma_start3A_234, %dma_start3A_235, %dma_start3A_236] : memref<4x200x64xf32, #tpu.memory_space<vmem>> -> memref<1x200x64xf32, #tpu.memory_space<vmem>>
      %dma_start3A_238 = tpu.memref_squeeze %dma_start3A_237 : memref<1x200x64xf32, #tpu.memory_space<vmem>> -> memref<200x64xf32, #tpu.memory_space<vmem>>
      %dma_start3A_239 = arith.constant 0 : i32
      %dma_start3A_240 = tpu.memref_slice %arg5[%mul3A_233, %dma_start3A_239] : memref<819200x64xf32, #tpu.memory_space<hbm>> -> memref<200x64xf32, #tpu.memory_space<hbm>>
      %dma_start3A_241 = arith.constant 0 : i32
      %dma_start3A_242 = tpu.memref_slice %arg5[%mul3A_233, %dma_start3A_241] : memref<819200x64xf32, #tpu.memory_space<hbm>> -> memref<200x64xf32, #tpu.memory_space<hbm>>
      %dma_start3A_243 = arith.constant 0 : i32
      %dma_start3A_244 = arith.constant 0 : i32
      %dma_start3A_245 = tpu.memref_slice %arg8[%dma_start3A_234, %dma_start3A_243, %dma_start3A_244] : memref<4x200x64xf32, #tpu.memory_space<vmem>> -> memref<1x200x64xf32, #tpu.memory_space<vmem>>
      %dma_start3A_246 = tpu.memref_squeeze %dma_start3A_245 : memref<1x200x64xf32, #tpu.memory_space<vmem>> -> memref<200x64xf32, #tpu.memory_space<vmem>>
      tpu.enqueue_dma source(%dma_start3A_246 : memref<200x64xf32, #tpu.memory_space<vmem>>) target(%dma_start3A_242 : memref<200x64xf32, #tpu.memory_space<hbm>>) target_semaphore(%arg10 : memref<!tpu.dma_semaphore, #tpu.memory_space<semaphore_mem>>)
      %mul3A_247 = arith.constant 4 : i32
      %mul3A_248 = arith.muli %scan3A_78, %mul3A_247 : i32
      %add3A_249 = arith.constant 3 : i32
      %add3A_250 = arith.addi %mul3A_248, %add3A_249 : i32
      %dma_wait3A_251 = arith.constant 1 : i32
      %dma_wait3A_252 = arith.constant 0 : i32
      %dma_wait3A_253 = arith.constant 0 : i32
      %dma_wait3A_254 = tpu.memref_slice %arg8[%dma_wait3A_251, %dma_wait3A_252, %dma_wait3A_253] : memref<4x200x64xf32, #tpu.memory_space<vmem>> -> memref<1x200x64xf32, #tpu.memory_space<vmem>>
      %dma_wait3A_255 = tpu.memref_squeeze %dma_wait3A_254 : memref<1x200x64xf32, #tpu.memory_space<vmem>> -> memref<200x64xf32, #tpu.memory_space<vmem>>
      %dma_wait3A_256 = arith.constant 0 : i32
      %dma_wait3A_257 = arith.constant 0 : i32
      %dma_wait3A_258 = tpu.memref_slice %arg5[%dma_wait3A_256, %dma_wait3A_257] : memref<819200x64xf32, #tpu.memory_space<hbm>> -> memref<200x64xf32, #tpu.memory_space<hbm>>
      %dma_wait3A_259 = arith.constant 0 : i32
      %dma_wait3A_260 = arith.constant 0 : i32
      %dma_wait3A_261 = tpu.memref_slice %arg5[%dma_wait3A_259, %dma_wait3A_260] : memref<819200x64xf32, #tpu.memory_space<hbm>> -> memref<200x64xf32, #tpu.memory_space<hbm>>
      %dma_wait3A_262 = arith.constant 0 : i32
      %dma_wait3A_263 = arith.constant 0 : i32
      %dma_wait3A_264 = tpu.memref_slice %arg8[%dma_wait3A_251, %dma_wait3A_262, %dma_wait3A_263] : memref<4x200x64xf32, #tpu.memory_space<vmem>> -> memref<1x200x64xf32, #tpu.memory_space<vmem>>
      %dma_wait3A_265 = tpu.memref_squeeze %dma_wait3A_264 : memref<1x200x64xf32, #tpu.memory_space<vmem>> -> memref<200x64xf32, #tpu.memory_space<vmem>>
      tpu.wait_dma2 semaphore(%arg10 : memref<!tpu.dma_semaphore, #tpu.memory_space<semaphore_mem>>) src(%dma_wait3A_265 : memref<200x64xf32, #tpu.memory_space<vmem>>) dst(%dma_wait3A_261 : memref<200x64xf32, #tpu.memory_space<hbm>>)
      %lt3A_266 = arith.constant 31 : i32
      %lt3A_267 = arith.cmpi slt, %scan3A_78, %lt3A_266 : i32
      %convert_element_type3A_268 = arith.extui %lt3A_267 : i1 to i32
      %cond3A_269 = arith.constant 0 : i32
      %cond3A_270 = arith.cmpi ne, %convert_element_type3A_268, %cond3A_269 : i32
      scf.if %cond3A_270 {
        %add3A_308 = arith.constant 2 : i32
        %add3A_309 = arith.addi %add3A_250, %add3A_308 : i32
        %mul3A_310 = arith.constant 200 : i32
        %mul3A_311 = arith.muli %add3A_309, %mul3A_310 : i32
        %dma_start3A_312 = arith.constant 1 : i32
        %dma_start3A_313 = arith.constant 0 : i32
        %dma_start3A_314 = arith.constant 0 : i32
        %dma_start3A_315 = tpu.memref_slice %arg8[%dma_start3A_312, %dma_start3A_313, %dma_start3A_314] : memref<4x200x64xf32, #tpu.memory_space<vmem>> -> memref<1x104x64xf32, #tpu.memory_space<vmem>>
        %dma_start3A_316 = tpu.memref_squeeze %dma_start3A_315 : memref<1x104x64xf32, #tpu.memory_space<vmem>> -> memref<104x64xf32, #tpu.memory_space<vmem>>
        %dma_start3A_317 = tpu.memref_slice %arg6[%mul3A_311] : memref<25600xi32, #tpu.memory_space<vmem>> -> memref<104xi32, #tpu.memory_space<vmem>>
        %dma_start3A_318 = arith.constant 0 : i32
        %dma_start3A_319 = arith.constant 0 : i32
        %dma_start3A_320 = tpu.memref_slice %arg3[%dma_start3A_318, %dma_start3A_319] : memref<100000x64xf32, #tpu.memory_space<hbm>> -> memref<100000x64xf32, #tpu.memory_space<hbm>>
        tpu.enqueue_indirect_dma source(%dma_start3A_320 : memref<100000x64xf32, #tpu.memory_space<hbm>>) target(%dma_start3A_316 : memref<104x64xf32, #tpu.memory_space<vmem>>) offsets(%dma_start3A_317 : memref<104xi32, #tpu.memory_space<vmem>>) semaphore(%arg9 : memref<!tpu.dma_semaphore, #tpu.memory_space<semaphore_mem>>)
        %mul3A_321 = arith.constant 200 : i32
        %mul3A_322 = arith.muli %add3A_309, %mul3A_321 : i32
        %add3A_323 = arith.constant 104 : i32
        %add3A_324 = arith.addi %mul3A_322, %add3A_323 : i32
        %dma_start3A_325 = arith.constant 1 : i32
        %dma_start3A_326 = arith.constant 104 : i32
        %dma_start3A_327 = arith.constant 0 : i32
        %dma_start3A_328 = tpu.memref_slice %arg8[%dma_start3A_325, %dma_start3A_326, %dma_start3A_327] : memref<4x200x64xf32, #tpu.memory_space<vmem>> -> memref<1x96x64xf32, #tpu.memory_space<vmem>>
        %dma_start3A_329 = tpu.memref_squeeze %dma_start3A_328 : memref<1x96x64xf32, #tpu.memory_space<vmem>> -> memref<96x64xf32, #tpu.memory_space<vmem>>
        %dma_start3A_330 = tpu.memref_slice %arg6[%add3A_324] : memref<25600xi32, #tpu.memory_space<vmem>> -> memref<96xi32, #tpu.memory_space<vmem>>
        %dma_start3A_331 = arith.constant 0 : i32
        %dma_start3A_332 = arith.constant 0 : i32
        %dma_start3A_333 = tpu.memref_slice %arg3[%dma_start3A_331, %dma_start3A_332] : memref<100000x64xf32, #tpu.memory_space<hbm>> -> memref<100000x64xf32, #tpu.memory_space<hbm>>
        tpu.enqueue_indirect_dma source(%dma_start3A_333 : memref<100000x64xf32, #tpu.memory_space<hbm>>) target(%dma_start3A_329 : memref<96x64xf32, #tpu.memory_space<vmem>>) offsets(%dma_start3A_330 : memref<96xi32, #tpu.memory_space<vmem>>) semaphore(%arg9 : memref<!tpu.dma_semaphore, #tpu.memory_space<semaphore_mem>>)
      } else {
      }
      %dma_wait3A_271 = arith.constant 3 : i32
      %dma_wait3A_272 = arith.constant 0 : i32
      %dma_wait3A_273 = arith.constant 0 : i32
      %dma_wait3A_274 = tpu.memref_slice %arg8[%dma_wait3A_271, %dma_wait3A_272, %dma_wait3A_273] : memref<4x200x64xf32, #tpu.memory_space<vmem>> -> memref<1x200x64xf32, #tpu.memory_space<vmem>>
      %dma_wait3A_275 = tpu.memref_squeeze %dma_wait3A_274 : memref<1x200x64xf32, #tpu.memory_space<vmem>> -> memref<200x64xf32, #tpu.memory_space<vmem>>
      %dma_wait3A_276 = arith.constant 0 : i32
      %dma_wait3A_277 = arith.constant 0 : i32
      %dma_wait3A_278 = tpu.memref_slice %arg5[%dma_wait3A_276, %dma_wait3A_277] : memref<819200x64xf32, #tpu.memory_space<hbm>> -> memref<200x64xf32, #tpu.memory_space<hbm>>
      %dma_wait3A_279 = arith.constant 0 : i32
      %dma_wait3A_280 = arith.constant 0 : i32
      %dma_wait3A_281 = tpu.memref_slice %arg8[%dma_wait3A_271, %dma_wait3A_279, %dma_wait3A_280] : memref<4x200x64xf32, #tpu.memory_space<vmem>> -> memref<1x200x64xf32, #tpu.memory_space<vmem>>
      %dma_wait3A_282 = tpu.memref_squeeze %dma_wait3A_281 : memref<1x200x64xf32, #tpu.memory_space<vmem>> -> memref<200x64xf32, #tpu.memory_space<vmem>>
      %dma_wait3A_283 = arith.constant 0 : i32
      %dma_wait3A_284 = arith.constant 0 : i32
      %dma_wait3A_285 = tpu.memref_slice %arg5[%dma_wait3A_283, %dma_wait3A_284] : memref<819200x64xf32, #tpu.memory_space<hbm>> -> memref<200x64xf32, #tpu.memory_space<hbm>>
      tpu.wait_dma2 semaphore(%arg9 : memref<!tpu.dma_semaphore, #tpu.memory_space<semaphore_mem>>) src(%dma_wait3A_285 : memref<200x64xf32, #tpu.memory_space<hbm>>) dst(%dma_wait3A_282 : memref<200x64xf32, #tpu.memory_space<vmem>>)
      %scan3A_286 = arith.constant 0 : i32
      %scan3A_287 = arith.constant 0 : i32
      %scan3A_288 = arith.constant 50 : i32
      %scan3A_289 = arith.addi %scan3A_287, %scan3A_288 : i32
      %scan3A_290 = arith.constant 1 : i32
      scf.for %scan3A_308 = %scan3A_287 to %scan3A_289 step %scan3A_290  : i32 {
        %mul3A_309 = arith.constant 4 : i32
        %mul3A_310 = arith.muli %scan3A_308, %mul3A_309 : i32
        %add3A_311 = arith.constant 0 : i32
        %add3A_312 = arith.addi %mul3A_310, %add3A_311 : i32
        %get3A = arith.constant 3 : i32
        %get3A_313 = arith.index_cast %get3A : i32 to index
        %get3A_314 = arith.index_cast %add3A_312 : i32 to index
        %get3A_315 = arith.constant 0 : index
        %get3A_316 = tpu.vector_load %arg8[%get3A_313, %get3A_314, %get3A_315] {strides = array<i32>} : memref<4x200x64xf32, #tpu.memory_space<vmem>>, vector<1x1x16xf32>,
        %get3A_317 = vector.shape_cast %get3A_316 : vector<1x1x16xf32> to vector<16xf32>
        %get3A_318 = arith.index_cast %add3A_312 : i32 to index
        %get3A_319 = arith.constant 0 : index
        %get3A_320 = tpu.vector_load %arg7[%get3A_318, %get3A_319] {strides = array<i32>} : memref<200x64xf32, #tpu.memory_space<vmem>>, vector<1x16xf32>,
        %get3A_321 = vector.shape_cast %get3A_320 : vector<1x16xf32> to vector<16xf32>
        %add3A_322 = arith.addf %get3A_317, %get3A_321 : vector<16xf32>
        %swap3A = arith.constant 3 : i32
        %swap3A_323 = arith.index_cast %swap3A : i32 to index
        %swap3A_324 = arith.index_cast %add3A_312 : i32 to index
        %swap3A_325 = arith.constant 0 : index
        %swap3A_326 = tpu.vector_load %arg8[%swap3A_323, %swap3A_324, %swap3A_325] {strides = array<i32>} : memref<4x200x64xf32, #tpu.memory_space<vmem>>, vector<1x1x16xf32>,
        %swap3A_327 = vector.shape_cast %swap3A_326 : vector<1x1x16xf32> to vector<16xf32>
        %swap3A_328 = vector.shape_cast %add3A_322 : vector<16xf32> to vector<1x1x16xf32>
        tpu.vector_store %arg8[%swap3A_323, %swap3A_324, %swap3A_325], %swap3A_328 {strides = array<i32>} : memref<4x200x64xf32, #tpu.memory_space<vmem>>, vector<1x1x16xf32>,
        %get3A_329 = arith.constant 3 : i32
        %get3A_330 = arith.index_cast %get3A_329 : i32 to index
        %get3A_331 = arith.index_cast %add3A_312 : i32 to index
        %get3A_332 = arith.constant 16 : index
        %get3A_333 = tpu.vector_load %arg8[%get3A_330, %get3A_331, %get3A_332] {strides = array<i32>} : memref<4x200x64xf32, #tpu.memory_space<vmem>>, vector<1x1x16xf32>,
        %get3A_334 = vector.shape_cast %get3A_333 : vector<1x1x16xf32> to vector<16xf32>
        %get3A_335 = arith.index_cast %add3A_312 : i32 to index
        %get3A_336 = arith.constant 16 : index
        %get3A_337 = tpu.vector_load %arg7[%get3A_335, %get3A_336] {strides = array<i32>} : memref<200x64xf32, #tpu.memory_space<vmem>>, vector<1x16xf32>,
        %get3A_338 = vector.shape_cast %get3A_337 : vector<1x16xf32> to vector<16xf32>
        %add3A_339 = arith.addf %get3A_334, %get3A_338 : vector<16xf32>
        %swap3A_340 = arith.constant 3 : i32
        %swap3A_341 = arith.index_cast %swap3A_340 : i32 to index
        %swap3A_342 = arith.index_cast %add3A_312 : i32 to index
        %swap3A_343 = arith.constant 16 : index
        %swap3A_344 = tpu.vector_load %arg8[%swap3A_341, %swap3A_342, %swap3A_343] {strides = array<i32>} : memref<4x200x64xf32, #tpu.memory_space<vmem>>, vector<1x1x16xf32>,
        %swap3A_345 = vector.shape_cast %swap3A_344 : vector<1x1x16xf32> to vector<16xf32>
        %swap3A_346 = vector.shape_cast %add3A_339 : vector<16xf32> to vector<1x1x16xf32>
        tpu.vector_store %arg8[%swap3A_341, %swap3A_342, %swap3A_343], %swap3A_346 {strides = array<i32>} : memref<4x200x64xf32, #tpu.memory_space<vmem>>, vector<1x1x16xf32>,
        %get3A_347 = arith.constant 3 : i32
        %get3A_348 = arith.index_cast %get3A_347 : i32 to index
        %get3A_349 = arith.index_cast %add3A_312 : i32 to index
        %get3A_350 = arith.constant 32 : index
        %get3A_351 = tpu.vector_load %arg8[%get3A_348, %get3A_349, %get3A_350] {strides = array<i32>} : memref<4x200x64xf32, #tpu.memory_space<vmem>>, vector<1x1x16xf32>,
        %get3A_352 = vector.shape_cast %get3A_351 : vector<1x1x16xf32> to vector<16xf32>
        %get3A_353 = arith.index_cast %add3A_312 : i32 to index
        %get3A_354 = arith.constant 32 : index
        %get3A_355 = tpu.vector_load %arg7[%get3A_353, %get3A_354] {strides = array<i32>} : memref<200x64xf32, #tpu.memory_space<vmem>>, vector<1x16xf32>,
        %get3A_356 = vector.shape_cast %get3A_355 : vector<1x16xf32> to vector<16xf32>
        %add3A_357 = arith.addf %get3A_352, %get3A_356 : vector<16xf32>
        %swap3A_358 = arith.constant 3 : i32
        %swap3A_359 = arith.index_cast %swap3A_358 : i32 to index
        %swap3A_360 = arith.index_cast %add3A_312 : i32 to index
        %swap3A_361 = arith.constant 32 : index
        %swap3A_362 = tpu.vector_load %arg8[%swap3A_359, %swap3A_360, %swap3A_361] {strides = array<i32>} : memref<4x200x64xf32, #tpu.memory_space<vmem>>, vector<1x1x16xf32>,
        %swap3A_363 = vector.shape_cast %swap3A_362 : vector<1x1x16xf32> to vector<16xf32>
        %swap3A_364 = vector.shape_cast %add3A_357 : vector<16xf32> to vector<1x1x16xf32>
        tpu.vector_store %arg8[%swap3A_359, %swap3A_360, %swap3A_361], %swap3A_364 {strides = array<i32>} : memref<4x200x64xf32, #tpu.memory_space<vmem>>, vector<1x1x16xf32>,
        %get3A_365 = arith.constant 3 : i32
        %get3A_366 = arith.index_cast %get3A_365 : i32 to index
        %get3A_367 = arith.index_cast %add3A_312 : i32 to index
        %get3A_368 = arith.constant 48 : index
        %get3A_369 = tpu.vector_load %arg8[%get3A_366, %get3A_367, %get3A_368] {strides = array<i32>} : memref<4x200x64xf32, #tpu.memory_space<vmem>>, vector<1x1x16xf32>,
        %get3A_370 = vector.shape_cast %get3A_369 : vector<1x1x16xf32> to vector<16xf32>
        %get3A_371 = arith.index_cast %add3A_312 : i32 to index
        %get3A_372 = arith.constant 48 : index
        %get3A_373 = tpu.vector_load %arg7[%get3A_371, %get3A_372] {strides = array<i32>} : memref<200x64xf32, #tpu.memory_space<vmem>>, vector<1x16xf32>,
        %get3A_374 = vector.shape_cast %get3A_373 : vector<1x16xf32> to vector<16xf32>
        %add3A_375 = arith.addf %get3A_370, %get3A_374 : vector<16xf32>
        %swap3A_376 = arith.constant 3 : i32
        %swap3A_377 = arith.index_cast %swap3A_376 : i32 to index
        %swap3A_378 = arith.index_cast %add3A_312 : i32 to index
        %swap3A_379 = arith.constant 48 : index
        %swap3A_380 = tpu.vector_load %arg8[%swap3A_377, %swap3A_378, %swap3A_379] {strides = array<i32>} : memref<4x200x64xf32, #tpu.memory_space<vmem>>, vector<1x1x16xf32>,
        %swap3A_381 = vector.shape_cast %swap3A_380 : vector<1x1x16xf32> to vector<16xf32>
        %swap3A_382 = vector.shape_cast %add3A_375 : vector<16xf32> to vector<1x1x16xf32>
        tpu.vector_store %arg8[%swap3A_377, %swap3A_378, %swap3A_379], %swap3A_382 {strides = array<i32>} : memref<4x200x64xf32, #tpu.memory_space<vmem>>, vector<1x1x16xf32>,
        %mul3A_383 = arith.constant 4 : i32
        %mul3A_384 = arith.muli %scan3A_308, %mul3A_383 : i32
        %add3A_385 = arith.constant 1 : i32
        %add3A_386 = arith.addi %mul3A_384, %add3A_385 : i32
        %get3A_387 = arith.constant 3 : i32
        %get3A_388 = arith.index_cast %get3A_387 : i32 to index
        %get3A_389 = arith.index_cast %add3A_386 : i32 to index
        %get3A_390 = arith.constant 0 : index
        %get3A_391 = tpu.vector_load %arg8[%get3A_388, %get3A_389, %get3A_390] {strides = array<i32>} : memref<4x200x64xf32, #tpu.memory_space<vmem>>, vector<1x1x16xf32>,
        %get3A_392 = vector.shape_cast %get3A_391 : vector<1x1x16xf32> to vector<16xf32>
        %get3A_393 = arith.index_cast %add3A_386 : i32 to index
        %get3A_394 = arith.constant 0 : index
        %get3A_395 = tpu.vector_load %arg7[%get3A_393, %get3A_394] {strides = array<i32>} : memref<200x64xf32, #tpu.memory_space<vmem>>, vector<1x16xf32>,
        %get3A_396 = vector.shape_cast %get3A_395 : vector<1x16xf32> to vector<16xf32>
        %add3A_397 = arith.addf %get3A_392, %get3A_396 : vector<16xf32>
        %swap3A_398 = arith.constant 3 : i32
        %swap3A_399 = arith.index_cast %swap3A_398 : i32 to index
        %swap3A_400 = arith.index_cast %add3A_386 : i32 to index
        %swap3A_401 = arith.constant 0 : index
        %swap3A_402 = tpu.vector_load %arg8[%swap3A_399, %swap3A_400, %swap3A_401] {strides = array<i32>} : memref<4x200x64xf32, #tpu.memory_space<vmem>>, vector<1x1x16xf32>,
        %swap3A_403 = vector.shape_cast %swap3A_402 : vector<1x1x16xf32> to vector<16xf32>
        %swap3A_404 = vector.shape_cast %add3A_397 : vector<16xf32> to vector<1x1x16xf32>
        tpu.vector_store %arg8[%swap3A_399, %swap3A_400, %swap3A_401], %swap3A_404 {strides = array<i32>} : memref<4x200x64xf32, #tpu.memory_space<vmem>>, vector<1x1x16xf32>,
        %get3A_405 = arith.constant 3 : i32
        %get3A_406 = arith.index_cast %get3A_405 : i32 to index
        %get3A_407 = arith.index_cast %add3A_386 : i32 to index
        %get3A_408 = arith.constant 16 : index
        %get3A_409 = tpu.vector_load %arg8[%get3A_406, %get3A_407, %get3A_408] {strides = array<i32>} : memref<4x200x64xf32, #tpu.memory_space<vmem>>, vector<1x1x16xf32>,
        %get3A_410 = vector.shape_cast %get3A_409 : vector<1x1x16xf32> to vector<16xf32>
        %get3A_411 = arith.index_cast %add3A_386 : i32 to index
        %get3A_412 = arith.constant 16 : index
        %get3A_413 = tpu.vector_load %arg7[%get3A_411, %get3A_412] {strides = array<i32>} : memref<200x64xf32, #tpu.memory_space<vmem>>, vector<1x16xf32>,
        %get3A_414 = vector.shape_cast %get3A_413 : vector<1x16xf32> to vector<16xf32>
        %add3A_415 = arith.addf %get3A_410, %get3A_414 : vector<16xf32>
        %swap3A_416 = arith.constant 3 : i32
        %swap3A_417 = arith.index_cast %swap3A_416 : i32 to index
        %swap3A_418 = arith.index_cast %add3A_386 : i32 to index
        %swap3A_419 = arith.constant 16 : index
        %swap3A_420 = tpu.vector_load %arg8[%swap3A_417, %swap3A_418, %swap3A_419] {strides = array<i32>} : memref<4x200x64xf32, #tpu.memory_space<vmem>>, vector<1x1x16xf32>,
        %swap3A_421 = vector.shape_cast %swap3A_420 : vector<1x1x16xf32> to vector<16xf32>
        %swap3A_422 = vector.shape_cast %add3A_415 : vector<16xf32> to vector<1x1x16xf32>
        tpu.vector_store %arg8[%swap3A_417, %swap3A_418, %swap3A_419], %swap3A_422 {strides = array<i32>} : memref<4x200x64xf32, #tpu.memory_space<vmem>>, vector<1x1x16xf32>,
        %get3A_423 = arith.constant 3 : i32
        %get3A_424 = arith.index_cast %get3A_423 : i32 to index
        %get3A_425 = arith.index_cast %add3A_386 : i32 to index
        %get3A_426 = arith.constant 32 : index
        %get3A_427 = tpu.vector_load %arg8[%get3A_424, %get3A_425, %get3A_426] {strides = array<i32>} : memref<4x200x64xf32, #tpu.memory_space<vmem>>, vector<1x1x16xf32>,
        %get3A_428 = vector.shape_cast %get3A_427 : vector<1x1x16xf32> to vector<16xf32>
        %get3A_429 = arith.index_cast %add3A_386 : i32 to index
        %get3A_430 = arith.constant 32 : index
        %get3A_431 = tpu.vector_load %arg7[%get3A_429, %get3A_430] {strides = array<i32>} : memref<200x64xf32, #tpu.memory_space<vmem>>, vector<1x16xf32>,
        %get3A_432 = vector.shape_cast %get3A_431 : vector<1x16xf32> to vector<16xf32>
        %add3A_433 = arith.addf %get3A_428, %get3A_432 : vector<16xf32>
        %swap3A_434 = arith.constant 3 : i32
        %swap3A_435 = arith.index_cast %swap3A_434 : i32 to index
        %swap3A_436 = arith.index_cast %add3A_386 : i32 to index
        %swap3A_437 = arith.constant 32 : index
        %swap3A_438 = tpu.vector_load %arg8[%swap3A_435, %swap3A_436, %swap3A_437] {strides = array<i32>} : memref<4x200x64xf32, #tpu.memory_space<vmem>>, vector<1x1x16xf32>,
        %swap3A_439 = vector.shape_cast %swap3A_438 : vector<1x1x16xf32> to vector<16xf32>
        %swap3A_440 = vector.shape_cast %add3A_433 : vector<16xf32> to vector<1x1x16xf32>
        tpu.vector_store %arg8[%swap3A_435, %swap3A_436, %swap3A_437], %swap3A_440 {strides = array<i32>} : memref<4x200x64xf32, #tpu.memory_space<vmem>>, vector<1x1x16xf32>,
        %get3A_441 = arith.constant 3 : i32
        %get3A_442 = arith.index_cast %get3A_441 : i32 to index
        %get3A_443 = arith.index_cast %add3A_386 : i32 to index
        %get3A_444 = arith.constant 48 : index
        %get3A_445 = tpu.vector_load %arg8[%get3A_442, %get3A_443, %get3A_444] {strides = array<i32>} : memref<4x200x64xf32, #tpu.memory_space<vmem>>, vector<1x1x16xf32>,
        %get3A_446 = vector.shape_cast %get3A_445 : vector<1x1x16xf32> to vector<16xf32>
        %get3A_447 = arith.index_cast %add3A_386 : i32 to index
        %get3A_448 = arith.constant 48 : index
        %get3A_449 = tpu.vector_load %arg7[%get3A_447, %get3A_448] {strides = array<i32>} : memref<200x64xf32, #tpu.memory_space<vmem>>, vector<1x16xf32>,
        %get3A_450 = vector.shape_cast %get3A_449 : vector<1x16xf32> to vector<16xf32>
        %add3A_451 = arith.addf %get3A_446, %get3A_450 : vector<16xf32>
        %swap3A_452 = arith.constant 3 : i32
        %swap3A_453 = arith.index_cast %swap3A_452 : i32 to index
        %swap3A_454 = arith.index_cast %add3A_386 : i32 to index
        %swap3A_455 = arith.constant 48 : index
        %swap3A_456 = tpu.vector_load %arg8[%swap3A_453, %swap3A_454, %swap3A_455] {strides = array<i32>} : memref<4x200x64xf32, #tpu.memory_space<vmem>>, vector<1x1x16xf32>,
        %swap3A_457 = vector.shape_cast %swap3A_456 : vector<1x1x16xf32> to vector<16xf32>
        %swap3A_458 = vector.shape_cast %add3A_451 : vector<16xf32> to vector<1x1x16xf32>
        tpu.vector_store %arg8[%swap3A_453, %swap3A_454, %swap3A_455], %swap3A_458 {strides = array<i32>} : memref<4x200x64xf32, #tpu.memory_space<vmem>>, vector<1x1x16xf32>,
        %mul3A_459 = arith.constant 4 : i32
        %mul3A_460 = arith.muli %scan3A_308, %mul3A_459 : i32
        %add3A_461 = arith.constant 2 : i32
        %add3A_462 = arith.addi %mul3A_460, %add3A_461 : i32
        %get3A_463 = arith.constant 3 : i32
        %get3A_464 = arith.index_cast %get3A_463 : i32 to index
        %get3A_465 = arith.index_cast %add3A_462 : i32 to index
        %get3A_466 = arith.constant 0 : index
        %get3A_467 = tpu.vector_load %arg8[%get3A_464, %get3A_465, %get3A_466] {strides = array<i32>} : memref<4x200x64xf32, #tpu.memory_space<vmem>>, vector<1x1x16xf32>,
        %get3A_468 = vector.shape_cast %get3A_467 : vector<1x1x16xf32> to vector<16xf32>
        %get3A_469 = arith.index_cast %add3A_462 : i32 to index
        %get3A_470 = arith.constant 0 : index
        %get3A_471 = tpu.vector_load %arg7[%get3A_469, %get3A_470] {strides = array<i32>} : memref<200x64xf32, #tpu.memory_space<vmem>>, vector<1x16xf32>,
        %get3A_472 = vector.shape_cast %get3A_471 : vector<1x16xf32> to vector<16xf32>
        %add3A_473 = arith.addf %get3A_468, %get3A_472 : vector<16xf32>
        %swap3A_474 = arith.constant 3 : i32
        %swap3A_475 = arith.index_cast %swap3A_474 : i32 to index
        %swap3A_476 = arith.index_cast %add3A_462 : i32 to index
        %swap3A_477 = arith.constant 0 : index
        %swap3A_478 = tpu.vector_load %arg8[%swap3A_475, %swap3A_476, %swap3A_477] {strides = array<i32>} : memref<4x200x64xf32, #tpu.memory_space<vmem>>, vector<1x1x16xf32>,
        %swap3A_479 = vector.shape_cast %swap3A_478 : vector<1x1x16xf32> to vector<16xf32>
        %swap3A_480 = vector.shape_cast %add3A_473 : vector<16xf32> to vector<1x1x16xf32>
        tpu.vector_store %arg8[%swap3A_475, %swap3A_476, %swap3A_477], %swap3A_480 {strides = array<i32>} : memref<4x200x64xf32, #tpu.memory_space<vmem>>, vector<1x1x16xf32>,
        %get3A_481 = arith.constant 3 : i32
        %get3A_482 = arith.index_cast %get3A_481 : i32 to index
        %get3A_483 = arith.index_cast %add3A_462 : i32 to index
        %get3A_484 = arith.constant 16 : index
        %get3A_485 = tpu.vector_load %arg8[%get3A_482, %get3A_483, %get3A_484] {strides = array<i32>} : memref<4x200x64xf32, #tpu.memory_space<vmem>>, vector<1x1x16xf32>,
        %get3A_486 = vector.shape_cast %get3A_485 : vector<1x1x16xf32> to vector<16xf32>
        %get3A_487 = arith.index_cast %add3A_462 : i32 to index
        %get3A_488 = arith.constant 16 : index
        %get3A_489 = tpu.vector_load %arg7[%get3A_487, %get3A_488] {strides = array<i32>} : memref<200x64xf32, #tpu.memory_space<vmem>>, vector<1x16xf32>,
        %get3A_490 = vector.shape_cast %get3A_489 : vector<1x16xf32> to vector<16xf32>
        %add3A_491 = arith.addf %get3A_486, %get3A_490 : vector<16xf32>
        %swap3A_492 = arith.constant 3 : i32
        %swap3A_493 = arith.index_cast %swap3A_492 : i32 to index
        %swap3A_494 = arith.index_cast %add3A_462 : i32 to index
        %swap3A_495 = arith.constant 16 : index
        %swap3A_496 = tpu.vector_load %arg8[%swap3A_493, %swap3A_494, %swap3A_495] {strides = array<i32>} : memref<4x200x64xf32, #tpu.memory_space<vmem>>, vector<1x1x16xf32>,
        %swap3A_497 = vector.shape_cast %swap3A_496 : vector<1x1x16xf32> to vector<16xf32>
        %swap3A_498 = vector.shape_cast %add3A_491 : vector<16xf32> to vector<1x1x16xf32>
        tpu.vector_store %arg8[%swap3A_493, %swap3A_494, %swap3A_495], %swap3A_498 {strides = array<i32>} : memref<4x200x64xf32, #tpu.memory_space<vmem>>, vector<1x1x16xf32>,
        %get3A_499 = arith.constant 3 : i32
        %get3A_500 = arith.index_cast %get3A_499 : i32 to index
        %get3A_501 = arith.index_cast %add3A_462 : i32 to index
        %get3A_502 = arith.constant 32 : index
        %get3A_503 = tpu.vector_load %arg8[%get3A_500, %get3A_501, %get3A_502] {strides = array<i32>} : memref<4x200x64xf32, #tpu.memory_space<vmem>>, vector<1x1x16xf32>,
        %get3A_504 = vector.shape_cast %get3A_503 : vector<1x1x16xf32> to vector<16xf32>
        %get3A_505 = arith.index_cast %add3A_462 : i32 to index
        %get3A_506 = arith.constant 32 : index
        %get3A_507 = tpu.vector_load %arg7[%get3A_505, %get3A_506] {strides = array<i32>} : memref<200x64xf32, #tpu.memory_space<vmem>>, vector<1x16xf32>,
        %get3A_508 = vector.shape_cast %get3A_507 : vector<1x16xf32> to vector<16xf32>
        %add3A_509 = arith.addf %get3A_504, %get3A_508 : vector<16xf32>
        %swap3A_510 = arith.constant 3 : i32
        %swap3A_511 = arith.index_cast %swap3A_510 : i32 to index
        %swap3A_512 = arith.index_cast %add3A_462 : i32 to index
        %swap3A_513 = arith.constant 32 : index
        %swap3A_514 = tpu.vector_load %arg8[%swap3A_511, %swap3A_512, %swap3A_513] {strides = array<i32>} : memref<4x200x64xf32, #tpu.memory_space<vmem>>, vector<1x1x16xf32>,
        %swap3A_515 = vector.shape_cast %swap3A_514 : vector<1x1x16xf32> to vector<16xf32>
        %swap3A_516 = vector.shape_cast %add3A_509 : vector<16xf32> to vector<1x1x16xf32>
        tpu.vector_store %arg8[%swap3A_511, %swap3A_512, %swap3A_513], %swap3A_516 {strides = array<i32>} : memref<4x200x64xf32, #tpu.memory_space<vmem>>, vector<1x1x16xf32>,
        %get3A_517 = arith.constant 3 : i32
        %get3A_518 = arith.index_cast %get3A_517 : i32 to index
        %get3A_519 = arith.index_cast %add3A_462 : i32 to index
        %get3A_520 = arith.constant 48 : index
        %get3A_521 = tpu.vector_load %arg8[%get3A_518, %get3A_519, %get3A_520] {strides = array<i32>} : memref<4x200x64xf32, #tpu.memory_space<vmem>>, vector<1x1x16xf32>,
        %get3A_522 = vector.shape_cast %get3A_521 : vector<1x1x16xf32> to vector<16xf32>
        %get3A_523 = arith.index_cast %add3A_462 : i32 to index
        %get3A_524 = arith.constant 48 : index
        %get3A_525 = tpu.vector_load %arg7[%get3A_523, %get3A_524] {strides = array<i32>} : memref<200x64xf32, #tpu.memory_space<vmem>>, vector<1x16xf32>,
        %get3A_526 = vector.shape_cast %get3A_525 : vector<1x16xf32> to vector<16xf32>
        %add3A_527 = arith.addf %get3A_522, %get3A_526 : vector<16xf32>
        %swap3A_528 = arith.constant 3 : i32
        %swap3A_529 = arith.index_cast %swap3A_528 : i32 to index
        %swap3A_530 = arith.index_cast %add3A_462 : i32 to index
        %swap3A_531 = arith.constant 48 : index
        %swap3A_532 = tpu.vector_load %arg8[%swap3A_529, %swap3A_530, %swap3A_531] {strides = array<i32>} : memref<4x200x64xf32, #tpu.memory_space<vmem>>, vector<1x1x16xf32>,
        %swap3A_533 = vector.shape_cast %swap3A_532 : vector<1x1x16xf32> to vector<16xf32>
        %swap3A_534 = vector.shape_cast %add3A_527 : vector<16xf32> to vector<1x1x16xf32>
        tpu.vector_store %arg8[%swap3A_529, %swap3A_530, %swap3A_531], %swap3A_534 {strides = array<i32>} : memref<4x200x64xf32, #tpu.memory_space<vmem>>, vector<1x1x16xf32>,
        %mul3A_535 = arith.constant 4 : i32
        %mul3A_536 = arith.muli %scan3A_308, %mul3A_535 : i32
        %add3A_537 = arith.constant 3 : i32
        %add3A_538 = arith.addi %mul3A_536, %add3A_537 : i32
        %get3A_539 = arith.constant 3 : i32
        %get3A_540 = arith.index_cast %get3A_539 : i32 to index
        %get3A_541 = arith.index_cast %add3A_538 : i32 to index
        %get3A_542 = arith.constant 0 : index
        %get3A_543 = tpu.vector_load %arg8[%get3A_540, %get3A_541, %get3A_542] {strides = array<i32>} : memref<4x200x64xf32, #tpu.memory_space<vmem>>, vector<1x1x16xf32>,
        %get3A_544 = vector.shape_cast %get3A_543 : vector<1x1x16xf32> to vector<16xf32>
        %get3A_545 = arith.index_cast %add3A_538 : i32 to index
        %get3A_546 = arith.constant 0 : index
        %get3A_547 = tpu.vector_load %arg7[%get3A_545, %get3A_546] {strides = array<i32>} : memref<200x64xf32, #tpu.memory_space<vmem>>, vector<1x16xf32>,
        %get3A_548 = vector.shape_cast %get3A_547 : vector<1x16xf32> to vector<16xf32>
        %add3A_549 = arith.addf %get3A_544, %get3A_548 : vector<16xf32>
        %swap3A_550 = arith.constant 3 : i32
        %swap3A_551 = arith.index_cast %swap3A_550 : i32 to index
        %swap3A_552 = arith.index_cast %add3A_538 : i32 to index
        %swap3A_553 = arith.constant 0 : index
        %swap3A_554 = tpu.vector_load %arg8[%swap3A_551, %swap3A_552, %swap3A_553] {strides = array<i32>} : memref<4x200x64xf32, #tpu.memory_space<vmem>>, vector<1x1x16xf32>,
        %swap3A_555 = vector.shape_cast %swap3A_554 : vector<1x1x16xf32> to vector<16xf32>
        %swap3A_556 = vector.shape_cast %add3A_549 : vector<16xf32> to vector<1x1x16xf32>
        tpu.vector_store %arg8[%swap3A_551, %swap3A_552, %swap3A_553], %swap3A_556 {strides = array<i32>} : memref<4x200x64xf32, #tpu.memory_space<vmem>>, vector<1x1x16xf32>,
        %get3A_557 = arith.constant 3 : i32
        %get3A_558 = arith.index_cast %get3A_557 : i32 to index
        %get3A_559 = arith.index_cast %add3A_538 : i32 to index
        %get3A_560 = arith.constant 16 : index
        %get3A_561 = tpu.vector_load %arg8[%get3A_558, %get3A_559, %get3A_560] {strides = array<i32>} : memref<4x200x64xf32, #tpu.memory_space<vmem>>, vector<1x1x16xf32>,
        %get3A_562 = vector.shape_cast %get3A_561 : vector<1x1x16xf32> to vector<16xf32>
        %get3A_563 = arith.index_cast %add3A_538 : i32 to index
        %get3A_564 = arith.constant 16 : index
        %get3A_565 = tpu.vector_load %arg7[%get3A_563, %get3A_564] {strides = array<i32>} : memref<200x64xf32, #tpu.memory_space<vmem>>, vector<1x16xf32>,
        %get3A_566 = vector.shape_cast %get3A_565 : vector<1x16xf32> to vector<16xf32>
        %add3A_567 = arith.addf %get3A_562, %get3A_566 : vector<16xf32>
        %swap3A_568 = arith.constant 3 : i32
        %swap3A_569 = arith.index_cast %swap3A_568 : i32 to index
        %swap3A_570 = arith.index_cast %add3A_538 : i32 to index
        %swap3A_571 = arith.constant 16 : index
        %swap3A_572 = tpu.vector_load %arg8[%swap3A_569, %swap3A_570, %swap3A_571] {strides = array<i32>} : memref<4x200x64xf32, #tpu.memory_space<vmem>>, vector<1x1x16xf32>,
        %swap3A_573 = vector.shape_cast %swap3A_572 : vector<1x1x16xf32> to vector<16xf32>
        %swap3A_574 = vector.shape_cast %add3A_567 : vector<16xf32> to vector<1x1x16xf32>
        tpu.vector_store %arg8[%swap3A_569, %swap3A_570, %swap3A_571], %swap3A_574 {strides = array<i32>} : memref<4x200x64xf32, #tpu.memory_space<vmem>>, vector<1x1x16xf32>,
        %get3A_575 = arith.constant 3 : i32
        %get3A_576 = arith.index_cast %get3A_575 : i32 to index
        %get3A_577 = arith.index_cast %add3A_538 : i32 to index
        %get3A_578 = arith.constant 32 : index
        %get3A_579 = tpu.vector_load %arg8[%get3A_576, %get3A_577, %get3A_578] {strides = array<i32>} : memref<4x200x64xf32, #tpu.memory_space<vmem>>, vector<1x1x16xf32>,
        %get3A_580 = vector.shape_cast %get3A_579 : vector<1x1x16xf32> to vector<16xf32>
        %get3A_581 = arith.index_cast %add3A_538 : i32 to index
        %get3A_582 = arith.constant 32 : index
        %get3A_583 = tpu.vector_load %arg7[%get3A_581, %get3A_582] {strides = array<i32>} : memref<200x64xf32, #tpu.memory_space<vmem>>, vector<1x16xf32>,
        %get3A_584 = vector.shape_cast %get3A_583 : vector<1x16xf32> to vector<16xf32>
        %add3A_585 = arith.addf %get3A_580, %get3A_584 : vector<16xf32>
        %swap3A_586 = arith.constant 3 : i32
        %swap3A_587 = arith.index_cast %swap3A_586 : i32 to index
        %swap3A_588 = arith.index_cast %add3A_538 : i32 to index
        %swap3A_589 = arith.constant 32 : index
        %swap3A_590 = tpu.vector_load %arg8[%swap3A_587, %swap3A_588, %swap3A_589] {strides = array<i32>} : memref<4x200x64xf32, #tpu.memory_space<vmem>>, vector<1x1x16xf32>,
        %swap3A_591 = vector.shape_cast %swap3A_590 : vector<1x1x16xf32> to vector<16xf32>
        %swap3A_592 = vector.shape_cast %add3A_585 : vector<16xf32> to vector<1x1x16xf32>
        tpu.vector_store %arg8[%swap3A_587, %swap3A_588, %swap3A_589], %swap3A_592 {strides = array<i32>} : memref<4x200x64xf32, #tpu.memory_space<vmem>>, vector<1x1x16xf32>,
        %get3A_593 = arith.constant 3 : i32
        %get3A_594 = arith.index_cast %get3A_593 : i32 to index
        %get3A_595 = arith.index_cast %add3A_538 : i32 to index
        %get3A_596 = arith.constant 48 : index
        %get3A_597 = tpu.vector_load %arg8[%get3A_594, %get3A_595, %get3A_596] {strides = array<i32>} : memref<4x200x64xf32, #tpu.memory_space<vmem>>, vector<1x1x16xf32>,
        %get3A_598 = vector.shape_cast %get3A_597 : vector<1x1x16xf32> to vector<16xf32>
        %get3A_599 = arith.index_cast %add3A_538 : i32 to index
        %get3A_600 = arith.constant 48 : index
        %get3A_601 = tpu.vector_load %arg7[%get3A_599, %get3A_600] {strides = array<i32>} : memref<200x64xf32, #tpu.memory_space<vmem>>, vector<1x16xf32>,
        %get3A_602 = vector.shape_cast %get3A_601 : vector<1x16xf32> to vector<16xf32>
        %add3A_603 = arith.addf %get3A_598, %get3A_602 : vector<16xf32>
        %swap3A_604 = arith.constant 3 : i32
        %swap3A_605 = arith.index_cast %swap3A_604 : i32 to index
        %swap3A_606 = arith.index_cast %add3A_538 : i32 to index
        %swap3A_607 = arith.constant 48 : index
        %swap3A_608 = tpu.vector_load %arg8[%swap3A_605, %swap3A_606, %swap3A_607] {strides = array<i32>} : memref<4x200x64xf32, #tpu.memory_space<vmem>>, vector<1x1x16xf32>,
        %swap3A_609 = vector.shape_cast %swap3A_608 : vector<1x1x16xf32> to vector<16xf32>
        %swap3A_610 = vector.shape_cast %add3A_603 : vector<16xf32> to vector<1x1x16xf32>
        tpu.vector_store %arg8[%swap3A_605, %swap3A_606, %swap3A_607], %swap3A_610 {strides = array<i32>} : memref<4x200x64xf32, #tpu.memory_space<vmem>>, vector<1x1x16xf32>,
      }
      %scan3A_291 = arith.constant 50 : i32
      %add3A_292 = arith.addi %mul3A_2, %add3A_250 : i32
      %mul3A_293 = arith.constant 200 : i32
      %mul3A_294 = arith.muli %add3A_292, %mul3A_293 : i32
      %dma_start3A_295 = arith.constant 3 : i32
      %dma_start3A_296 = arith.constant 0 : i32
      %dma_start3A_297 = arith.constant 0 : i32
      %dma_start3A_298 = tpu.memref_slice %arg8[%dma_start3A_295, %dma_start3A_296, %dma_start3A_297] : memref<4x200x64xf32, #tpu.memory_space<vmem>> -> memref<1x200x64xf32, #tpu.memory_space<vmem>>
      %dma_start3A_299 = tpu.memref_squeeze %dma_start3A_298 : memref<1x200x64xf32, #tpu.memory_space<vmem>> -> memref<200x64xf32, #tpu.memory_space<vmem>>
      %dma_start3A_300 = arith.constant 0 : i32
      %dma_start3A_301 = tpu.memref_slice %arg5[%mul3A_294, %dma_start3A_300] : memref<819200x64xf32, #tpu.memory_space<hbm>> -> memref<200x64xf32, #tpu.memory_space<hbm>>
      %dma_start3A_302 = arith.constant 0 : i32
      %dma_start3A_303 = tpu.memref_slice %arg5[%mul3A_294, %dma_start3A_302] : memref<819200x64xf32, #tpu.memory_space<hbm>> -> memref<200x64xf32, #tpu.memory_space<hbm>>
      %dma_start3A_304 = arith.constant 0 : i32
      %dma_start3A_305 = arith.constant 0 : i32
      %dma_start3A_306 = tpu.memref_slice %arg8[%dma_start3A_295, %dma_start3A_304, %dma_start3A_305] : memref<4x200x64xf32, #tpu.memory_space<vmem>> -> memref<1x200x64xf32, #tpu.memory_space<vmem>>
      %dma_start3A_307 = tpu.memref_squeeze %dma_start3A_306 : memref<1x200x64xf32, #tpu.memory_space<vmem>> -> memref<200x64xf32, #tpu.memory_space<vmem>>
      tpu.enqueue_dma source(%dma_start3A_307 : memref<200x64xf32, #tpu.memory_space<vmem>>) target(%dma_start3A_303 : memref<200x64xf32, #tpu.memory_space<hbm>>) target_semaphore(%arg10 : memref<!tpu.dma_semaphore, #tpu.memory_space<semaphore_mem>>)
    }
    %scan3A_48 = arith.constant 32 : i32
    %dma_wait3A = arith.constant 2 : i32
    %dma_wait3A_49 = arith.constant 0 : i32
    %dma_wait3A_50 = arith.constant 0 : i32
    %dma_wait3A_51 = tpu.memref_slice %arg8[%dma_wait3A, %dma_wait3A_49, %dma_wait3A_50] : memref<4x200x64xf32, #tpu.memory_space<vmem>> -> memref<1x200x64xf32, #tpu.memory_space<vmem>>
    %dma_wait3A_52 = tpu.memref_squeeze %dma_wait3A_51 : memref<1x200x64xf32, #tpu.memory_space<vmem>> -> memref<200x64xf32, #tpu.memory_space<vmem>>
    %dma_wait3A_53 = arith.constant 0 : i32
    %dma_wait3A_54 = arith.constant 0 : i32
    %dma_wait3A_55 = tpu.memref_slice %arg5[%dma_wait3A_53, %dma_wait3A_54] : memref<819200x64xf32, #tpu.memory_space<hbm>> -> memref<200x64xf32, #tpu.memory_space<hbm>>
    %dma_wait3A_56 = arith.constant 0 : i32
    %dma_wait3A_57 = arith.constant 0 : i32
    %dma_wait3A_58 = tpu.memref_slice %arg5[%dma_wait3A_56, %dma_wait3A_57] : memref<819200x64xf32, #tpu.memory_space<hbm>> -> memref<200x64xf32, #tpu.memory_space<hbm>>
    %dma_wait3A_59 = arith.constant 0 : i32
    %dma_wait3A_60 = arith.constant 0 : i32
    %dma_wait3A_61 = tpu.memref_slice %arg8[%dma_wait3A, %dma_wait3A_59, %dma_wait3A_60] : memref<4x200x64xf32, #tpu.memory_space<vmem>> -> memref<1x200x64xf32, #tpu.memory_space<vmem>>
    %dma_wait3A_62 = tpu.memref_squeeze %dma_wait3A_61 : memref<1x200x64xf32, #tpu.memory_space<vmem>> -> memref<200x64xf32, #tpu.memory_space<vmem>>
    tpu.wait_dma2 semaphore(%arg10 : memref<!tpu.dma_semaphore, #tpu.memory_space<semaphore_mem>>) src(%dma_wait3A_62 : memref<200x64xf32, #tpu.memory_space<vmem>>) dst(%dma_wait3A_58 : memref<200x64xf32, #tpu.memory_space<hbm>>)
    %dma_wait3A_63 = arith.constant 3 : i32
    %dma_wait3A_64 = arith.constant 0 : i32
    %dma_wait3A_65 = arith.constant 0 : i32
    %dma_wait3A_66 = tpu.memref_slice %arg8[%dma_wait3A_63, %dma_wait3A_64, %dma_wait3A_65] : memref<4x200x64xf32, #tpu.memory_space<vmem>> -> memref<1x200x64xf32, #tpu.memory_space<vmem>>
    %dma_wait3A_67 = tpu.memref_squeeze %dma_wait3A_66 : memref<1x200x64xf32, #tpu.memory_space<vmem>> -> memref<200x64xf32, #tpu.memory_space<vmem>>
    %dma_wait3A_68 = arith.constant 0 : i32
    %dma_wait3A_69 = arith.constant 0 : i32
    %dma_wait3A_70 = tpu.memref_slice %arg5[%dma_wait3A_68, %dma_wait3A_69] : memref<819200x64xf32, #tpu.memory_space<hbm>> -> memref<200x64xf32, #tpu.memory_space<hbm>>
    %dma_wait3A_71 = arith.constant 0 : i32
    %dma_wait3A_72 = arith.constant 0 : i32
    %dma_wait3A_73 = tpu.memref_slice %arg5[%dma_wait3A_71, %dma_wait3A_72] : memref<819200x64xf32, #tpu.memory_space<hbm>> -> memref<200x64xf32, #tpu.memory_space<hbm>>
    %dma_wait3A_74 = arith.constant 0 : i32
    %dma_wait3A_75 = arith.constant 0 : i32
    %dma_wait3A_76 = tpu.memref_slice %arg8[%dma_wait3A_63, %dma_wait3A_74, %dma_wait3A_75] : memref<4x200x64xf32, #tpu.memory_space<vmem>> -> memref<1x200x64xf32, #tpu.memory_space<vmem>>
    %dma_wait3A_77 = tpu.memref_squeeze %dma_wait3A_76 : memref<1x200x64xf32, #tpu.memory_space<vmem>> -> memref<200x64xf32, #tpu.memory_space<vmem>>
    tpu.wait_dma2 semaphore(%arg10 : memref<!tpu.dma_semaphore, #tpu.memory_space<semaphore_mem>>) src(%dma_wait3A_77 : memref<200x64xf32, #tpu.memory_space<vmem>>) dst(%dma_wait3A_73 : memref<200x64xf32, #tpu.memory_space<hbm>>)
    return
  }
}

</mosaic_0001>

<sc_bundles>
// kernel: _run.3.cloned.1.call-start
scs
__scs_entry_jumppad:
0x0: {  	(pc) =	sbr.rel $0x88, $3  }
0x1: {  	(tag) =	ssettag $0x0;
	lr =	simm.s32 $0x1  }
0x2: {  	[smem:$0x3F9E] =	sst lr;
	_ =	strace $0xD0000000  }
0x3: {  	_ = 	snop  }
0x4: {  	_ = 	snop  }
0x5: {  	_ = 	snop  }
0x6: {  	_ = 	snop  }
0x7: {  	_ = 	snop  }
__scs_overlays_trampoline_lowered:
0x8: {  	[smem:$0x3FAD] =	sst s0  }
0x9: {  	[smem:$0x3FAE] =	sst s1  }
0xa: {  	[smem:$0x3FAF] =	sst s2  }
0xb: {  	[smem:$0x3FB0] =	sst s3  }
0xc: {  	[smem:$0x3FB1] =	sst s4  }
0xd: {  	[smem:$0x3FB2] =	sst s5  }
0xe: {  	[smem:$0x3FB3] =	sst s6  }
0xf: {  	[smem:$0x3FB4] =	sst s7  }
0x10: {  	[smem:$0x3FB5] =	sst s8  }
0x11: {  	[smem:$0x3FB6] =	sst s9;
	s0 =	simm.s32 @!p0 $0x0  }
0x12: {  	s1 =	sld [smem:$0x3F9C];
	s0 =	simm.s32 @p0 $0x1  }
0x13: {  	[smem:$0x3FB7] =	sst s0;
	s0 =	simm.s32 @!p1 $0x0  }
0x14: {  	s2 =	sld [smem:$0x3F9B];
	s0 =	simm.s32 @p1 $0x1  }
0x15: {  	[smem:$0x3FB8] =	sst s0;
	s0 =	simm.s32 @!p2 $0x0  }
0x16: {  	s3 =	sld [smem:$0x3FDB];
	s0 =	simm.s32 @p2 $0x1  }
0x17: {  	s4 =	simm.s32 $0x1BF5;
	[smem:$0x3FBA] =	sst s0  }
0x18: {  	s0 =	sld [smem:$0x3F9D];
	_ =	swait.ge [sflag:s4], $0x0  }
0x19: {  	s7 =	sld [smem:$0x3F9E]  }
0x1a: {  	s8 =	sadd.s32 $0xFFFFE003, lr  }
0x1b: {  	s9 =	sadd.s32 $0xFFFFFEF7, lr;
	s5 =	simm.s32 $0xFFFFFFFF;
	p2 =	slt.u32 s8, $0xFFFFF086  }
0x1c: {  	p1 =	slt.u32 s9, $0xF7A;
	s5 =	simm.s32 @!p2 $0x0  }
0x1d: {  	s5 =	simm.s32 @p1 $0x1;
	p0 =	seq.s32 s7, s2  }
0x1e: {  	s7 =	smul.u32 @!p0 $0xF7A, s2;
	p2 =	seq.s32 @!p0 s5, $0x0  }
0x1f: {  	s9 =	smul.u32 $0xF7A, s1;
	s8 =	simm.s32 @!p0 $0x1BF5;
	p2 =	por !p2, p0  }
0x20: {  	[sflag:s8] =	ssyncset.s32 @!p0 $0xFFFFF086;
	s6 =	sadd.s32 @!p0 s3, s7;
	s7 =	simm.s32 @!p0 $0x108  }
0x21: {  	s3 =	sadd.s32 s3, s9;
	s6 =	sadd.s32 @!p0 $0x88, s6;
	s7 =	simm.s32 @p2 $0x1082  }
0x22: {  	[simem:s7], [sflag:s8] =	dma.local @!p0 [hbm:s6], $0xF7A  }
0x23: {  	s9 =	sor.u32 $0xD0000000, s2;
	s6 =	simm.s32 $0x108;
	_ =	swait.ge @!p0 [sflag:s8], $0x0  }
0x24: {  	s3 =	sadd.s32 $0x88, s3;
	s6 =	simm.s32 @!p1 $0x1082;
	[sflag:s4] =	ssyncset.s32 $0xFFFFF086  }
0x25: {  	[simem:s6], [sflag:s4] =	dma.local [hbm:s3], $0xF7A  }
0x26: {  	[smem:$0x3F9E] =	sst s1;
	(tag) =	ssettag s2;
	_ =	strace s9  }
0x27: {  	s1 =	sld [smem:$0x3FAE]  }
0x28: {  	s2 =	sld [smem:$0x3FAF]  }
0x29: {  	s4 =	sld [smem:$0x3FB1]  }
0x2a: {  	p0 =	seq.s32 s5, $0x0;
	s5 =	sld [smem:$0x3FB2]  }
0x2b: {  	s6 =	sld [smem:$0x3FB3]  }
0x2c: {  	s7 =	sld [smem:$0x3FB4]  }
0x2d: {  	s3 =	simm.s32 $0x108;
	s8 =	sld [smem:$0x3FB5]  }
0x2e: {  	s3 =	simm.s32 @!p0 $0x1082;
	s9 =	sld [smem:$0x3FB6]  }
0x2f: {  	lr =	sadd.s32 s0, s3;
	s0 =	sld [smem:$0x3FAD]  }
0x30: {  	s3 =	sld [smem:$0x3FB0]  }
0x31: {  	[smem:$0x3FB9] =	sst s10  }
0x32: {  	s10 =	sld [smem:$0x3FB7];
	_ =	sdelay $0x3  }
0x33: {  	p0 =	seq.s32 s10, $0x1;
	s10 =	sld [smem:$0x3FB9];
	_ =	sdelay $0x3  }
0x34: {  	[smem:$0x3FB9] =	sst s10  }
0x35: {  	s10 =	sld [smem:$0x3FB8];
	_ =	sdelay $0x3  }
0x36: {  	p1 =	seq.s32 s10, $0x1;
	s10 =	sld [smem:$0x3FB9];
	_ =	sdelay $0x3  }
0x37: {  	[smem:$0x3FB9] =	sst s10  }
0x38: {  	s10 =	sld [smem:$0x3FBA]  }
0x39: {  	_ = 	snop;
	(pc) =	sbr.ind lr, $3  }
0x3a: {  	_ = 	snop  }
0x3b: {  	_ = 	snop  }
0x3c: {  	p2 =	seq.s32 s10, $0x1;
	s10 =	sld [smem:$0x3FB9]  }
0x3d: {  	_ =	shalt  }
0x3e: {  	_ =	shalt  }
0x3f: {  	_ =	shalt  }
0x40: {  	_ =	shalt  }
0x41: {  	_ =	shalt  }
0x42: {  	_ =	shalt  }
0x43: {  	_ =	shalt  }
0x44: {  	_ =	shalt  }
0x45: {  	_ =	shalt  }
0x46: {  	_ =	shalt  }
0x47: {  	_ =	shalt  }
0x48: {  	_ =	shalt  }
0x49: {  	_ =	shalt  }
0x4a: {  	_ =	shalt  }
0x4b: {  	_ =	shalt  }
0x4c: {  	_ =	shalt  }
0x4d: {  	_ =	shalt  }
0x4e: {  	_ =	shalt  }
0x4f: {  	_ =	shalt  }
0x50: {  	_ =	shalt  }
0x51: {  	_ =	shalt  }
0x52: {  	_ =	shalt  }
0x53: {  	_ =	shalt  }
0x54: {  	_ =	shalt  }
0x55: {  	_ =	shalt  }
0x56: {  	_ =	shalt  }
0x57: {  	_ =	shalt  }
0x58: {  	_ =	shalt  }
0x59: {  	_ =	shalt  }
0x5a: {  	_ =	shalt  }
0x5b: {  	_ =	shalt  }
0x5c: {  	_ =	shalt  }
0x5d: {  	_ =	shalt  }
0x5e: {  	_ =	shalt  }
0x5f: {  	_ =	shalt  }
0x60: {  	_ =	shalt  }
0x61: {  	_ =	shalt  }
0x62: {  	_ =	shalt  }
0x63: {  	_ =	shalt  }
0x64: {  	_ =	shalt  }
0x65: {  	_ =	shalt  }
0x66: {  	_ =	shalt  }
0x67: {  	_ =	shalt  }
0x68: {  	_ =	shalt  }
0x69: {  	_ =	shalt  }
0x6a: {  	_ =	shalt  }
0x6b: {  	_ =	shalt  }
0x6c: {  	_ =	shalt  }
0x6d: {  	_ =	shalt  }
0x6e: {  	_ =	shalt  }
0x6f: {  	_ =	shalt  }
0x70: {  	_ =	shalt  }
0x71: {  	_ =	shalt  }
0x72: {  	_ =	shalt  }
0x73: {  	_ =	shalt  }
0x74: {  	_ =	shalt  }
0x75: {  	_ =	shalt  }
0x76: {  	_ =	shalt  }
0x77: {  	_ =	shalt  }
0x78: {  	_ =	shalt  }
0x79: {  	_ =	shalt  }
0x7a: {  	_ =	shalt  }
0x7b: {  	_ =	shalt  }
0x7c: {  	_ =	shalt  }
0x7d: {  	_ =	shalt  }
0x7e: {  	_ =	shalt  }
0x7f: {  	_ =	shalt  }
0x80: {  	_ =	shalt  }
0x81: {  	_ =	shalt  }
0x82: {  	_ =	shalt  }
0x83: {  	_ =	shalt  }
0x84: {  	_ =	shalt  }
0x85: {  	_ =	shalt  }
0x86: {  	_ =	shalt  }
0x87: {  	_ =	shalt  }
.Lfunc_end0:
.L_simem_size_0:
called_computation.1_lowered:
.L_overlay_start_0:
0x88: {  	s2 =	sld [smem:$0x3FD9]  }
0x89: {  	s3 =	sld [smem:$0x3FFE];
	_ =	sdelay $0x1  }
0x8a: {  	s1 =	srdreg.scid  }
0x8b: {  	s0 =	sand.u32 $0x1, s1  }
0x8c: {  	s17 =	sshll.u32 s0, $0xA;
	s2 =	sadd.s32 s3, s2  }
0x8d: {  	s2 =	sadd.s32 s2, s17  }
0x8e: {  	[smem:$0x3FC5] =	sst s2  }
0x8f: {  	_ = 	snop  }
0x90: {  	s2 =	sld [smem:$0x3FD0];
	(tm) =	ssettm $0x1  }
0x91: {  	s18 =	sld [smem:$0x3FFB];
	_ =	sdelay $0x3  }
0x92: {  	_ =	strace s18  }
0x93: {  	s3 =	sld [smem:$0x3FFC];
	_ =	sdelay $0x3  }
0x94: {  	_ =	strace s3  }
0x95: {  	s3 =	sld [smem:$0x3FFD];
	_ =	sdelay $0x3  }
0x96: {  	_ =	strace s3  }
0x97: {  	_ =	strace $0x8FFFFFFF  }
0x98: {  	s19 =	sld [smem:$0x3FDB];
	_ =	sdelay $0x1  }
0x99: {  	s4 =	simm.s32 $_scs_section_size  }
0x9a: {  	s5 =	simm.s32 $_size__tile_overlayer_lowered;
	s6 =	simm.s32 $_tile_overlayer_lowered  }
0x9b: {  	s22 =	simm.s32 $0x1BFF;
	s21 =	sshll.u32 s6, $0x1;
	s3 =	sadd.s32 s4, s19  }
0x9c: {  	s7 =	simm.s32 $0x0;
	s20 =	sshll.u32 s5, $0x1;
	s5 =	sadd.s32 s21, s3  }
0x9d: {  	[timem:s7], [sflag:s22] =	dma.local [hbm:s5], s20  }
0x9e: {  	_ =	swait.ge [sflag:s22], s20  }
0x9f: {  	s4 =	ssub.s32 $0x0, s20;
	[sflag:s22] =	ssyncset.done $0x0  }
0xa0: {  	[sflag:s22] =	ssyncadd.s32 s4;
	_ =	sdelay $0x1  }
0xa1: {  	s23 =	simm.s32 $0x1B8B  }
0xa2: {  	_ =	swait.ge [sflag:s23], $0x1  }
0xa3: {  	[sflag:s23] =	ssyncset.done $0x0  }
0xa4: {  	s25 =	simm.s32 $0x1B8E;
	s24 =	sld [smem:$0x3FFE];
	[sflag:s23] =	ssyncadd.s32 $0xFFFFFFFF  }
0xa5: {  	s26 =	simm.s32 $execute0_lowered;
	[smem:$0x3FD2] =	sst s25  }
0xa6: {  	s5 =	sshll.u32 s26, $0x1;
	_ =	strace $0x80000046;
	[dreg:$0x1] =	wrdreg $0xFFFFFFFF  }
0xa7: {  	s28 =	simm.s32 $_size_execute0_lowered;
	s3 =	sadd.s32 s3, s5;
	[dreg:$0x0] =	wrdreg $0x0  }
0xa8: {  	s5 =	sshll.u32 s28, $0x1;
	[dreg:$0x2] =	wrdreg s3  }
0xa9: {  	[dreg:$0x3] =	wrdreg s5  }
0xaa: {  	[dreg:$0x4] =	wrdreg $0xC0  }
0xab: {  	_ =	task [dreg:s7], $0x5FFFF  }
0xac: {  	[dreg:$0x1] =	wrdreg $0xFFFFFFFF  }
0xad: {  	[dreg:$0x0] =	wrdreg $0x60  }
0xae: {  	[dreg:$0x2] =	wrdreg s24  }
0xaf: {  	[dreg:$0x3] =	wrdreg s2  }
0xb0: {  	[dreg:$0x4] =	wrdreg $0x9  }
0xb1: {  	_ =	task.clear_ibuf [dreg:s7], $0x5FFFF;
	_ =	strace $0x90000046  }
0xb2: {  	s29 =	simm.s32 $0x9;
	_ =	strace $0x80000048  }
0xb3: {  	_ =	swait.ge [sflag:s29], $0x1  }
0xb4: {  	[sflag:s29] =	ssyncadd.s32 $0xFFFFFFFF  }
0xb5: {  	_ =	strace $0x90000048  }
0xb6: {  	_ =	sfence  }
0xb7: {  	s30 =	sld [smem:$0x0];
	_ =	sdelay $0x2  }
0xb8: {  	s31 =	sshll.u32 s1, $0xD;
	s1 =	sshrl.u32 s1, $0x2  }
0xb9: {  	s3 =	sand.u32 $0x4000, s31;
	s1 =	sadd.s32 s1, s30  }
0xba: {  	s0 =	sor.u32 s3, s0;
	s1 =	sshll.u32 s1, $0x11  }
0xbb: {  	s0 =	sor.u32 s1, s0  }
0xbc: {  	s0 =	sadd.s32 $0x8F2B, s0  }
0xbd: {  	[sflag:s0] =	ssyncadd.remote.s32 $0x1  }
0xbe: {  	_ =	sfence.sel $0xFFFF  }
0xbf: {  	[dreg:$0x0] =	wrdreg $0xFFFFFFFF;
	(pc) =	sbr.abs _section_cstart, $3  }
0xc0: {  	[dreg:$0x1] =	wrdreg $0xFFFFFFFF  }
0xc1: {  	_ =	task.clear_ibuf [dreg:s7], $0x2FFFF;
	_ =	strace $0x9FFFFFFF  }
0xc2: {  	(tm) =	ssettm $0x7FFFFFFF  }
0xc3: {  	_ =	shalt  }
tec
execute0_lowered:
.L_overlay_start_1:
0x0: {  	(tag) =	ssettag $0x1  }
0x1: {  	s1 =	srdreg.scid;
	s5 =	rddreg [dreg:$0x0]  }
0x2: {  	s0 =	stileid.u32;
	s2 =	rddreg [dreg:$0x1]  }
0x3: {  	s9 =	simm.s32 $0x6400;
	s10 =	simm.s32 $0x3;
	s11 =	simm.s32 $0x68  }
0x4: {  	s12 =	simm.s32 $0x9600;
	s13 =	simm.s32 $0x60;
	s14 =	simm.s32 $0xB000  }
0x5: {  	s15 =	simm.s32 $0xC8;
	s16 =	simm.s32 $0xC800;
	s17 =	simm.s32 $0x130  }
0x6: {  	s18 =	simm.s32 $0xE200;
	s19 =	simm.s32 $0xFA00;
	s20 =	simm.s32 $0x11400  }
0x7: {  	s21 =	simm.s32 $0x1;
	s22 =	simm.s32 $0x12C00;
	s23 =	simm.s32 $0x14600  }
0x8: {  	s24 =	simm.s32 $0x2;
	s1 =	sand.u32 $0x1, s1;
	s3 =	sshll.u32 s0, $0x1  }
0x9: {  	s25 =	simm.s32 $0x0;
	s6 =	sor.u32 s1, s3;
	s3 =	simm.s32 $0x0  }
0xa: {  	s1 =	ssub.s32 $0x2, s1;
	s4 =	smul.u32 $0xC80, s6;
	[smem:$0x7FF] =	sst s3  }
0xb: {  	s8 =	sshrl.u32 s1, $0x1;
	s6 =	sshll.u32 s6, $0x7;
	_ =	strace $0x80000047  }
0xc: {  	s1 =	ssub.s32 s1, s8;
	s7 =	sadd.s32 s4, s5;
	s4 =	sadd.s32 $0x1A000, s5  }
0xd: {  	s5 =	sadd.s32 $0x800, s5;
	s8 =	smax.u32 s1, $0x1;
	s7 =	sadd.s32 $0x1000, s7  }
.LBB2_1:
0xe: {  	[tilespmem:s9], [sflag:$0x3] =	stream.linear.gather [hbm4b:s5+s3], $0x3200, $0x38;
	[tilespmem:$0x15E00] =	vst v63  }
0xf: {  	_ =	swait.ge [sflag:s10], $0x3200  }
0x10: {  	[sflag:s10] =	ssyncset.done $0x0  }
0x11: {  	[sflag:s10] =	ssyncadd.s32 $0xFFFFCE00  }
0x12: {  	[tilespmem:s3], [sflag:$0x3] =	stream.linear.gather [hbm4b:s7+s3], $0x6400, $0x38;
	[tilespmem:$0x15E00] =	vst v63  }
0x13: {  	_ =	swait.ge [sflag:s10], $0x6400  }
0x14: {  	[sflag:s10] =	ssyncset.done $0x0  }
0x15: {  	[sflag:s10] =	ssyncadd.s32 $0xFFFF9C00  }
0x16: {  	[tilespmem:s12], [sflag:$0x1] =	stream.indirect.gather [hbm4b:s4+s11], $0x40, s3, s11, $0xb8;
	[tilespmem:$0x15E00] =	vst v63  }
0x17: {  	_ = 	snop  }
0x18: {  	[tilespmem:s14], [sflag:$0x1] =	stream.indirect.gather [hbm4b:s4+s13], $0x40, s11, s13, $0xb8;
	[tilespmem:$0x15E00] =	vst v63  }
0x19: {  	_ = 	snop  }
0x1a: {  	[tilespmem:s16], [sflag:$0x1] =	stream.indirect.gather [hbm4b:s4+s11], $0x40, s15, s11, $0xb8;
	[tilespmem:$0x15E00] =	vst v63  }
0x1b: {  	s26 =	simm.s32 $0x0  }
0x1c: {  	[tilespmem:s18], [sflag:$0x1] =	stream.indirect.gather [hbm4b:s4+s13], $0x40, s17, s13, $0xb8;
	[tilespmem:$0x15E00] =	vst v63  }
.LBB2_2:
0x1d: {  	p0 =	seq.s32 s26, $0x0  }
0x1e: {  	s1 =	smul.u32 @!p0 $0xC80, s26  }
0x1f: {  	s28 =	simm.s32 @!p0 $0x2  }
0x20: {  	_ =	swait.ge @!p0 [sflag:s28], $0x3200;
	s29 =	sshra.s32 @!p0 s1, $0x2  }
0x21: {  	[sflag:s28] =	ssyncset.done @!p0 $0x0;
	s29 =	simm.s32 @p0 $0x0  }
0x22: {  	[sflag:s28] =	ssyncadd.s32 @!p0 $0xFFFFCE00;
	s0 =	sadd.s32 $0x190, s29  }
0x23: {  	[tilespmem:s19], [sflag:$0x1] =	stream.indirect.gather [hbm4b:s4+s11], $0x40, s0, s11, $0xb8;
	[tilespmem:$0x15E00] =	vst v63  }
0x24: {  	s0 =	sadd.s32 $0x1F8, s29  }
0x25: {  	[tilespmem:s20], [sflag:$0x1] =	stream.indirect.gather [hbm4b:s4+s13], $0x40, s0, s13, $0xb8;
	[tilespmem:$0x15E00] =	vst v63  }
0x26: {  	_ =	swait.ge [sflag:s21], $0x3200  }
0x27: {  	[sflag:s21] =	ssyncset.done $0x0  }
0x28: {  	s30 =	simm.s32 $0x0;
	[sflag:s21] =	ssyncadd.s32 $0xFFFFCE00  }
0x29: {  	v6 =	vld [tilespmem:s30+$0x6400]  }
0x2a: {  	v7 =	vld [tilespmem:s30+$0x6410]  }
0x2b: {  	v8 =	vld [tilespmem:s30+$0x6420]  }
0x2c: {  	v9 =	vld [tilespmem:s30+$0x6430]  }
0x2d: {  	v10 =	vld [tilespmem:s30+$0x6440]  }
0x2e: {  	v11 =	vld [tilespmem:s30+$0x6450]  }
0x2f: {  	v12 =	vld [tilespmem:s30+$0x6460]  }
0x30: {  	v13 =	vld [tilespmem:s30+$0x6470]  }
0x31: {  	v14 =	vld [tilespmem:s30+$0x6480]  }
0x32: {  	v15 =	vld [tilespmem:s30+$0x6490]  }
0x33: {  	v5 =	vld [tilespmem:s30+$0x64A0]  }
0x34: {  	v4 =	vld [tilespmem:s30+$0x64B0]  }
0x35: {  	v3 =	vld [tilespmem:s30+$0x64C0]  }
0x36: {  	v2 =	vld [tilespmem:s30+$0x64D0]  }
0x37: {  	v1 =	vld [tilespmem:s30+$0x64E0]  }
0x38: {  	v0 =	vld [tilespmem:s30+$0x64F0]  }
0x39: {  	v16 =	vld [tilespmem:s30+$0x9600]  }
0x3a: {  	v17 =	vld [tilespmem:s30+$0x9610]  }
0x3b: {  	v18 =	vld [tilespmem:s30+$0x9620]  }
0x3c: {  	v19 =	vld [tilespmem:s30+$0x9630]  }
0x3d: {  	v20 =	vld [tilespmem:s30+$0x9640]  }
0x3e: {  	v60 =	vld [tilespmem:s30+$0x9650];
	v6 =	vadd.f32 v6, v16  }
0x3f: {  	v21 =	vld [tilespmem:s30+$0x9660];
	v7 =	vadd.f32 v7, v17  }
0x40: {  	v61 =	vld [tilespmem:s30+$0x9670];
	[tilespmem:s30+$0x9600] =	vst v6;
	v6 =	vadd.f32 v8, v18  }
0x41: {  	v62 =	vld [tilespmem:s30+$0x9680];
	[tilespmem:s30+$0x9610] =	vst v7;
	v7 =	vadd.f32 v9, v19  }
0x42: {  	v63 =	vld [tilespmem:s30+$0x9690];
	[tilespmem:s30+$0x9620] =	vst v6;
	v6 =	vadd.f32 v10, v20  }
0x43: {  	v8 =	vadd.f32 v11, v60;
	[tilespmem:s30+$0x9630] =	vst v7;
	v7 =	vld [tilespmem:s30+$0x96A0]  }
0x44: {  	v9 =	vadd.f32 v12, v21;
	[tilespmem:s30+$0x9640] =	vst v6;
	v6 =	vld [tilespmem:s30+$0x96B0]  }
0x45: {  	[tilespmem:s30+$0x9650] =	vst v8;
	v8 =	vld [tilespmem:s30+$0x96C0];
	v10 =	vadd.f32 v13, v61  }
0x46: {  	v12 =	vadd.f32 v14, v62;
	[tilespmem:s30+$0x9660] =	vst v9;
	v9 =	vld [tilespmem:s30+$0x96D0]  }
0x47: {  	s31 =	simm.s32 $0x400;
	s28 =	sshll.u32 s26, $0x2;
	v11 =	vadd.f32 v15, v63;
	[tilespmem:s30+$0x9670] =	vst v10;
	v10 =	vld [tilespmem:s30+$0x96E0]  }
.LBB2_3:
0x48: {  	s1 =	sshra.s32 s31, $0x2;
	p1 =	sne.s32 s31, $0xC400;
	[tilespmem:s30+$0x9680] =	vst v12;
	v5 =	vadd.f32 v5, v7;
	v7 =	vld [tilespmem:s30+$0x96F0]  }
0x49: {  	v12 =	vld [tilespmem:s1+$0x6400];
	[tilespmem:s30+$0x9690] =	vst v11;
	v4 =	vadd.f32 v4, v6  }
0x4a: {  	v6 =	vld [tilespmem:s1+$0x6410];
	[tilespmem:s30+$0x96A0] =	vst v5;
	v3 =	vadd.f32 v3, v8  }
0x4b: {  	v8 =	vld [tilespmem:s1+$0x6420];
	[tilespmem:s30+$0x96B0] =	vst v4;
	v2 =	vadd.f32 v2, v9  }
0x4c: {  	v9 =	vld [tilespmem:s1+$0x6430];
	[tilespmem:s30+$0x96C0] =	vst v3;
	v1 =	vadd.f32 v1, v10  }
0x4d: {  	v10 =	vld [tilespmem:s1+$0x6440];
	[tilespmem:s30+$0x96D0] =	vst v2;
	v0 =	vadd.f32 v0, v7  }
0x4e: {  	v7 =	vld [tilespmem:s1+$0x6450];
	[tilespmem:s30+$0x96E0] =	vst v1  }
0x4f: {  	v11 =	vld [tilespmem:s1+$0x6460];
	[tilespmem:s30+$0x96F0] =	vst v0;
	s30 =	smov.u32 s1  }
0x50: {  	v13 =	vld [tilespmem:s30+$0x6470]  }
0x51: {  	v14 =	vld [tilespmem:s30+$0x6480]  }
0x52: {  	v15 =	vld [tilespmem:s30+$0x6490]  }
0x53: {  	v5 =	vld [tilespmem:s30+$0x64A0]  }
0x54: {  	v4 =	vld [tilespmem:s30+$0x64B0]  }
0x55: {  	v3 =	vld [tilespmem:s30+$0x64C0]  }
0x56: {  	v2 =	vld [tilespmem:s30+$0x64D0]  }
0x57: {  	v1 =	vld [tilespmem:s30+$0x64E0]  }
0x58: {  	v0 =	vld [tilespmem:s30+$0x64F0]  }
0x59: {  	v16 =	vld [tilespmem:s30+$0x9600]  }
0x5a: {  	v17 =	vld [tilespmem:s30+$0x9610]  }
0x5b: {  	v18 =	vld [tilespmem:s30+$0x9620]  }
0x5c: {  	v19 =	vld [tilespmem:s30+$0x9630]  }
0x5d: {  	v20 =	vld [tilespmem:s30+$0x9640]  }
0x5e: {  	v12 =	vadd.f32 v12, v16;
	v16 =	vld [tilespmem:s30+$0x9650]  }
0x5f: {  	v6 =	vadd.f32 v6, v17;
	v17 =	vld [tilespmem:s30+$0x9660]  }
0x60: {  	[tilespmem:s30+$0x9600] =	vst v12;
	v8 =	vadd.f32 v8, v18;
	v12 =	vld [tilespmem:s30+$0x9670]  }
0x61: {  	[tilespmem:s30+$0x9610] =	vst v6;
	v6 =	vadd.f32 v9, v19;
	v9 =	vld [tilespmem:s30+$0x9680]  }
0x62: {  	[tilespmem:s30+$0x9620] =	vst v8;
	v8 =	vadd.f32 v10, v20;
	v10 =	vld [tilespmem:s30+$0x9690]  }
.Ltmp0:
0x63: {  	[tilespmem:s30+$0x9630] =	vst v6;
	v16 =	vadd.f32 v7, v16;
	v7 =	vld [tilespmem:s30+$0x96A0];
	(pc) =	sbr.rel @p1 .LBB2_3-.Ltmp0, $4  }
0x64: {  	[tilespmem:s30+$0x9640] =	vst v8;
	v11 =	vadd.f32 v11, v17;
	v6 =	vld [tilespmem:s30+$0x96B0]  }
0x65: {  	[tilespmem:s30+$0x9650] =	vst v16;
	v13 =	vadd.f32 v13, v12;
	v8 =	vld [tilespmem:s30+$0x96C0]  }
0x66: {  	[tilespmem:s30+$0x9660] =	vst v11;
	v12 =	vadd.f32 v14, v9;
	v9 =	vld [tilespmem:s30+$0x96D0]  }
0x67: {  	s31 =	sadd.s32 $0x400, s31;
	[tilespmem:s30+$0x9670] =	vst v13;
	v11 =	vadd.f32 v15, v10;
	v10 =	vld [tilespmem:s30+$0x96E0]  }
0x68: {  	[tilespmem:s30+$0x9680] =	vst v12;
	v5 =	vadd.f32 v5, v7;
	v7 =	vld [tilespmem:s30+$0x96F0]  }
0x69: {  	[tilespmem:s30+$0x9690] =	vst v11;
	v4 =	vadd.f32 v4, v6  }
0x6a: {  	[tilespmem:s30+$0x96A0] =	vst v5;
	v3 =	vadd.f32 v3, v8  }
0x6b: {  	[tilespmem:s30+$0x96B0] =	vst v4;
	v2 =	vadd.f32 v2, v9  }
0x6c: {  	s1 =	sadd.s32 s6, s28;
	[tilespmem:s30+$0x96C0] =	vst v3;
	v1 =	vadd.f32 v1, v10  }
0x6d: {  	s1 =	smul.u32 $0x640, s1;
	[tilespmem:s30+$0x96D0] =	vst v2;
	v0 =	vadd.f32 v0, v7  }
0x6e: {  	[tilespmem:s30+$0x96E0] =	vst v1  }
0x6f: {  	s1 =	sadd.s32 s2, s1;
	[tilespmem:s30+$0x96F0] =	vst v0  }
0x70: {  	[hbm4b:s1+s3] =	stream.linear.scatter [tilespmem:s12], [sflag:$0x2], $0x3200, $0x38;
	[tilespmem:$0x15E00] =	vst v63  }
0x71: {  	s1 =	simm.s32 @!p0 $0x2  }
0x72: {  	_ =	swait.ge @!p0 [sflag:s1], $0x3200  }
0x73: {  	[sflag:s1] =	ssyncset.done @!p0 $0x0  }
0x74: {  	s0 =	sadd.s32 $0x258, s29;
	[sflag:s1] =	ssyncadd.s32 @!p0 $0xFFFFCE00  }
0x75: {  	[tilespmem:s22], [sflag:$0x1] =	stream.indirect.gather [hbm4b:s4+s11], $0x40, s0, s11, $0xb8;
	[tilespmem:$0x15E00] =	vst v63  }
0x76: {  	s0 =	sadd.s32 $0x2C0, s29  }
0x77: {  	[tilespmem:s23], [sflag:$0x1] =	stream.indirect.gather [hbm4b:s4+s13], $0x40, s0, s13, $0xb8;
	[tilespmem:$0x15E00] =	vst v63  }
0x78: {  	_ =	swait.ge [sflag:s21], $0x3200  }
0x79: {  	[sflag:s21] =	ssyncset.done $0x0  }
0x7a: {  	s29 =	simm.s32 $0x0;
	[sflag:s21] =	ssyncadd.s32 $0xFFFFCE00  }
0x7b: {  	v6 =	vld [tilespmem:s29+$0x6400]  }
0x7c: {  	v7 =	vld [tilespmem:s29+$0x6410]  }
0x7d: {  	v8 =	vld [tilespmem:s29+$0x6420]  }
0x7e: {  	v9 =	vld [tilespmem:s29+$0x6430]  }
0x7f: {  	v10 =	vld [tilespmem:s29+$0x6440]  }
0x80: {  	v11 =	vld [tilespmem:s29+$0x6450]  }
0x81: {  	v12 =	vld [tilespmem:s29+$0x6460]  }
0x82: {  	v13 =	vld [tilespmem:s29+$0x6470]  }
0x83: {  	v14 =	vld [tilespmem:s29+$0x6480]  }
0x84: {  	v15 =	vld [tilespmem:s29+$0x6490]  }
0x85: {  	v5 =	vld [tilespmem:s29+$0x64A0]  }
0x86: {  	v4 =	vld [tilespmem:s29+$0x64B0]  }
0x87: {  	v3 =	vld [tilespmem:s29+$0x64C0]  }
0x88: {  	v2 =	vld [tilespmem:s29+$0x64D0]  }
0x89: {  	v1 =	vld [tilespmem:s29+$0x64E0]  }
0x8a: {  	v0 =	vld [tilespmem:s29+$0x64F0]  }
0x8b: {  	v16 =	vld [tilespmem:s29+$0xC800]  }
0x8c: {  	v17 =	vld [tilespmem:s29+$0xC810]  }
0x8d: {  	v18 =	vld [tilespmem:s29+$0xC820]  }
0x8e: {  	v19 =	vld [tilespmem:s29+$0xC830]  }
0x8f: {  	v20 =	vld [tilespmem:s29+$0xC840]  }
0x90: {  	v60 =	vld [tilespmem:s29+$0xC850];
	v6 =	vadd.f32 v6, v16  }
0x91: {  	v21 =	vld [tilespmem:s29+$0xC860];
	v7 =	vadd.f32 v7, v17  }
0x92: {  	v61 =	vld [tilespmem:s29+$0xC870];
	[tilespmem:s29+$0xC800] =	vst v6;
	v6 =	vadd.f32 v8, v18  }
0x93: {  	v62 =	vld [tilespmem:s29+$0xC880];
	[tilespmem:s29+$0xC810] =	vst v7;
	v7 =	vadd.f32 v9, v19  }
0x94: {  	v63 =	vld [tilespmem:s29+$0xC890];
	[tilespmem:s29+$0xC820] =	vst v6;
	v6 =	vadd.f32 v10, v20  }
0x95: {  	v8 =	vadd.f32 v11, v60;
	[tilespmem:s29+$0xC830] =	vst v7;
	v7 =	vld [tilespmem:s29+$0xC8A0]  }
0x96: {  	v9 =	vadd.f32 v12, v21;
	[tilespmem:s29+$0xC840] =	vst v6;
	v6 =	vld [tilespmem:s29+$0xC8B0]  }
0x97: {  	[tilespmem:s29+$0xC850] =	vst v8;
	v8 =	vld [tilespmem:s29+$0xC8C0];
	v10 =	vadd.f32 v13, v61  }
0x98: {  	v12 =	vadd.f32 v14, v62;
	[tilespmem:s29+$0xC860] =	vst v9;
	v9 =	vld [tilespmem:s29+$0xC8D0]  }
0x99: {  	s31 =	simm.s32 $0x400;
	s30 =	sor.u32 $0x1, s28;
	v11 =	vadd.f32 v15, v63;
	[tilespmem:s29+$0xC870] =	vst v10;
	v10 =	vld [tilespmem:s29+$0xC8E0]  }
.LBB2_5:
0x9a: {  	s1 =	sshra.s32 s31, $0x2;
	p0 =	sne.s32 s31, $0xC400;
	[tilespmem:s29+$0xC880] =	vst v12;
	v5 =	vadd.f32 v5, v7;
	v7 =	vld [tilespmem:s29+$0xC8F0]  }
0x9b: {  	v12 =	vld [tilespmem:s1+$0x6400];
	[tilespmem:s29+$0xC890] =	vst v11;
	v4 =	vadd.f32 v4, v6  }
0x9c: {  	v6 =	vld [tilespmem:s1+$0x6410];
	[tilespmem:s29+$0xC8A0] =	vst v5;
	v3 =	vadd.f32 v3, v8  }
0x9d: {  	v8 =	vld [tilespmem:s1+$0x6420];
	[tilespmem:s29+$0xC8B0] =	vst v4;
	v2 =	vadd.f32 v2, v9  }
0x9e: {  	v9 =	vld [tilespmem:s1+$0x6430];
	[tilespmem:s29+$0xC8C0] =	vst v3;
	v1 =	vadd.f32 v1, v10  }
0x9f: {  	v10 =	vld [tilespmem:s1+$0x6440];
	[tilespmem:s29+$0xC8D0] =	vst v2;
	v0 =	vadd.f32 v0, v7  }
0xa0: {  	v7 =	vld [tilespmem:s1+$0x6450];
	[tilespmem:s29+$0xC8E0] =	vst v1  }
0xa1: {  	v11 =	vld [tilespmem:s1+$0x6460];
	[tilespmem:s29+$0xC8F0] =	vst v0;
	s29 =	smov.u32 s1  }
0xa2: {  	v13 =	vld [tilespmem:s29+$0x6470]  }
0xa3: {  	v14 =	vld [tilespmem:s29+$0x6480]  }
0xa4: {  	v15 =	vld [tilespmem:s29+$0x6490]  }
0xa5: {  	v5 =	vld [tilespmem:s29+$0x64A0]  }
0xa6: {  	v4 =	vld [tilespmem:s29+$0x64B0]  }
0xa7: {  	v3 =	vld [tilespmem:s29+$0x64C0]  }
0xa8: {  	v2 =	vld [tilespmem:s29+$0x64D0]  }
0xa9: {  	v1 =	vld [tilespmem:s29+$0x64E0]  }
0xaa: {  	v0 =	vld [tilespmem:s29+$0x64F0]  }
0xab: {  	v16 =	vld [tilespmem:s29+$0xC800]  }
0xac: {  	v17 =	vld [tilespmem:s29+$0xC810]  }
0xad: {  	v18 =	vld [tilespmem:s29+$0xC820]  }
0xae: {  	v19 =	vld [tilespmem:s29+$0xC830]  }
0xaf: {  	v20 =	vld [tilespmem:s29+$0xC840]  }
0xb0: {  	v12 =	vadd.f32 v12, v16;
	v16 =	vld [tilespmem:s29+$0xC850]  }
0xb1: {  	v6 =	vadd.f32 v6, v17;
	v17 =	vld [tilespmem:s29+$0xC860]  }
0xb2: {  	[tilespmem:s29+$0xC800] =	vst v12;
	v8 =	vadd.f32 v8, v18;
	v12 =	vld [tilespmem:s29+$0xC870]  }
0xb3: {  	[tilespmem:s29+$0xC810] =	vst v6;
	v6 =	vadd.f32 v9, v19;
	v9 =	vld [tilespmem:s29+$0xC880]  }
0xb4: {  	[tilespmem:s29+$0xC820] =	vst v8;
	v8 =	vadd.f32 v10, v20;
	v10 =	vld [tilespmem:s29+$0xC890]  }
.Ltmp1:
0xb5: {  	[tilespmem:s29+$0xC830] =	vst v6;
	v16 =	vadd.f32 v7, v16;
	v7 =	vld [tilespmem:s29+$0xC8A0];
	(pc) =	sbr.rel @p0 .LBB2_5-.Ltmp1, $4  }
0xb6: {  	[tilespmem:s29+$0xC840] =	vst v8;
	v11 =	vadd.f32 v11, v17;
	v6 =	vld [tilespmem:s29+$0xC8B0]  }
0xb7: {  	[tilespmem:s29+$0xC850] =	vst v16;
	v13 =	vadd.f32 v13, v12;
	v8 =	vld [tilespmem:s29+$0xC8C0]  }
0xb8: {  	[tilespmem:s29+$0xC860] =	vst v11;
	v12 =	vadd.f32 v14, v9;
	v9 =	vld [tilespmem:s29+$0xC8D0]  }
0xb9: {  	s31 =	sadd.s32 $0x400, s31;
	[tilespmem:s29+$0xC870] =	vst v13;
	v11 =	vadd.f32 v15, v10;
	v10 =	vld [tilespmem:s29+$0xC8E0]  }
0xba: {  	[tilespmem:s29+$0xC880] =	vst v12;
	v5 =	vadd.f32 v5, v7;
	v7 =	vld [tilespmem:s29+$0xC8F0]  }
0xbb: {  	[tilespmem:s29+$0xC890] =	vst v11;
	v4 =	vadd.f32 v4, v6  }
0xbc: {  	[tilespmem:s29+$0xC8A0] =	vst v5;
	v3 =	vadd.f32 v3, v8  }
0xbd: {  	[tilespmem:s29+$0xC8B0] =	vst v4;
	v2 =	vadd.f32 v2, v9  }
0xbe: {  	s1 =	sadd.s32 s6, s30;
	[tilespmem:s29+$0xC8C0] =	vst v3;
	v1 =	vadd.f32 v1, v10  }
0xbf: {  	s1 =	smul.u32 $0x640, s1;
	[tilespmem:s29+$0xC8D0] =	vst v2;
	v0 =	vadd.f32 v0, v7  }
0xc0: {  	[tilespmem:s29+$0xC8E0] =	vst v1  }
0xc1: {  	p0 =	seq.s32 s26, $0x1F;
	s1 =	sadd.s32 s2, s1;
	[tilespmem:s29+$0xC8F0] =	vst v0  }
0xc2: {  	[hbm4b:s1+s3] =	stream.linear.scatter [tilespmem:s16], [sflag:$0x2], $0x3200, $0x38;
	[tilespmem:$0x15E00] =	vst v63  }
0xc3: {  	s1 =	smul.u32 @!p0 $0xC80, s26  }
0xc4: {  	_ =	swait.ge [sflag:s24], $0x3200  }
0xc5: {  	s30 =	simm.s32 @!p0 $0x68;
	[sflag:s24] =	ssyncset.done $0x0;
	s29 =	sshra.s32 @!p0 s1, $0x2  }
0xc6: {  	s31 =	simm.s32 @!p0 $0x9600;
	[sflag:s24] =	ssyncadd.s32 $0xFFFFCE00;
	s1 =	sadd.s32 @!p0 $0x320, s29  }
0xc7: {  	[tilespmem:s31], [sflag:$0x1] =	stream.indirect.gather @!p0 [hbm4b:s4+s30], $0x40, s1, s30, $0xb8;
	[tilespmem:$0x15E00] =	vst v63  }
0xc8: {  	s1 =	sadd.s32 @!p0 $0x388, s29;
	s30 =	simm.s32 @!p0 $0x60;
	s31 =	simm.s32 @!p0 $0xB000  }
0xc9: {  	[tilespmem:s31], [sflag:$0x1] =	stream.indirect.gather @!p0 [hbm4b:s4+s30], $0x40, s1, s30, $0xb8;
	[tilespmem:$0x15E00] =	vst v63  }
0xca: {  	_ =	swait.ge [sflag:s21], $0x3200  }
0xcb: {  	[sflag:s21] =	ssyncset.done $0x0  }
0xcc: {  	s30 =	simm.s32 $0x0;
	[sflag:s21] =	ssyncadd.s32 $0xFFFFCE00  }
0xcd: {  	v6 =	vld [tilespmem:s30+$0x6400]  }
0xce: {  	v7 =	vld [tilespmem:s30+$0x6410]  }
0xcf: {  	v8 =	vld [tilespmem:s30+$0x6420]  }
0xd0: {  	v9 =	vld [tilespmem:s30+$0x6430]  }
0xd1: {  	v10 =	vld [tilespmem:s30+$0x6440]  }
0xd2: {  	v11 =	vld [tilespmem:s30+$0x6450]  }
0xd3: {  	v12 =	vld [tilespmem:s30+$0x6460]  }
0xd4: {  	v13 =	vld [tilespmem:s30+$0x6470]  }
0xd5: {  	v14 =	vld [tilespmem:s30+$0x6480]  }
0xd6: {  	v15 =	vld [tilespmem:s30+$0x6490]  }
0xd7: {  	v5 =	vld [tilespmem:s30+$0x64A0]  }
0xd8: {  	v4 =	vld [tilespmem:s30+$0x64B0]  }
0xd9: {  	v3 =	vld [tilespmem:s30+$0x64C0]  }
0xda: {  	v2 =	vld [tilespmem:s30+$0x64D0]  }
0xdb: {  	v1 =	vld [tilespmem:s30+$0x64E0]  }
0xdc: {  	v0 =	vld [tilespmem:s30+$0x64F0]  }
0xdd: {  	v16 =	vld [tilespmem:s30+$0xFA00]  }
0xde: {  	v17 =	vld [tilespmem:s30+$0xFA10]  }
0xdf: {  	v18 =	vld [tilespmem:s30+$0xFA20]  }
0xe0: {  	v19 =	vld [tilespmem:s30+$0xFA30]  }
0xe1: {  	v20 =	vld [tilespmem:s30+$0xFA40]  }
0xe2: {  	v60 =	vld [tilespmem:s30+$0xFA50];
	v6 =	vadd.f32 v6, v16  }
0xe3: {  	v21 =	vld [tilespmem:s30+$0xFA60];
	v7 =	vadd.f32 v7, v17  }
0xe4: {  	v61 =	vld [tilespmem:s30+$0xFA70];
	[tilespmem:s30+$0xFA00] =	vst v6;
	v6 =	vadd.f32 v8, v18  }
0xe5: {  	v62 =	vld [tilespmem:s30+$0xFA80];
	[tilespmem:s30+$0xFA10] =	vst v7;
	v7 =	vadd.f32 v9, v19  }
0xe6: {  	v63 =	vld [tilespmem:s30+$0xFA90];
	[tilespmem:s30+$0xFA20] =	vst v6;
	v6 =	vadd.f32 v10, v20  }
0xe7: {  	v8 =	vadd.f32 v11, v60;
	[tilespmem:s30+$0xFA30] =	vst v7;
	v7 =	vld [tilespmem:s30+$0xFAA0]  }
0xe8: {  	v9 =	vadd.f32 v12, v21;
	[tilespmem:s30+$0xFA40] =	vst v6;
	v6 =	vld [tilespmem:s30+$0xFAB0]  }
0xe9: {  	[tilespmem:s30+$0xFA50] =	vst v8;
	v8 =	vld [tilespmem:s30+$0xFAC0];
	v10 =	vadd.f32 v13, v61  }
0xea: {  	v12 =	vadd.f32 v14, v62;
	[tilespmem:s30+$0xFA60] =	vst v9;
	v9 =	vld [tilespmem:s30+$0xFAD0]  }
0xeb: {  	s31 =	sor.u32 $0x2, s28;
	s1 =	simm.s32 $0x400;
	v11 =	vadd.f32 v15, v63;
	[tilespmem:s30+$0xFA70] =	vst v10;
	v10 =	vld [tilespmem:s30+$0xFAE0]  }
.LBB2_7:
0xec: {  	s0 =	sshra.s32 s1, $0x2;
	p1 =	sne.s32 s1, $0xC400;
	[tilespmem:s30+$0xFA80] =	vst v12;
	v5 =	vadd.f32 v5, v7;
	v7 =	vld [tilespmem:s30+$0xFAF0]  }
0xed: {  	v12 =	vld [tilespmem:s0+$0x6400];
	[tilespmem:s30+$0xFA90] =	vst v11;
	v4 =	vadd.f32 v4, v6  }
0xee: {  	v6 =	vld [tilespmem:s0+$0x6410];
	[tilespmem:s30+$0xFAA0] =	vst v5;
	v3 =	vadd.f32 v3, v8  }
0xef: {  	v8 =	vld [tilespmem:s0+$0x6420];
	[tilespmem:s30+$0xFAB0] =	vst v4;
	v2 =	vadd.f32 v2, v9  }
0xf0: {  	v9 =	vld [tilespmem:s0+$0x6430];
	[tilespmem:s30+$0xFAC0] =	vst v3;
	v1 =	vadd.f32 v1, v10  }
0xf1: {  	v10 =	vld [tilespmem:s0+$0x6440];
	[tilespmem:s30+$0xFAD0] =	vst v2;
	v0 =	vadd.f32 v0, v7  }
0xf2: {  	v7 =	vld [tilespmem:s0+$0x6450];
	[tilespmem:s30+$0xFAE0] =	vst v1  }
0xf3: {  	v11 =	vld [tilespmem:s0+$0x6460];
	[tilespmem:s30+$0xFAF0] =	vst v0;
	s30 =	smov.u32 s0  }
0xf4: {  	v13 =	vld [tilespmem:s30+$0x6470]  }
0xf5: {  	v14 =	vld [tilespmem:s30+$0x6480]  }
0xf6: {  	v15 =	vld [tilespmem:s30+$0x6490]  }
0xf7: {  	v5 =	vld [tilespmem:s30+$0x64A0]  }
0xf8: {  	v4 =	vld [tilespmem:s30+$0x64B0]  }
0xf9: {  	v3 =	vld [tilespmem:s30+$0x64C0]  }
0xfa: {  	v2 =	vld [tilespmem:s30+$0x64D0]  }
0xfb: {  	v1 =	vld [tilespmem:s30+$0x64E0]  }
0xfc: {  	v0 =	vld [tilespmem:s30+$0x64F0]  }
0xfd: {  	v16 =	vld [tilespmem:s30+$0xFA00]  }
0xfe: {  	v17 =	vld [tilespmem:s30+$0xFA10]  }
0xff: {  	v18 =	vld [tilespmem:s30+$0xFA20]  }
0x100: {  	v19 =	vld [tilespmem:s30+$0xFA30]  }
0x101: {  	v20 =	vld [tilespmem:s30+$0xFA40]  }
0x102: {  	v12 =	vadd.f32 v12, v16;
	v16 =	vld [tilespmem:s30+$0xFA50]  }
0x103: {  	v6 =	vadd.f32 v6, v17;
	v17 =	vld [tilespmem:s30+$0xFA60]  }
0x104: {  	[tilespmem:s30+$0xFA00] =	vst v12;
	v8 =	vadd.f32 v8, v18;
	v12 =	vld [tilespmem:s30+$0xFA70]  }
0x105: {  	[tilespmem:s30+$0xFA10] =	vst v6;
	v6 =	vadd.f32 v9, v19;
	v9 =	vld [tilespmem:s30+$0xFA80]  }
0x106: {  	[tilespmem:s30+$0xFA20] =	vst v8;
	v8 =	vadd.f32 v10, v20;
	v10 =	vld [tilespmem:s30+$0xFA90]  }
.Ltmp2:
0x107: {  	[tilespmem:s30+$0xFA30] =	vst v6;
	v16 =	vadd.f32 v7, v16;
	v7 =	vld [tilespmem:s30+$0xFAA0];
	(pc) =	sbr.rel @p1 .LBB2_7-.Ltmp2, $4  }
0x108: {  	[tilespmem:s30+$0xFA40] =	vst v8;
	v11 =	vadd.f32 v11, v17;
	v6 =	vld [tilespmem:s30+$0xFAB0]  }
0x109: {  	[tilespmem:s30+$0xFA50] =	vst v16;
	v13 =	vadd.f32 v13, v12;
	v8 =	vld [tilespmem:s30+$0xFAC0]  }
0x10a: {  	[tilespmem:s30+$0xFA60] =	vst v11;
	v12 =	vadd.f32 v14, v9;
	v9 =	vld [tilespmem:s30+$0xFAD0]  }
0x10b: {  	s1 =	sadd.s32 $0x400, s1;
	[tilespmem:s30+$0xFA70] =	vst v13;
	v11 =	vadd.f32 v15, v10;
	v10 =	vld [tilespmem:s30+$0xFAE0]  }
0x10c: {  	[tilespmem:s30+$0xFA80] =	vst v12;
	v5 =	vadd.f32 v5, v7;
	v7 =	vld [tilespmem:s30+$0xFAF0]  }
0x10d: {  	[tilespmem:s30+$0xFA90] =	vst v11;
	v4 =	vadd.f32 v4, v6  }
0x10e: {  	[tilespmem:s30+$0xFAA0] =	vst v5;
	v3 =	vadd.f32 v3, v8  }
0x10f: {  	[tilespmem:s30+$0xFAB0] =	vst v4;
	v2 =	vadd.f32 v2, v9  }
0x110: {  	s0 =	sadd.s32 s6, s31;
	[tilespmem:s30+$0xFAC0] =	vst v3;
	v1 =	vadd.f32 v1, v10  }
0x111: {  	s0 =	smul.u32 $0x640, s0;
	[tilespmem:s30+$0xFAD0] =	vst v2;
	v0 =	vadd.f32 v0, v7  }
0x112: {  	[tilespmem:s30+$0xFAE0] =	vst v1  }
0x113: {  	s0 =	sadd.s32 s2, s0;
	[tilespmem:s30+$0xFAF0] =	vst v0  }
0x114: {  	[hbm4b:s0+s3] =	stream.linear.scatter [tilespmem:s19], [sflag:$0x2], $0x3200, $0x38;
	[tilespmem:$0x15E00] =	vst v63  }
0x115: {  	_ =	swait.ge [sflag:s24], $0x3200  }
0x116: {  	s1 =	simm.s32 @!p0 $0x68;
	[sflag:s24] =	ssyncset.done $0x0  }
0x117: {  	s30 =	simm.s32 @!p0 $0xC800;
	s0 =	sadd.s32 @!p0 $0x3E8, s29;
	[sflag:s24] =	ssyncadd.s32 $0xFFFFCE00  }
0x118: {  	[tilespmem:s30], [sflag:$0x1] =	stream.indirect.gather @!p0 [hbm4b:s4+s1], $0x40, s0, s1, $0xb8;
	[tilespmem:$0x15E00] =	vst v63  }
0x119: {  	s0 =	sadd.s32 @!p0 $0x450, s29;
	s1 =	simm.s32 @!p0 $0x60;
	s29 =	simm.s32 @!p0 $0xE200  }
0x11a: {  	[tilespmem:s29], [sflag:$0x1] =	stream.indirect.gather @!p0 [hbm4b:s4+s1], $0x40, s0, s1, $0xb8;
	[tilespmem:$0x15E00] =	vst v63  }
0x11b: {  	_ =	swait.ge [sflag:s21], $0x3200  }
0x11c: {  	[sflag:s21] =	ssyncset.done $0x0  }
0x11d: {  	s29 =	simm.s32 $0x0;
	[sflag:s21] =	ssyncadd.s32 $0xFFFFCE00  }
0x11e: {  	v6 =	vld [tilespmem:s29+$0x6400]  }
0x11f: {  	v7 =	vld [tilespmem:s29+$0x6410]  }
0x120: {  	v8 =	vld [tilespmem:s29+$0x6420]  }
0x121: {  	v9 =	vld [tilespmem:s29+$0x6430]  }
0x122: {  	v10 =	vld [tilespmem:s29+$0x6440]  }
0x123: {  	v11 =	vld [tilespmem:s29+$0x6450]  }
0x124: {  	v12 =	vld [tilespmem:s29+$0x6460]  }
0x125: {  	v13 =	vld [tilespmem:s29+$0x6470]  }
0x126: {  	v14 =	vld [tilespmem:s29+$0x6480]  }
0x127: {  	v15 =	vld [tilespmem:s29+$0x6490]  }
0x128: {  	v5 =	vld [tilespmem:s29+$0x64A0]  }
0x129: {  	v4 =	vld [tilespmem:s29+$0x64B0]  }
0x12a: {  	v3 =	vld [tilespmem:s29+$0x64C0]  }
0x12b: {  	v2 =	vld [tilespmem:s29+$0x64D0]  }
0x12c: {  	v1 =	vld [tilespmem:s29+$0x64E0]  }
0x12d: {  	v0 =	vld [tilespmem:s29+$0x64F0]  }
0x12e: {  	v16 =	vld [tilespmem:s29+$0x12C00]  }
0x12f: {  	v17 =	vld [tilespmem:s29+$0x12C10]  }
0x130: {  	v18 =	vld [tilespmem:s29+$0x12C20]  }
0x131: {  	v19 =	vld [tilespmem:s29+$0x12C30]  }
0x132: {  	v20 =	vld [tilespmem:s29+$0x12C40]  }
0x133: {  	v60 =	vld [tilespmem:s29+$0x12C50];
	v6 =	vadd.f32 v6, v16  }
0x134: {  	v21 =	vld [tilespmem:s29+$0x12C60];
	v7 =	vadd.f32 v7, v17  }
0x135: {  	v61 =	vld [tilespmem:s29+$0x12C70];
	[tilespmem:s29+$0x12C00] =	vst v6;
	v6 =	vadd.f32 v8, v18  }
0x136: {  	v62 =	vld [tilespmem:s29+$0x12C80];
	[tilespmem:s29+$0x12C10] =	vst v7;
	v7 =	vadd.f32 v9, v19  }
0x137: {  	v63 =	vld [tilespmem:s29+$0x12C90];
	[tilespmem:s29+$0x12C20] =	vst v6;
	v6 =	vadd.f32 v10, v20  }
0x138: {  	v8 =	vadd.f32 v11, v60;
	[tilespmem:s29+$0x12C30] =	vst v7;
	v7 =	vld [tilespmem:s29+$0x12CA0]  }
0x139: {  	v9 =	vadd.f32 v12, v21;
	[tilespmem:s29+$0x12C40] =	vst v6;
	v6 =	vld [tilespmem:s29+$0x12CB0]  }
0x13a: {  	[tilespmem:s29+$0x12C50] =	vst v8;
	v8 =	vld [tilespmem:s29+$0x12CC0];
	v10 =	vadd.f32 v13, v61  }
0x13b: {  	v12 =	vadd.f32 v14, v62;
	[tilespmem:s29+$0x12C60] =	vst v9;
	v9 =	vld [tilespmem:s29+$0x12CD0]  }
0x13c: {  	s28 =	sor.u32 $0x3, s28;
	s1 =	simm.s32 $0x400;
	v11 =	vadd.f32 v15, v63;
	[tilespmem:s29+$0x12C70] =	vst v10;
	v10 =	vld [tilespmem:s29+$0x12CE0]  }
.LBB2_9:
0x13d: {  	s0 =	sshra.s32 s1, $0x2;
	p0 =	sne.s32 s1, $0xC400;
	[tilespmem:s29+$0x12C80] =	vst v12;
	v5 =	vadd.f32 v5, v7;
	v7 =	vld [tilespmem:s29+$0x12CF0]  }
0x13e: {  	v12 =	vld [tilespmem:s0+$0x6400];
	[tilespmem:s29+$0x12C90] =	vst v11;
	v4 =	vadd.f32 v4, v6  }
0x13f: {  	v6 =	vld [tilespmem:s0+$0x6410];
	[tilespmem:s29+$0x12CA0] =	vst v5;
	v3 =	vadd.f32 v3, v8  }
0x140: {  	v8 =	vld [tilespmem:s0+$0x6420];
	[tilespmem:s29+$0x12CB0] =	vst v4;
	v2 =	vadd.f32 v2, v9  }
0x141: {  	v9 =	vld [tilespmem:s0+$0x6430];
	[tilespmem:s29+$0x12CC0] =	vst v3;
	v1 =	vadd.f32 v1, v10  }
0x142: {  	v10 =	vld [tilespmem:s0+$0x6440];
	[tilespmem:s29+$0x12CD0] =	vst v2;
	v0 =	vadd.f32 v0, v7  }
0x143: {  	v7 =	vld [tilespmem:s0+$0x6450];
	[tilespmem:s29+$0x12CE0] =	vst v1  }
0x144: {  	v11 =	vld [tilespmem:s0+$0x6460];
	[tilespmem:s29+$0x12CF0] =	vst v0;
	s29 =	smov.u32 s0  }
0x145: {  	v13 =	vld [tilespmem:s29+$0x6470]  }
0x146: {  	v14 =	vld [tilespmem:s29+$0x6480]  }
0x147: {  	v15 =	vld [tilespmem:s29+$0x6490]  }
0x148: {  	v5 =	vld [tilespmem:s29+$0x64A0]  }
0x149: {  	v4 =	vld [tilespmem:s29+$0x64B0]  }
0x14a: {  	v3 =	vld [tilespmem:s29+$0x64C0]  }
0x14b: {  	v2 =	vld [tilespmem:s29+$0x64D0]  }
0x14c: {  	v1 =	vld [tilespmem:s29+$0x64E0]  }
0x14d: {  	v0 =	vld [tilespmem:s29+$0x64F0]  }
0x14e: {  	v16 =	vld [tilespmem:s29+$0x12C00]  }
0x14f: {  	v17 =	vld [tilespmem:s29+$0x12C10]  }
0x150: {  	v18 =	vld [tilespmem:s29+$0x12C20]  }
0x151: {  	v19 =	vld [tilespmem:s29+$0x12C30]  }
0x152: {  	v20 =	vld [tilespmem:s29+$0x12C40]  }
0x153: {  	v12 =	vadd.f32 v12, v16;
	v16 =	vld [tilespmem:s29+$0x12C50]  }
0x154: {  	v6 =	vadd.f32 v6, v17;
	v17 =	vld [tilespmem:s29+$0x12C60]  }
0x155: {  	[tilespmem:s29+$0x12C00] =	vst v12;
	v8 =	vadd.f32 v8, v18;
	v12 =	vld [tilespmem:s29+$0x12C70]  }
0x156: {  	[tilespmem:s29+$0x12C10] =	vst v6;
	v6 =	vadd.f32 v9, v19;
	v9 =	vld [tilespmem:s29+$0x12C80]  }
0x157: {  	[tilespmem:s29+$0x12C20] =	vst v8;
	v8 =	vadd.f32 v10, v20;
	v10 =	vld [tilespmem:s29+$0x12C90]  }
.Ltmp3:
0x158: {  	[tilespmem:s29+$0x12C30] =	vst v6;
	v16 =	vadd.f32 v7, v16;
	v7 =	vld [tilespmem:s29+$0x12CA0];
	(pc) =	sbr.rel @p0 .LBB2_9-.Ltmp3, $4  }
0x159: {  	[tilespmem:s29+$0x12C40] =	vst v8;
	v11 =	vadd.f32 v11, v17;
	v6 =	vld [tilespmem:s29+$0x12CB0]  }
0x15a: {  	[tilespmem:s29+$0x12C50] =	vst v16;
	v13 =	vadd.f32 v13, v12;
	v8 =	vld [tilespmem:s29+$0x12CC0]  }
0x15b: {  	[tilespmem:s29+$0x12C60] =	vst v11;
	v12 =	vadd.f32 v14, v9;
	v9 =	vld [tilespmem:s29+$0x12CD0]  }
0x15c: {  	s1 =	sadd.s32 $0x400, s1;
	[tilespmem:s29+$0x12C70] =	vst v13;
	v11 =	vadd.f32 v15, v10;
	v10 =	vld [tilespmem:s29+$0x12CE0]  }
0x15d: {  	[tilespmem:s29+$0x12C80] =	vst v12;
	v5 =	vadd.f32 v5, v7;
	v63 =	vld [tilespmem:s29+$0x12CF0]  }
0x15e: {  	[tilespmem:s29+$0x12C90] =	vst v11;
	v4 =	vadd.f32 v4, v6  }
0x15f: {  	s26 =	sadd.s32 $0x1, s26;
	[tilespmem:s29+$0x12CA0] =	vst v5;
	v3 =	vadd.f32 v3, v8  }
0x160: {  	p0 =	sne.s32 s26, $0x20;
	[tilespmem:s29+$0x12CB0] =	vst v4;
	v2 =	vadd.f32 v2, v9  }
.Ltmp4:
0x161: {  	s0 =	sadd.s32 s6, s28;
	[tilespmem:s29+$0x12CC0] =	vst v3;
	v1 =	vadd.f32 v1, v10;
	(pc) =	sbr.rel @p0 .LBB2_2-.Ltmp4, $4  }
0x162: {  	s0 =	smul.u32 $0x640, s0;
	[tilespmem:s29+$0x12CD0] =	vst v2;
	v0 =	vadd.f32 v0, v63  }
0x163: {  	[tilespmem:s29+$0x12CE0] =	vst v1  }
0x164: {  	s0 =	sadd.s32 s2, s0;
	[tilespmem:s29+$0x12CF0] =	vst v0  }
0x165: {  	[hbm4b:s0+s3] =	stream.linear.scatter [tilespmem:s22], [sflag:$0x2], $0x3200, $0x38;
	[tilespmem:$0x15E00] =	vst v63  }
0x166: {  	s25 =	sadd.s32 $0x1, s25  }
0x167: {  	_ =	swait.ge [sflag:s24], $0x3200;
	p0 =	sne.s32 s25, s8  }
.Ltmp5:
0x168: {  	[sflag:s24] =	ssyncset.done $0x0;
	(pc) =	sbr.rel @p0 .LBB2_1-.Ltmp5, $4  }
0x169: {  	[sflag:s24] =	ssyncadd.s32 $0xFFFFCE00  }
0x16a: {  	_ =	swait.ge [sflag:s24], $0x3200  }
0x16b: {  	[sflag:s24] =	ssyncset.done $0x0  }
0x16c: {  	[sflag:s24] =	ssyncadd.s32 $0xFFFFCE00  }
0x16d: {  	_ =	sfence.sel $0x180000  }
0x16e: {  	[bflag:$0x0] =	sbarrier.arrive $0xFFFF  }
0x16f: {  	_ =	strace $0x90000047  }
0x170: {  	s0 =	stileid.u32;
	[bflag:$0x2] =	sbarrier.arrive $0xFFFF  }
0x171: {  	p0 =	sne.s32 s0, $0x0;
	s0 =	rddreg [dreg:$0x2]  }
0x172: {  	s0 =	sadd.s32 @!p0 $0x100000, s0  }
0x173: {  	[sflag:s0] =	ssyncadd.tile.s32 @!p0 $0x1;
	_ =	shalt  }
.Lfunc_end2:
_tile_overlayer_lowered:
.L_overlay_start_2:
0x174: {  	(tag) =	ssettag $0x2  }
0x175: {  	s0 =	rddreg [dreg:$0x0];
	s2 =	stileid.u32  }
0x176: {  	s1 =	rddreg [dreg:$0x1];
	p0 =	sne.s32 s2, $0x0  }
0x177: {  	s3 =	rddreg [dreg:$0x2];
	[bflag:$0x3] =	sbarrier.arrive $0xFFFF;
	s2 =	simm.s32 @!p0 $0x1C03  }
0x178: {  	[timem:s3], [sflag:s2] =	dma.local @!p0 [hbm:s0], s1  }
0x179: {  	s0 =	simm.s32 @!p0 $0x3  }
0x17a: {  	_ =	swait.ge @!p0 [sflag:s0], s1  }
0x17b: {  	s1 =	ssub.s32 @!p0 $0x0, s1;
	[sflag:s0] =	ssyncset.done @!p0 $0x0  }
0x17c: {  	[sflag:s0] =	ssyncadd.s32 @!p0 s1  }
0x17d: {  	[bflag:$0x3] =	sbarrier.arrive $0xFFFF  }
0x17e: {  	_ =	shalt  }

// kernel: sparse-core-data-format-call.cloned.1.call-start
scs
called_computation_lowered:
.L_overlay_start_0:
0x0: {  	s2 =	sld [smem:$0x3FD9]  }
0x1: {  	s3 =	sld [smem:$0x3FFE];
	_ =	sdelay $0x1  }
0x2: {  	s1 =	srdreg.scid  }
0x3: {  	s0 =	sand.u32 $0x1, s1  }
0x4: {  	s18 =	sshll.u32 s0, $0xA;
	s2 =	sadd.s32 s3, s2  }
0x5: {  	s2 =	sadd.s32 s2, s18  }
0x6: {  	[smem:$0x3FC5] =	sst s2  }
0x7: {  	_ = 	snop  }
0x8: {  	s2 =	sld [smem:$0x3FD0];
	(tm) =	ssettm $0x1  }
0x9: {  	s19 =	sld [smem:$0x3FFB];
	_ =	sdelay $0x3  }
0xa: {  	_ =	strace s19  }
0xb: {  	s3 =	sld [smem:$0x3FFC];
	_ =	sdelay $0x3  }
0xc: {  	_ =	strace s3  }
0xd: {  	s3 =	sld [smem:$0x3FFD];
	_ =	sdelay $0x3  }
0xe: {  	_ =	strace s3  }
0xf: {  	_ =	strace $0x8FFFFFFF  }
0x10: {  	s20 =	sld [smem:$0x3FDB];
	_ =	sdelay $0x1  }
0x11: {  	s4 =	simm.s32 $_scs_section_size  }
0x12: {  	s5 =	simm.s32 $_size__tile_overlayer_lowered;
	s6 =	simm.s32 $_tile_overlayer_lowered  }
0x13: {  	s23 =	simm.s32 $0x1BFF;
	s22 =	sshll.u32 s6, $0x1;
	s3 =	sadd.s32 s4, s20  }
0x14: {  	s7 =	simm.s32 $0x0;
	s21 =	sshll.u32 s5, $0x1;
	s5 =	sadd.s32 s22, s3  }
0x15: {  	[timem:s7], [sflag:s23] =	dma.local [hbm:s5], s21  }
0x16: {  	_ =	swait.ge [sflag:s23], s21  }
0x17: {  	s4 =	ssub.s32 $0x0, s21;
	[sflag:s23] =	ssyncset.done $0x0  }
0x18: {  	[sflag:s23] =	ssyncadd.s32 s4;
	_ =	sdelay $0x1  }
0x19: {  	s24 =	simm.s32 $0x1B8B  }
0x1a: {  	_ =	swait.ge [sflag:s24], $0x1  }
0x1b: {  	[sflag:s24] =	ssyncset.done $0x0  }
0x1c: {  	s26 =	simm.s32 $0x1B8E;
	s25 =	sld [smem:$0x3FFE];
	[sflag:s24] =	ssyncadd.s32 $0xFFFFFFFF  }
0x1d: {  	s27 =	simm.s32 $execute0_lowered;
	[smem:$0x3FD2] =	sst s26  }
0x1e: {  	s5 =	sshll.u32 s27, $0x1;
	_ =	strace $0x80000049;
	[dreg:$0x1] =	wrdreg $0xFFFFFFFF  }
0x1f: {  	s28 =	simm.s32 $_size_execute0_lowered;
	s3 =	sadd.s32 s3, s5;
	[dreg:$0x0] =	wrdreg $0x0  }
0x20: {  	s5 =	sshll.u32 s28, $0x1;
	[dreg:$0x2] =	wrdreg s3  }
0x21: {  	[dreg:$0x3] =	wrdreg s5  }
0x22: {  	[dreg:$0x4] =	wrdreg $0xC0  }
0x23: {  	_ =	task [dreg:s7], $0x5FFFF  }
0x24: {  	[dreg:$0x1] =	wrdreg $0xFFFFFFFF  }
0x25: {  	[dreg:$0x0] =	wrdreg $0x60  }
0x26: {  	[dreg:$0x2] =	wrdreg s25  }
0x27: {  	[dreg:$0x3] =	wrdreg s2  }
0x28: {  	[dreg:$0x4] =	wrdreg $0x9  }
0x29: {  	_ =	task.clear_ibuf [dreg:s7], $0x5FFFF;
	_ =	strace $0x90000049  }
0x2a: {  	s29 =	simm.s32 $0x9;
	_ =	strace $0x8000004B  }
0x2b: {  	_ =	swait.ge [sflag:s29], $0x1  }
0x2c: {  	[sflag:s29] =	ssyncadd.s32 $0xFFFFFFFF  }
0x2d: {  	_ =	strace $0x9000004B  }
0x2e: {  	_ =	sfence  }
0x2f: {  	s30 =	sld [smem:$0x0];
	_ =	sdelay $0x2  }
0x30: {  	s31 =	sshll.u32 s1, $0xD;
	s1 =	sshrl.u32 s1, $0x2  }
0x31: {  	s3 =	sand.u32 $0x4000, s31;
	s1 =	sadd.s32 s1, s30  }
0x32: {  	s0 =	sor.u32 s3, s0;
	s1 =	sshll.u32 s1, $0x11  }
0x33: {  	s0 =	sor.u32 s1, s0  }
0x34: {  	s0 =	sadd.s32 $0x8F2B, s0  }
0x35: {  	[sflag:s0] =	ssyncadd.remote.s32 $0x1  }
0x36: {  	_ =	sfence.sel $0xFFFF  }
0x37: {  	[dreg:$0x0] =	wrdreg $0xFFFFFFFF;
	(pc) =	sbr.abs _section_cstart, $3  }
0x38: {  	[dreg:$0x1] =	wrdreg $0xFFFFFFFF  }
0x39: {  	_ =	task.clear_ibuf [dreg:s7], $0x2FFFF;
	_ =	strace $0x9FFFFFFF  }
0x3a: {  	(tm) =	ssettm $0x7FFFFFFF  }
0x3b: {  	_ =	shalt  }
tec
execute0_lowered:
.L_overlay_start_1:
0x0: {  	(tag) =	ssettag $0x1  }
0x1: {  	s0 =	srdreg.scid  }
0x2: {  	s1 =	sshll.u32 s0, $0x4  }
0x3: {  	s4 =	rddreg [dreg:$0x0];
	s0 =	stileid.u32;
	s1 =	sand.u32 $0x10, s1  }
0x4: {  	s2 =	rddreg [dreg:$0x1];
	s7 =	simm.s32 $0x1;
	s1 =	sor.u32 s0, s1  }
0x5: {  	s8 =	simm.s32 $0x2;
	s11 =	simm.s32 $0x0;
	s3 =	sshll.u32 s1, $0x7  }
0x6: {  	s10 =	simm.s32 $0x0;
	s4 =	sadd.s32 $0x800, s4;
	s6 =	ssub.s32 $0xC8000, s3  }
.Ltmp0:
0x7: {  	s1 =	rddreg [dreg:$0x2];
	s5 =	sand.u32 $0xF80, s6;
	(pc) =	sbr.rel .LBB1_1-.Ltmp0, $4  }
0x8: {  	_ =	strace $0x8000004A;
	s9 =	smov.u32 s3;
	p0 =	sne.s32 s5, $0x0  }
0x9: {  	s6 =	sshrl.u32 s6, $0xC;
	s5 =	simm.s32 $0x1;
	s7 =	simm.s32 @!p0 $0x0  }
0xa: {  	[sflag:s5] =	ssyncpa.u1 $0x0;
	p0 =	por $0x0, $0x0;
	s6 =	sadd.s32 s7, s6  }
0xb: {  	[sflag:s8] =	ssyncpa.u1 $0x0;
	s8 =	simm.s32 $0x640000;
	s7 =	sadd.s32 $0x1, s6  }
.LBB1_4:
0xc: {  	s14 =	sshll.u32 s11, $0x3  }
0xd: {  	s30 =	sand.u32 $0x7F, s11;
	s15 =	sand.u32 $0xFFFFFC00, s14  }
0xe: {  	s11 =	sor.u32 s30, s15  }
0xf: {  	s15 =	smulhi.u32 $0x51EB851F, s11  }
0x10: {  	s14 =	smulhi.u32 $0x51EB851F, s14  }
0x11: {  	s15 =	sshrl.u32 s15, $0x12  }
0x12: {  	s14 =	sshrl.u32 s14, $0x12;
	s15 =	smul.u32 $0xC8000, s15  }
0x13: {  	s14 =	sand.u32 $0x3F, s14  }
0x14: {  	s14 =	smul.u32 $0x19000, s14;
	s11 =	ssub.s32 s11, s15  }
0x15: {  	[tilespmem:s13+$0x810 ss:$0x81] =	vst.msk $0xffff, v2;
	s15 =	sand.u32 $0x7, s11  }
0x16: {  	[tilespmem:s13+$0x1020 ss:$0x81] =	vst.msk $0xffff, v0;
	s14 =	sadd.s32 s2, s14;
	s11 =	sshrl.u32 s11, $0x3;
	s15 =	sshll.u32 s15, $0x12  }
0x17: {  	[tilespmem:s13+$0x0 ss:$0x81] =	vst.msk $0xffff, v1;
	s11 =	sadd.s32 s11, s14;
	s31 =	sor.u32 $0x400, s15  }
0x18: {  	[hbm4b:s11+s31] =	stream.strided.scatter [tilespmem:s12], [sflag:$0x2], $0x2000, s8, s31, $0x20;
	[tilespmem:$0x8080] =	vst v63  }
.LBB1_5:
0x19: {  	s13 =	sadd.s32 $0x1000, s9  }
0x1a: {  	p2 =	sgt.s32 s13, $0xC7FFF  }
0x1b: {  	s13 =	smov.u32 @p2 s3;
	p2 =	sne.s32 s10, s7  }
.Ltmp1:
0x1c: {  	p1 =	slt.u32 s10, $0x2;
	(pc) =	sbr.rel @!p2 .LBB1_6-.Ltmp1, $4  }
0x1d: {  	s12 =	simm.s32 @!p1 $0x2  }
0x1e: {  	s14 =	sadd.s32 $0x1, s10;
	_ =	swait.ge @!p1 [sflag:s12], $0x2000  }
0x1f: {  	s11 =	smov.u32 s9;
	p0 =	por !p0, !p0;
	[sflag:s12] =	ssyncset.done @!p1 $0x0  }
0x20: {  	s10 =	smov.u32 s14;
	s9 =	smov.u32 s13;
	[sflag:s12] =	ssyncadd.s32 @!p1 $0xFFFFE000  }
.LBB1_1:
0x21: {  	p1 =	sge.u32 s10, s6  }
0x22: {  	s12 =	sand.u32 @!p1 $0x1FFFFFF, s9  }
0x23: {  	s13 =	smulhi.u32 @!p1 $0x147AE15, s12;
	_ =	sdelay $0x1  }
0x24: {  	s13 =	sshrl.u32 @!p1 s13, $0xC  }
0x25: {  	s13 =	smul.u32 @!p1 $0xC8000, s13;
	_ =	sdelay $0x1  }
0x26: {  	s31 =	sadd.s32 $0xFFFFFFFF, s10;
	s14 =	sxor.u32 @!p1 $0xFFFFFFFF, s10;
	s12 =	ssub.s32 @!p1 s12, s13  }
0x27: {  	s15 =	simm.s32 @!p1 $0x80;
	s14 =	sshll.u32 @!p1 s14, $0xD;
	s12 =	sshll.u32 @!p1 s12, $0x4  }
0x28: {  	s13 =	sand.u32 @!p1 $0x2000, s14;
	s14 =	simm.s32 @!p1 $0x40;
	s12 =	sadd.s32 @!p1 s4, s12  }
0x29: {  	[tilespmem:s13], [sflag:$0x1] =	stream.strided.gather @!p1 [hbm4b:s12+s14], $0x2000, s15, s14, $0x38;
	[tilespmem:$0x8080] =	vst v63  }
0x2a: {  	p1 =	sge.u32 s31, s6  }
.Ltmp2:
0x2b: {  	_ = 	snop;
	(pc) =	sbr.rel @p1 .LBB1_5-.Ltmp2, $1  }
0x2c: {  	_ =	sdelay $0x3  }
0x2d: {  	s12 =	simm.s32 $0x1  }
0x2e: {  	_ =	swait.ge [sflag:s5], $0x2000;
	s12 =	simm.s32 @!p0 $0x0  }
0x2f: {  	[sflag:s5] =	ssyncset.done $0x0;
	s13 =	sshll.u32 s12, $0xD  }
0x30: {  	[sflag:s5] =	ssyncadd.s32 $0xFFFFE000;
	s16 =	sor.u32 $0x20, s13  }
0x31: {  	s12 =	smul.u32 $0x8100, s12;
	v3 =	vld [tilespmem:s16+$0x10]  }
0x32: {  	s30 =	sand.u32 $0x1, s10;
	v2 =	vld [tilespmem:s16+$0xFFFFFFF0]  }
0x33: {  	s13 =	smul.u32 $0x8100, s30;
	s12 =	sshrl.u32 s12, $0x2;
	v0 =	vld [tilespmem:s16+$0x0]  }
0x34: {  	v1 =	vld [tilespmem:s16+$0xFFFFFFE0];
	s14 =	sor.u32 $0x4000, s12  }
0x35: {  	s31 =	sshrl.u32 s13, $0x2;
	s13 =	sadd.s32 $0x0, s14  }
0x36: {  	s15 =	simm.s32 $0x4;
	s16 =	sadd.s32 $0x40, s16;
	s12 =	sor.u32 $0x4000, s31;
	[tilespmem:s13+$0x1830 ss:$0x81] =	vst.msk $0xffff, v3  }
.LBB1_3:
0x37: {  	v3 =	vld [tilespmem:s16+$0x10];
	p1 =	sne.s32 s15, $0x1FC;
	[tilespmem:s13+$0x810 ss:$0x81] =	vst.msk $0xffff, v2;
	s17 =	smov.u32 s15;
	s15 =	sadd.s32 $0x4, s15  }
.Ltmp3:
0x38: {  	v2 =	vld [tilespmem:s16+$0xFFFFFFF0];
	[tilespmem:s13+$0x1020 ss:$0x81] =	vst.msk $0xffff, v0;
	(pc) =	sbr.rel @p1 .LBB1_3-.Ltmp3, $4  }
0x39: {  	v0 =	vld [tilespmem:s16+$0x0];
	[tilespmem:s13+$0x0 ss:$0x81] =	vst.msk $0xffff, v1  }
0x3a: {  	s13 =	sshra.s32 s17, $0x2;
	v1 =	vld [tilespmem:s16+$0xFFFFFFE0]  }
0x3b: {  	s13 =	sadd.s32 s13, s14  }
0x3c: {  	s16 =	sadd.s32 $0x40, s16;
	[tilespmem:s13+$0x1830 ss:$0x81] =	vst.msk $0xffff, v3  }
.Ltmp4:
0x3d: {  	_ = 	snop;
	(pc) =	sbr.rel .LBB1_4-.Ltmp4, $1  }
0x3e: {  	_ =	sdelay $0x3  }
.LBB1_6:
0x3f: {  	_ =	sfence.sel $0x180000  }
0x40: {  	s2 =	simm.s32 $0x1;
	[bflag:$0x0] =	sbarrier.arrive $0xFFFF  }
0x41: {  	s31 =	simm.s32 $0x2;
	[sflag:s2] =	ssyncpa.u1 $0x1  }
0x42: {  	[sflag:s31] =	ssyncpa.u1 $0x1  }
0x43: {  	p0 =	sne.s32 s0, $0x0;
	_ =	strace $0x9000004A  }
0x44: {  	s0 =	sadd.s32 @!p0 $0x100000, s1;
	[bflag:$0x2] =	sbarrier.arrive $0xFFFF  }
0x45: {  	[sflag:s0] =	ssyncadd.tile.s32 @!p0 $0x1;
	_ =	shalt  }
.Lfunc_end1:
_tile_overlayer_lowered:
.L_overlay_start_2:
0x46: {  	(tag) =	ssettag $0x2  }
0x47: {  	s0 =	rddreg [dreg:$0x0];
	s2 =	stileid.u32  }
0x48: {  	s1 =	rddreg [dreg:$0x1];
	p0 =	sne.s32 s2, $0x0  }
0x49: {  	s3 =	rddreg [dreg:$0x2];
	[bflag:$0x3] =	sbarrier.arrive $0xFFFF;
	s2 =	simm.s32 @!p0 $0x1C01  }
0x4a: {  	[timem:s3], [sflag:s2] =	dma.local @!p0 [hbm:s0], s1  }
0x4b: {  	s0 =	simm.s32 @!p0 $0x1  }
0x4c: {  	_ =	swait.ge @!p0 [sflag:s0], s1  }
0x4d: {  	s1 =	ssub.s32 @!p0 $0x0, s1;
	[sflag:s0] =	ssyncset.done @!p0 $0x0  }
0x4e: {  	[sflag:s0] =	ssyncadd.s32 @!p0 s1  }
0x4f: {  	[bflag:$0x3] =	sbarrier.arrive $0xFFFF  }
0x50: {  	_ =	shalt  }

</sc_bundles>
